<compile_context>
chip_gen: v7x
topology: tpu7x:2x2x1
jax: 0.10.2.dev20260603
libtpu: 0.0.44.dev20260713+nightly
codegen_flags: <defaults>
</compile_context>

<pallas_src>
import functools

import jax
import jax.numpy as jnp
from jax import lax
from jax.experimental import pallas as pl
from jax.experimental.pallas import tpu as pltpu
from jax.experimental.pallas import tpu_sc as plsc

B = 8
L = 1024
K = 30
KP = 32
NUM_RBF = 16
MAX_REL = 32
EDGE_FEAT = 128
LP = L + 8
NC = 2
NS = 16
NW = NC * NS
ROWS_PER_W = (B * L) // NW
RG = 64
NCHUNK = L // 16
GF_C = 20

f32 = jnp.float32
i32 = jnp.int32

_PAIRS = ((0, 0), (2, 2), (0, 1), (0, 2), (1, 0), (1, 2), (2, 0), (2, 1))



def _norm3(x):
    n = jnp.sqrt(jnp.sum(x * x, axis=-1, keepdims=True))
    return x / jnp.maximum(n, 1e-12), n


def _cross(a, b):
    ax, ay, az = a[:, 0:1], a[:, 1:2], a[:, 2:3]
    bx, by, bz = b[:, 0:1], b[:, 1:2], b[:, 2:3]
    return jnp.concatenate(
        [ay * bz - az * by, az * bx - ax * bz, ax * by - ay * bx], axis=1)


def _prep_body(ca_ref, o_ref):
    ca = ca_ref[0]
    dx = ca[1:, :] - ca[:-1, :]
    dx = jnp.concatenate([dx, jnp.zeros((1, 3), f32)], axis=0)
    nrm = jnp.sqrt(jnp.sum(dx * dx, axis=-1, keepdims=True))
    m = ((nrm > 3.6) & (nrm < 4.0)).astype(f32)
    dxm = dx * m
    u = dxm / jnp.maximum(nrm * m, 1e-12)
    u2 = jnp.concatenate([jnp.zeros((1, 3), f32), u[:-1, :]], axis=0)
    u1 = u
    o1, _ = _norm3(u2 - u1)
    n2, _ = _norm3(_cross(u2, u1))
    r3 = _cross(o1, n2)
    it = lax.broadcasted_iota(i32, (L, 1), 0)
    valid = ((it >= 1) & (it <= L - 3)).astype(f32)
    o16 = jnp.concatenate([o1, n2, r3, jnp.zeros((L, 7), f32)], axis=1)
    o_ref[0] = o16 * valid


def _prep_call(Ca):
    return pl.pallas_call(
        _prep_body,
        grid=(B,),
        in_specs=[pl.BlockSpec((1, L, 3), lambda b: (b, 0, 0))],
        out_specs=pl.BlockSpec((1, L, 16), lambda b: (b, 0, 0)),
        out_shape=jax.ShapeDtypeStruct((B, L, 16), f32),
    )(Ca)



def _tie_lt(ka, va, kb, vb):
    return (ka < kb) | ((ka == kb) & (va < vb))


def _bitonic_split(ka, va, kb, vb):
    kr = lax.rev(kb, (0,))
    vr = lax.rev(vb, (0,))
    c = _tie_lt(ka, va, kr, vr)
    lo_k = jnp.where(c, ka, kr)
    lo_v = jnp.where(c, va, vr)
    hi_k = jnp.where(c, kr, ka)
    hi_v = jnp.where(c, vr, va)
    return lo_k, lo_v, hi_k, hi_v


def _sc_body(cdx, cdy, cdz, cpx, cpy, cpz, ot, ch,
             ei_out, gf_out,
             t_cdx, t_cdy, t_cdz, t_cpx, t_cpy, t_cpz, t_ot, t_ch,
             ei_buf, gf_buf):
    wid = lax.axis_index("c") * NS + lax.axis_index("s")
    b = wid // 4
    r0 = (wid % 4) * ROWS_PER_W

    pltpu.sync_copy(cdx.at[b], t_cdx)
    pltpu.sync_copy(cdy.at[b], t_cdy)
    pltpu.sync_copy(cdz.at[b], t_cdz)
    pltpu.sync_copy(cpx.at[b], t_cpx)
    pltpu.sync_copy(cpy.at[b], t_cpy)
    pltpu.sync_copy(cpz.at[b], t_cpz)
    pltpu.sync_copy(ot.at[b], t_ot)
    pltpu.sync_copy(ch.at[b], t_ch)

    iota16 = lax.iota(i32, 16)

    def row_fn(rr, i):
        qi = jnp.full((16,), i, dtype=i32)
        qx = plsc.load_gather(t_cdx, [qi])
        qy = plsc.load_gather(t_cdy, [qi])
        qz = plsc.load_gather(t_cdz, [qi])
        qc = [[plsc.load_gather(t, [qi + s]) for t in (t_cpx, t_cpy, t_cpz)]
              for s in range(3)]
        om = [plsc.load_gather(t_ot, [jnp.full((16,), c, dtype=i32), qi])
              for c in range(9)]
        chi = plsc.load_gather(t_ch, [qi])

        def dist_chunk(c):
            base = c * 16
            dx = t_cdx[pl.ds(base, 16)] - qx
            dy = t_cdy[pl.ds(base, 16)] - qy
            dz = t_cdz[pl.ds(base, 16)] - qz
            return dx * dx + dy * dy + dz * dz, iota16 + base

        d0, j0 = dist_chunk(0)
        k0, v0 = plsc.sort_key_val(d0, j0)
        d1, j1 = dist_chunk(1)
        k1, v1 = plsc.sort_key_val(d1, j1)
        lk, lv, hk, hv = _bitonic_split(k0, v0, k1, v1)
        kb0, vb0 = plsc.sort_key_val(lk, lv)
        kb1, vb1 = plsc.sort_key_val(hk, hv)

        def chunk_fn(c, carry):
            kb0, vb0, kb1, vb1, t1 = carry
            dA, jA = dist_chunk(2 * c)
            dB, jB = dist_chunk(2 * c + 1)
            mn = jnp.min(jnp.minimum(dA, dB))

            def merge(args):
                kb0, vb0, kb1, vb1, dA, jA, dB, jB = args
                kA, vA = plsc.sort_key_val(dA, jA)
                kB, vB = plsc.sort_key_val(dB, jB)
                lk, lv, hk, hv = _bitonic_split(kA, vA, kB, vB)
                n0k, n0v = plsc.sort_key_val(lk, lv)
                n1k, n1v = plsc.sort_key_val(hk, hv)
                r0k = lax.rev(n1k, (0,))
                r0v = lax.rev(n1v, (0,))
                r1k = lax.rev(n0k, (0,))
                r1v = lax.rev(n0v, (0,))
                c0 = _tie_lt(kb0, vb0, r0k, r0v)
                lo0k = jnp.where(c0, kb0, r0k)
                lo0v = jnp.where(c0, vb0, r0v)
                c1 = _tie_lt(kb1, vb1, r1k, r1v)
                lo1k = jnp.where(c1, kb1, r1k)
                lo1v = jnp.where(c1, vb1, r1v)
                cm = _tie_lt(lo0k, lo0v, lo1k, lo1v)
                m0k = jnp.where(cm, lo0k, lo1k)
                m0v = jnp.where(cm, lo0v, lo1v)
                m1k = jnp.where(cm, lo1k, lo0k)
                m1v = jnp.where(cm, lo1v, lo0v)
                nb0, nv0 = plsc.sort_key_val(m0k, m0v)
                nb1, nv1 = plsc.sort_key_val(m1k, m1v)
                return nb0, nv0, nb1, nv1, jnp.max(nb1)

            def skip(args):
                kb0, vb0, kb1, vb1, _, _, _, _ = args
                return kb0, vb0, kb1, vb1, t1

            carry = lax.cond(
                mn <= t1, merge, skip, (kb0, vb0, kb1, vb1, dA, jA, dB, jB))
            return carry

        kb0, vb0, kb1, vb1, _ = lax.fori_loop(
            1, NCHUNK // 2, chunk_fn,
            (kb0, vb0, kb1, vb1, jnp.max(kb1)))

        for h, (kk, vv) in enumerate(((kb0, vb0), (kb1, vb1))):
            col = pl.ds(h * 16, 16)
            ei_buf[rr, col] = vv
            gf_buf[0, rr, col] = kk
            nc = [[plsc.load_gather(t, [vv + s]) for t in (t_cpx, t_cpy, t_cpz)]
                  for s in range(3)]
            on = [plsc.load_gather(t_ot, [jnp.full((16,), c, dtype=i32), vv])
                  for c in range(9)]
            chj = plsc.load_gather(t_ch, [vv])
            for p, (a, bb) in enumerate(_PAIRS):
                dx = qc[a][0] - nc[bb][0]
                dy = qc[a][1] - nc[bb][1]
                dz = qc[a][2] - nc[bb][2]
                gf_buf[1 + p, rr, col] = dx * dx + dy * dy + dz * dz
            dvx = nc[1][0] - qc[1][0]
            dvy = nc[1][1] - qc[1][1]
            dvz = nc[1][2] - qc[1][2]
            for r in range(3):
                gf_buf[9 + r, rr, col] = (om[3 * r + 0] * dvx
                                          + om[3 * r + 1] * dvy
                                          + om[3 * r + 2] * dvz)

            def R(r, c):
                return (om[0 + r] * on[0 + c] + om[3 + r] * on[3 + c]
                        + om[6 + r] * on[6 + c])

            gf_buf[12, rr, col] = R(2, 1) - R(1, 2)
            gf_buf[13, rr, col] = R(0, 2) - R(2, 0)
            gf_buf[14, rr, col] = R(1, 0) - R(0, 1)
            rxx, ryy, rzz = R(0, 0), R(1, 1), R(2, 2)
            gf_buf[15, rr, col] = 1.0 + rxx - ryy - rzz
            gf_buf[16, rr, col] = 1.0 - rxx + ryy - rzz
            gf_buf[17, rr, col] = 1.0 - rxx - ryy + rzz
            gf_buf[18, rr, col] = 1.0 + rxx + ryy + rzz
            di = jnp.clip(qi - vv + MAX_REL, 0, 2 * MAX_REL)
            dsel = jnp.where(chj == chi, di, 2 * MAX_REL + 1)
            gf_buf[19, rr, col] = dsel.astype(f32)
        return ()

    def group_fn(g, _):
        rg0 = r0 + g * RG

        def body(rr, _):
            row_fn(rr, rg0 + rr)
            return ()

        lax.fori_loop(0, RG, body, ())
        pltpu.sync_copy(ei_buf, ei_out.at[b, pl.ds(rg0, RG)])
        for c in range(GF_C):
            pltpu.sync_copy(gf_buf.at[c], gf_out.at[c, b, pl.ds(rg0, RG)])
        return ()

    lax.fori_loop(0, ROWS_PER_W // RG, group_fn, ())


def _sc_knn_call(cdx, cdy, cdz, cpx, cpy, cpz, otT, chf):
    mesh = plsc.VectorSubcoreMesh(core_axis_name="c", subcore_axis_name="s")
    run = pl.kernel(
        _sc_body,
        out_type=(
            jax.ShapeDtypeStruct((B, L, KP), i32),
            jax.ShapeDtypeStruct((GF_C, B, L, KP), f32),
        ),
        mesh=mesh,
        compiler_params=pltpu.CompilerParams(needs_layout_passes=False,
                                             use_tc_tiling_on_sc=False),
        scratch_types=(
            pltpu.VMEM((L,), f32), pltpu.VMEM((L,), f32), pltpu.VMEM((L,), f32),
            pltpu.VMEM((LP,), f32), pltpu.VMEM((LP,), f32), pltpu.VMEM((LP,), f32),
            pltpu.VMEM((9, L), f32), pltpu.VMEM((L,), f32),
            pltpu.VMEM((RG, KP), i32), pltpu.VMEM((GF_C, RG, KP), f32),
        ),
    )
    return run(cdx, cdy, cdz, cpx, cpy, cpz, otT, chf)



BI = 256
E4 = BI * KP
NB = (B * L) // BI


def _features_body(gf_ref, wpe_ref, wmid_ref, wof_ref, lnp_ref, out_ref):
    gfa = gf_ref[...]

    d = gfa[19:20, :]
    ohT = (lax.broadcasted_iota(i32, (66, E4), 0).astype(f32) == d)
    acc = lax.dot_general(ohT.astype(f32), wpe_ref[...],
                          (((0,), (0,)), ((), ())),
                          preferred_element_type=f32)

    pidx = lax.broadcasted_iota(i32, (9, 144), 0)
    fidx = lax.broadcasted_iota(i32, (9, 144), 1)
    Sm = (pidx == (fidx >> 4)).astype(f32)
    d144 = lax.dot_general(Sm, gfa[0:9, :], (((0,), (0,)), ((), ())),
                           preferred_element_type=f32)
    mrow = lax.broadcasted_iota(i32, (144, 1), 0)
    mu = 2.0 + (mrow & 15).astype(f32) * (20.0 / 15.0)
    z = (jnp.sqrt(d144 + 1e-6) - mu) * (1.0 / 1.25)
    rbfT = jnp.exp(-(z * z))
    acc = acc + lax.dot_general(rbfT, wmid_ref[...], (((0,), (0,)), ((), ())),
                                preferred_element_type=f32)

    dur = gfa[9:12, :]
    dun = jnp.sqrt(jnp.sum(dur * dur, axis=0, keepdims=True))
    duN = dur / jnp.maximum(dun, 1e-12)
    sg = jnp.sign(gfa[12:15, :])
    m3 = 0.5 * jnp.sqrt(jnp.abs(gfa[15:18, :]))
    q3 = sg * m3
    w = 0.5 * jnp.sqrt(jax.nn.relu(gfa[18:19, :]))
    qc = jnp.concatenate([q3, w], axis=0)
    qn = jnp.maximum(jnp.sqrt(jnp.sum(qc * qc, axis=0, keepdims=True)), 1e-12)
    of8 = jnp.concatenate([duN, qc / qn, jnp.zeros((1, E4), f32)], axis=0)
    acc = acc + lax.dot_general(of8, wof_ref[...], (((0,), (0,)), ((), ())),
                                preferred_element_type=f32)

    acc = acc + lnp_ref[2:3, :]
    mu_r = jnp.mean(acc, axis=-1, keepdims=True)
    cen = acc - mu_r
    var = jnp.mean(cen * cen, axis=-1, keepdims=True)
    y = cen / jnp.sqrt(var + 1e-5) * lnp_ref[0:1, :] + lnp_ref[1:2, :]
    out_ref[...] = y


def _features_call(gfe, Wpe, Wmid, Wof, lnp):
    return pl.pallas_call(
        _features_body,
        grid=(NB,),
        in_specs=[
            pl.BlockSpec((GF_C, E4), lambda g: (0, g)),
            pl.BlockSpec((66, EDGE_FEAT), lambda g: (0, 0)),
            pl.BlockSpec((144, EDGE_FEAT), lambda g: (0, 0)),
            pl.BlockSpec((8, EDGE_FEAT), lambda g: (0, 0)),
            pl.BlockSpec((8, EDGE_FEAT), lambda g: (0, 0)),
        ],
        out_specs=pl.BlockSpec((E4, EDGE_FEAT), lambda g: (g, 0)),
        out_shape=jax.ShapeDtypeStruct((B * L * KP, EDGE_FEAT), f32),
    )(gfe, Wpe, Wmid, Wof, lnp)



def kernel(Ca, mask, residue_idx, chain_labels, W_pos, b_pos, W_edge,
           ln_g, ln_b):
    Ca = Ca.astype(f32)
    Otab = _prep_call(Ca)

    caT = jnp.transpose(Ca, (0, 2, 1))
    cdx, cdy, cdz = caT[:, 0], caT[:, 1], caT[:, 2]
    cap = jnp.concatenate(
        [jnp.zeros((B, 1, 3), f32), Ca, jnp.zeros((B, LP - L - 1, 3), f32)],
        axis=1)
    capT = jnp.transpose(cap, (0, 2, 1))
    cpx, cpy, cpz = capT[:, 0], capT[:, 1], capT[:, 2]
    otT = jnp.transpose(Otab[:, :, :9], (0, 2, 1))
    chf = chain_labels.astype(f32)

    EI, GF = _sc_knn_call(cdx, cdy, cdz, cpx, cpy, cpz, otT, chf)
    gfe = GF.reshape(GF_C, B * L * KP)

    W1 = W_edge[0:16, :]
    Wpe = W_pos @ W1
    bias_full = b_pos @ W1
    Wmid = W_edge[16:160, :]
    Wof = jnp.concatenate([W_edge[160:167, :], jnp.zeros((1, EDGE_FEAT), f32)],
                          axis=0)
    lnp = jnp.stack([ln_g, ln_b, bias_full,
                     jnp.zeros((EDGE_FEAT,), f32), jnp.zeros((EDGE_FEAT,), f32),
                     jnp.zeros((EDGE_FEAT,), f32), jnp.zeros((EDGE_FEAT,), f32),
                     jnp.zeros((EDGE_FEAT,), f32)], axis=0)

    Ee = _features_call(gfe, Wpe, Wmid, Wof, lnp)
    E = Ee.reshape(B, L, KP, EDGE_FEAT)[:, :, :K, :]
    E_idx = EI[:, :, :K]
    return E, E_idx

# --- scband reference (transcript-rebuilt; emitter-appended) ---
"""Pipeline reference for scband-protein-mpnn-19146964206157 (READ-ONLY COPY).

The authoritative reference and input builder live on the scoring server;
editing this copy changes nothing except your own understanding.
"""

import jax, jax.numpy as jnp
import numpy as np

TOP_K = 30
NUM_RBF = 16
MAX_REL = 32
NUM_POS = 16
EDGE_FEAT = 128
EDGE_IN = NUM_POS + NUM_RBF * 9 + 7  # 167


def normalize(x, axis=-1):
    return x / jnp.maximum(jnp.linalg.norm(x, axis=axis, keepdims=True), 1e-12)


def gather_edges(edges, idx):
    B, L, K = idx.shape
    C = edges.shape[-1]
    idx_e = jnp.broadcast_to(idx[..., None], (B, L, K, C))
    return jnp.take_along_axis(edges, idx_e, axis=2)


def gather_nodes(nodes, idx):
    B, L, K = idx.shape
    C = nodes.shape[-1]
    flat = jnp.broadcast_to(idx.reshape(B, L * K)[..., None], (B, L * K, C))
    out = jnp.take_along_axis(nodes, flat, axis=1)
    return out.reshape(B, L, K, C)


def quaternions(R):
    diag = jnp.diagonal(R, axis1=-2, axis2=-1)
    Rxx, Ryy, Rzz = diag[..., 0], diag[..., 1], diag[..., 2]
    magnitudes = 0.5 * jnp.sqrt(jnp.abs(1 + jnp.stack([Rxx - Ryy - Rzz, -Rxx + Ryy - Rzz, -Rxx - Ryy + Rzz], -1)))
    signs = jnp.sign(jnp.stack([R[..., 2, 1] - R[..., 1, 2], R[..., 0, 2] - R[..., 2, 0], R[..., 1, 0] - R[..., 0, 1]], -1))
    xyz = signs * magnitudes
    w = jnp.sqrt(jax.nn.relu(1 + jnp.sum(diag, -1, keepdims=True))) / 2.0
    Q = jnp.concatenate([xyz, w], -1)
    return normalize(Q)


def rbf(D):
    D_mu = jnp.linspace(2.0, 22.0, NUM_RBF).reshape(1, 1, 1, -1)
    D_sigma = (22.0 - 2.0) / NUM_RBF
    return jnp.exp(-((D[..., None] - D_mu) / D_sigma) ** 2)


def get_rbf(A, Bm, E_idx):
    D = jnp.sqrt(jnp.sum((A[:, :, None, :] - Bm[:, None, :, :]) ** 2, -1) + 1e-6)
    Dn = gather_edges(D[..., None], E_idx)[..., 0]
    return rbf(Dn)


def dist_fn(X, mask):
    mask_2D = mask[:, None, :] * mask[:, :, None]
    dX = X[:, None, :, :] - X[:, :, None, :]
    D = mask_2D * jnp.sqrt(jnp.sum(dX ** 2, 3) + 1e-6)
    D_max = jnp.max(D, -1, keepdims=True)
    D_adjust = D + (1.0 - mask_2D) * D_max
    k = int(np.minimum(TOP_K, X.shape[1]))
    neg_vals, E_idx = jax.lax.top_k(-D_adjust, k)
    return -neg_vals, E_idx


def orientations_coarse(X, E_idx, eps=1e-6):
    dX = X[:, 1:, :] - X[:, :-1, :]
    dX_norm = jnp.linalg.norm(dX, axis=-1)
    dX_mask = ((3.6 < dX_norm) & (dX_norm < 4.0)).astype(X.dtype)
    dX = dX * dX_mask[:, :, None]
    U = normalize(dX)
    u_2 = U[:, :-2, :]
    u_1 = U[:, 1:-1, :]
    u_0 = U[:, 2:, :]
    n_2 = normalize(jnp.cross(u_2, u_1))
    n_1 = normalize(jnp.cross(u_1, u_0))
    cosA = -jnp.sum(u_1 * u_0, -1)
    cosA = jnp.clip(cosA, -1 + eps, 1 - eps)
    A = jnp.arccos(cosA)
    cosD = jnp.sum(n_2 * n_1, -1)
    cosD = jnp.clip(cosD, -1 + eps, 1 - eps)
    D = jnp.sign(jnp.sum(u_2 * n_1, -1)) * jnp.arccos(cosD)
    AD = jnp.stack([jnp.cos(A), jnp.sin(A) * jnp.cos(D), jnp.sin(A) * jnp.sin(D)], 2)
    AD = jnp.pad(AD, ((0, 0), (1, 2), (0, 0)))
    o_1 = normalize(u_2 - u_1)
    O = jnp.stack([o_1, n_2, jnp.cross(o_1, n_2)], 2)
    O = O.reshape(O.shape[0], O.shape[1], 9)
    O = jnp.pad(O, ((0, 0), (1, 2), (0, 0)))
    O_neighbors = gather_nodes(O, E_idx)
    X_neighbors = gather_nodes(X, E_idx)
    Om = O.reshape(O.shape[0], O.shape[1], 3, 3)
    On = O_neighbors.reshape(O_neighbors.shape[0], O_neighbors.shape[1], O_neighbors.shape[2], 3, 3)
    dXn = X_neighbors - X[:, :, None, :]
    dU = jnp.matmul(Om[:, :, None], dXn[..., None])[..., 0]
    dU = normalize(dU)
    R = jnp.matmul(jnp.swapaxes(Om[:, :, None], -1, -2), On)
    Q = quaternions(R)
    return AD, jnp.concatenate([dU, Q], -1)


def setup_inputs(seed: int = 0) -> dict:
    key = jax.random.key(seed)
    ks = jax.random.split(key, 8)
    B, L = 8, 1024
    Ca = jax.random.normal(ks[0], (B, L, 3), dtype=jnp.float32)
    mask = jnp.ones((B, L), dtype=jnp.float32)
    residue_idx = jnp.arange(B * L, dtype=jnp.int32).reshape(B, L)
    chain_labels = jax.random.randint(ks[1], (B, L), 0, 2, dtype=jnp.int32)
    W_pos = jax.random.normal(ks[2], (2 * MAX_REL + 2, NUM_POS), dtype=jnp.float32) * 0.05
    b_pos = jnp.zeros((NUM_POS,), dtype=jnp.float32)
    W_edge = jax.random.normal(ks[3], (EDGE_IN, EDGE_FEAT), dtype=jnp.float32) * 0.05
    ln_g = jnp.ones((EDGE_FEAT,), dtype=jnp.float32)
    ln_b = jnp.zeros((EDGE_FEAT,), dtype=jnp.float32)
    return {"Ca": Ca, "mask": mask, "residue_idx": residue_idx, "chain_labels": chain_labels,
            "W_pos": W_pos, "b_pos": b_pos, "W_edge": W_edge, "ln_g": ln_g, "ln_b": ln_b}


def reference(Ca, mask, residue_idx, chain_labels, W_pos, b_pos, W_edge, ln_g, ln_b):
    D_neighbors, E_idx = dist_fn(Ca, mask)
    Ca_0 = jnp.pad(Ca[:, :-1, :], ((0, 0), (1, 0), (0, 0)))
    Ca_1 = Ca
    Ca_2 = jnp.pad(Ca[:, 1:, :], ((0, 0), (0, 1), (0, 0)))
    V, O_features = orientations_coarse(Ca, E_idx)
    RBF_all = jnp.concatenate([
        rbf(D_neighbors),
        get_rbf(Ca_0, Ca_0, E_idx),
        get_rbf(Ca_2, Ca_2, E_idx),
        get_rbf(Ca_0, Ca_1, E_idx),
        get_rbf(Ca_0, Ca_2, E_idx),
        get_rbf(Ca_1, Ca_0, E_idx),
        get_rbf(Ca_1, Ca_2, E_idx),
        get_rbf(Ca_2, Ca_0, E_idx),
        get_rbf(Ca_2, Ca_1, E_idx),
    ], -1)
    offset = residue_idx[:, :, None] - residue_idx[:, None, :]
    offset = gather_edges(offset[..., None], E_idx)[..., 0]
    d_chains = (chain_labels[:, :, None] - chain_labels[:, None, :] == 0).astype(jnp.int32)
    E_chains = gather_edges(d_chains[..., None], E_idx)[..., 0]
    d = jnp.clip(offset + MAX_REL, 0, 2 * MAX_REL) * E_chains + (1 - E_chains) * (2 * MAX_REL + 1)
    d_onehot = jax.nn.one_hot(d, 2 * MAX_REL + 2, dtype=jnp.float32)
    E_positional = d_onehot @ W_pos + b_pos
    E = jnp.concatenate([E_positional, RBF_all, O_features], -1)
    E = E @ W_edge
    mu = jnp.mean(E, -1, keepdims=True)
    var = jnp.var(E, -1, keepdims=True)
    E = (E - mu) / jnp.sqrt(var + 1e-5) * ln_g + ln_b
    return E, E_idx

if __name__ == "__main__":
    import jax
    _d = setup_inputs()
    print(jax.jit(kernel)(*tuple(_d.values())))

</pallas_src>

<mosaic_0001>
#map = affine_map<(d0, d1) -> (0, 0)>
#map1 = affine_map<(d0, d1) -> (0, 0, 0)>
#map2 = affine_map<(d0, d1) -> (0, 0, 0, 0)>
module attributes {stable_mosaic.version = 14 : i64} {
  func.func @_sc_body(%arg0: i32, %arg1: i32, %arg2: memref<8x1024xf32, #tpu.memory_space<hbm>>, %arg3: memref<8x1024xf32, #tpu.memory_space<hbm>>, %arg4: memref<8x1024xf32, #tpu.memory_space<hbm>>, %arg5: memref<8x1032xf32, #tpu.memory_space<hbm>>, %arg6: memref<8x1032xf32, #tpu.memory_space<hbm>>, %arg7: memref<8x1032xf32, #tpu.memory_space<hbm>>, %arg8: memref<8x9x1024xf32, #tpu.memory_space<hbm>>, %arg9: memref<8x1024xf32, #tpu.memory_space<hbm>>, %arg10: memref<8x1024x32xi32, #tpu.memory_space<hbm>>, %arg11: memref<20x8x1024x32xf32, #tpu.memory_space<hbm>>, %arg12: memref<1024xf32, #tpu.memory_space<vmem>>, %arg13: memref<1024xf32, #tpu.memory_space<vmem>>, %arg14: memref<1024xf32, #tpu.memory_space<vmem>>, %arg15: memref<1032xf32, #tpu.memory_space<vmem>>, %arg16: memref<1032xf32, #tpu.memory_space<vmem>>, %arg17: memref<1032xf32, #tpu.memory_space<vmem>>, %arg18: memref<9x1024xf32, #tpu.memory_space<vmem>>, %arg19: memref<1024xf32, #tpu.memory_space<vmem>>, %arg20: memref<64x32xi32, #tpu.memory_space<vmem>>, %arg21: memref<20x64x32xf32, #tpu.memory_space<vmem>>) attributes {dimension_semantics = [#tpu.dimension_semantics<core_parallel>, #tpu.dimension_semantics<subcore_parallel>], iteration_bounds = array<i64: 2, 16>, scalar_prefetch = 0 : i64, scratch_operands = 10 : i64, tpu.core_type = #tpu.core_type<sc_vector_subcore>, window_params = [{transform_indices = #map}, {transform_indices = #map}, {transform_indices = #map}, {transform_indices = #map}, {transform_indices = #map}, {transform_indices = #map}, {transform_indices = #map1}, {transform_indices = #map}, {transform_indices = #map1}, {transform_indices = #map2}]} {
    %mul3A = arith.constant 16 : i32
    %mul3A_0 = arith.muli %arg0, %mul3A : i32
    %add3A = arith.addi %mul3A_0, %arg1 : i32
    %jit3A = arith.constant 4 : i32
    %div3A = arith.divsi %add3A, %jit3A : i32
    %sign3A = arith.constant 0 : i32
    %sign3A_1 = arith.cmpi sgt, %add3A, %sign3A : i32
    %sign3A_2 = arith.extui %sign3A_1 : i1 to i32
    %sign3A_3 = arith.constant 0 : i32
    %sign3A_4 = arith.cmpi slt, %add3A, %sign3A_3 : i32
    %sign3A_5 = arith.extui %sign3A_4 : i1 to i32
    %sign3A_6 = arith.subi %sign3A_2, %sign3A_5 : i32
    %sign3A_7 = arith.constant 0 : i32
    %sign3A_8 = arith.cmpi sgt, %jit3A, %sign3A_7 : i32
    %sign3A_9 = arith.extui %sign3A_8 : i1 to i32
    %sign3A_10 = arith.constant 0 : i32
    %sign3A_11 = arith.cmpi slt, %jit3A, %sign3A_10 : i32
    %sign3A_12 = arith.extui %sign3A_11 : i1 to i32
    %sign3A_13 = arith.subi %sign3A_9, %sign3A_12 : i32
    %ne3A = arith.cmpi ne, %sign3A_6, %sign3A_13 : i32
    %rem3A = arith.remsi %add3A, %jit3A : i32
    %ne3A_14 = arith.constant 0 : i32
    %ne3A_15 = arith.cmpi ne, %rem3A, %ne3A_14 : i32
    %and3A = arith.andi %ne3A, %ne3A_15 : i1
    %sub3A = arith.constant 1 : i32
    %sub3A_16 = arith.subi %div3A, %sub3A : i32
    %select_n3A = arith.select %and3A, %sub3A_16, %div3A : i32
    %jit3A_17 = arith.constant 4 : i32
    %eq3A = arith.constant 0 : i32
    %eq3A_18 = arith.cmpi eq, %jit3A_17, %eq3A : i32
    %jit3A_19 = arith.constant 1 : i32
    %select_n3A_20 = arith.select %eq3A_18, %jit3A_19, %jit3A_17 : i32
    %rem3A_21 = arith.remsi %add3A, %select_n3A_20 : i32
    %ne3A_22 = arith.constant 0 : i32
    %ne3A_23 = arith.cmpi ne, %rem3A_21, %ne3A_22 : i32
    %lt3A = arith.constant 0 : i32
    %lt3A_24 = arith.cmpi slt, %rem3A_21, %lt3A : i32
    %lt3A_25 = arith.constant 0 : i32
    %lt3A_26 = arith.cmpi slt, %select_n3A_20, %lt3A_25 : i32
    %ne3A_27 = arith.xori %lt3A_24, %lt3A_26 : i1
    %and3A_28 = arith.andi %ne3A_27, %ne3A_23 : i1
    %add3A_29 = arith.addi %rem3A_21, %select_n3A_20 : i32
    %select_n3A_30 = arith.select %and3A_28, %add3A_29, %rem3A_21 : i32
    %mul3A_31 = arith.constant 256 : i32
    %mul3A_32 = arith.muli %select_n3A_30, %mul3A_31 : i32
    "tpu.region"() ({
      %run_scoped3A = tpu.sem_alloc : memref<!tpu.dma_semaphore, #tpu.memory_space<semaphore_mem>>
      %dma_start3A = arith.constant 0 : i32
      %dma_start3A_37 = tpu.memref_slice %arg2[%select_n3A, %dma_start3A] : memref<8x1024xf32, #tpu.memory_space<hbm>> -> memref<1x1024xf32, #tpu.memory_space<hbm>>
      %dma_start3A_38 = tpu.memref_squeeze %dma_start3A_37 : memref<1x1024xf32, #tpu.memory_space<hbm>> -> memref<1024xf32, #tpu.memory_space<hbm>>
      %dma_start3A_39 = arith.constant 0 : i32
      %dma_start3A_40 = tpu.memref_slice %arg2[%select_n3A, %dma_start3A_39] : memref<8x1024xf32, #tpu.memory_space<hbm>> -> memref<1x1024xf32, #tpu.memory_space<hbm>>
      %dma_start3A_41 = tpu.memref_squeeze %dma_start3A_40 : memref<1x1024xf32, #tpu.memory_space<hbm>> -> memref<1024xf32, #tpu.memory_space<hbm>>
      tpu.enqueue_dma source(%dma_start3A_41 : memref<1024xf32, #tpu.memory_space<hbm>>) target(%arg12 : memref<1024xf32, #tpu.memory_space<vmem>>) target_semaphore(%run_scoped3A : memref<!tpu.dma_semaphore, #tpu.memory_space<semaphore_mem>>)
      %dma_wait3A = arith.constant 0 : i32
      %dma_wait3A_42 = tpu.memref_slice %arg2[%select_n3A, %dma_wait3A] : memref<8x1024xf32, #tpu.memory_space<hbm>> -> memref<1x1024xf32, #tpu.memory_space<hbm>>
      %dma_wait3A_43 = tpu.memref_squeeze %dma_wait3A_42 : memref<1x1024xf32, #tpu.memory_space<hbm>> -> memref<1024xf32, #tpu.memory_space<hbm>>
      %dma_wait3A_44 = arith.constant 0 : i32
      %dma_wait3A_45 = tpu.memref_slice %arg2[%select_n3A, %dma_wait3A_44] : memref<8x1024xf32, #tpu.memory_space<hbm>> -> memref<1x1024xf32, #tpu.memory_space<hbm>>
      %dma_wait3A_46 = tpu.memref_squeeze %dma_wait3A_45 : memref<1x1024xf32, #tpu.memory_space<hbm>> -> memref<1024xf32, #tpu.memory_space<hbm>>
      tpu.wait_dma2 semaphore(%run_scoped3A : memref<!tpu.dma_semaphore, #tpu.memory_space<semaphore_mem>>) src(%dma_wait3A_46 : memref<1024xf32, #tpu.memory_space<hbm>>) dst(%arg12 : memref<1024xf32, #tpu.memory_space<vmem>>)
      tpu.yield
    }) : () -> ()
    "tpu.region"() ({
      %run_scoped3A = tpu.sem_alloc : memref<!tpu.dma_semaphore, #tpu.memory_space<semaphore_mem>>
      %dma_start3A = arith.constant 0 : i32
      %dma_start3A_37 = tpu.memref_slice %arg3[%select_n3A, %dma_start3A] : memref<8x1024xf32, #tpu.memory_space<hbm>> -> memref<1x1024xf32, #tpu.memory_space<hbm>>
      %dma_start3A_38 = tpu.memref_squeeze %dma_start3A_37 : memref<1x1024xf32, #tpu.memory_space<hbm>> -> memref<1024xf32, #tpu.memory_space<hbm>>
      %dma_start3A_39 = arith.constant 0 : i32
      %dma_start3A_40 = tpu.memref_slice %arg3[%select_n3A, %dma_start3A_39] : memref<8x1024xf32, #tpu.memory_space<hbm>> -> memref<1x1024xf32, #tpu.memory_space<hbm>>
      %dma_start3A_41 = tpu.memref_squeeze %dma_start3A_40 : memref<1x1024xf32, #tpu.memory_space<hbm>> -> memref<1024xf32, #tpu.memory_space<hbm>>
      tpu.enqueue_dma source(%dma_start3A_41 : memref<1024xf32, #tpu.memory_space<hbm>>) target(%arg13 : memref<1024xf32, #tpu.memory_space<vmem>>) target_semaphore(%run_scoped3A : memref<!tpu.dma_semaphore, #tpu.memory_space<semaphore_mem>>)
      %dma_wait3A = arith.constant 0 : i32
      %dma_wait3A_42 = tpu.memref_slice %arg3[%select_n3A, %dma_wait3A] : memref<8x1024xf32, #tpu.memory_space<hbm>> -> memref<1x1024xf32, #tpu.memory_space<hbm>>
      %dma_wait3A_43 = tpu.memref_squeeze %dma_wait3A_42 : memref<1x1024xf32, #tpu.memory_space<hbm>> -> memref<1024xf32, #tpu.memory_space<hbm>>
      %dma_wait3A_44 = arith.constant 0 : i32
      %dma_wait3A_45 = tpu.memref_slice %arg3[%select_n3A, %dma_wait3A_44] : memref<8x1024xf32, #tpu.memory_space<hbm>> -> memref<1x1024xf32, #tpu.memory_space<hbm>>
      %dma_wait3A_46 = tpu.memref_squeeze %dma_wait3A_45 : memref<1x1024xf32, #tpu.memory_space<hbm>> -> memref<1024xf32, #tpu.memory_space<hbm>>
      tpu.wait_dma2 semaphore(%run_scoped3A : memref<!tpu.dma_semaphore, #tpu.memory_space<semaphore_mem>>) src(%dma_wait3A_46 : memref<1024xf32, #tpu.memory_space<hbm>>) dst(%arg13 : memref<1024xf32, #tpu.memory_space<vmem>>)
      tpu.yield
    }) : () -> ()
    "tpu.region"() ({
      %run_scoped3A = tpu.sem_alloc : memref<!tpu.dma_semaphore, #tpu.memory_space<semaphore_mem>>
      %dma_start3A = arith.constant 0 : i32
      %dma_start3A_37 = tpu.memref_slice %arg4[%select_n3A, %dma_start3A] : memref<8x1024xf32, #tpu.memory_space<hbm>> -> memref<1x1024xf32, #tpu.memory_space<hbm>>
      %dma_start3A_38 = tpu.memref_squeeze %dma_start3A_37 : memref<1x1024xf32, #tpu.memory_space<hbm>> -> memref<1024xf32, #tpu.memory_space<hbm>>
      %dma_start3A_39 = arith.constant 0 : i32
      %dma_start3A_40 = tpu.memref_slice %arg4[%select_n3A, %dma_start3A_39] : memref<8x1024xf32, #tpu.memory_space<hbm>> -> memref<1x1024xf32, #tpu.memory_space<hbm>>
      %dma_start3A_41 = tpu.memref_squeeze %dma_start3A_40 : memref<1x1024xf32, #tpu.memory_space<hbm>> -> memref<1024xf32, #tpu.memory_space<hbm>>
      tpu.enqueue_dma source(%dma_start3A_41 : memref<1024xf32, #tpu.memory_space<hbm>>) target(%arg14 : memref<1024xf32, #tpu.memory_space<vmem>>) target_semaphore(%run_scoped3A : memref<!tpu.dma_semaphore, #tpu.memory_space<semaphore_mem>>)
      %dma_wait3A = arith.constant 0 : i32
      %dma_wait3A_42 = tpu.memref_slice %arg4[%select_n3A, %dma_wait3A] : memref<8x1024xf32, #tpu.memory_space<hbm>> -> memref<1x1024xf32, #tpu.memory_space<hbm>>
      %dma_wait3A_43 = tpu.memref_squeeze %dma_wait3A_42 : memref<1x1024xf32, #tpu.memory_space<hbm>> -> memref<1024xf32, #tpu.memory_space<hbm>>
      %dma_wait3A_44 = arith.constant 0 : i32
      %dma_wait3A_45 = tpu.memref_slice %arg4[%select_n3A, %dma_wait3A_44] : memref<8x1024xf32, #tpu.memory_space<hbm>> -> memref<1x1024xf32, #tpu.memory_space<hbm>>
      %dma_wait3A_46 = tpu.memref_squeeze %dma_wait3A_45 : memref<1x1024xf32, #tpu.memory_space<hbm>> -> memref<1024xf32, #tpu.memory_space<hbm>>
      tpu.wait_dma2 semaphore(%run_scoped3A : memref<!tpu.dma_semaphore, #tpu.memory_space<semaphore_mem>>) src(%dma_wait3A_46 : memref<1024xf32, #tpu.memory_space<hbm>>) dst(%arg14 : memref<1024xf32, #tpu.memory_space<vmem>>)
      tpu.yield
    }) : () -> ()
    "tpu.region"() ({
      %run_scoped3A = tpu.sem_alloc : memref<!tpu.dma_semaphore, #tpu.memory_space<semaphore_mem>>
      %dma_start3A = arith.constant 0 : i32
      %dma_start3A_37 = tpu.memref_slice %arg5[%select_n3A, %dma_start3A] : memref<8x1032xf32, #tpu.memory_space<hbm>> -> memref<1x1032xf32, #tpu.memory_space<hbm>>
      %dma_start3A_38 = tpu.memref_squeeze %dma_start3A_37 : memref<1x1032xf32, #tpu.memory_space<hbm>> -> memref<1032xf32, #tpu.memory_space<hbm>>
      %dma_start3A_39 = arith.constant 0 : i32
      %dma_start3A_40 = tpu.memref_slice %arg5[%select_n3A, %dma_start3A_39] : memref<8x1032xf32, #tpu.memory_space<hbm>> -> memref<1x1032xf32, #tpu.memory_space<hbm>>
      %dma_start3A_41 = tpu.memref_squeeze %dma_start3A_40 : memref<1x1032xf32, #tpu.memory_space<hbm>> -> memref<1032xf32, #tpu.memory_space<hbm>>
      tpu.enqueue_dma source(%dma_start3A_41 : memref<1032xf32, #tpu.memory_space<hbm>>) target(%arg15 : memref<1032xf32, #tpu.memory_space<vmem>>) target_semaphore(%run_scoped3A : memref<!tpu.dma_semaphore, #tpu.memory_space<semaphore_mem>>)
      %dma_wait3A = arith.constant 0 : i32
      %dma_wait3A_42 = tpu.memref_slice %arg5[%select_n3A, %dma_wait3A] : memref<8x1032xf32, #tpu.memory_space<hbm>> -> memref<1x1032xf32, #tpu.memory_space<hbm>>
      %dma_wait3A_43 = tpu.memref_squeeze %dma_wait3A_42 : memref<1x1032xf32, #tpu.memory_space<hbm>> -> memref<1032xf32, #tpu.memory_space<hbm>>
      %dma_wait3A_44 = arith.constant 0 : i32
      %dma_wait3A_45 = tpu.memref_slice %arg5[%select_n3A, %dma_wait3A_44] : memref<8x1032xf32, #tpu.memory_space<hbm>> -> memref<1x1032xf32, #tpu.memory_space<hbm>>
      %dma_wait3A_46 = tpu.memref_squeeze %dma_wait3A_45 : memref<1x1032xf32, #tpu.memory_space<hbm>> -> memref<1032xf32, #tpu.memory_space<hbm>>
      tpu.wait_dma2 semaphore(%run_scoped3A : memref<!tpu.dma_semaphore, #tpu.memory_space<semaphore_mem>>) src(%dma_wait3A_46 : memref<1032xf32, #tpu.memory_space<hbm>>) dst(%arg15 : memref<1032xf32, #tpu.memory_space<vmem>>)
      tpu.yield
    }) : () -> ()
    "tpu.region"() ({
      %run_scoped3A = tpu.sem_alloc : memref<!tpu.dma_semaphore, #tpu.memory_space<semaphore_mem>>
      %dma_start3A = arith.constant 0 : i32
      %dma_start3A_37 = tpu.memref_slice %arg6[%select_n3A, %dma_start3A] : memref<8x1032xf32, #tpu.memory_space<hbm>> -> memref<1x1032xf32, #tpu.memory_space<hbm>>
      %dma_start3A_38 = tpu.memref_squeeze %dma_start3A_37 : memref<1x1032xf32, #tpu.memory_space<hbm>> -> memref<1032xf32, #tpu.memory_space<hbm>>
      %dma_start3A_39 = arith.constant 0 : i32
      %dma_start3A_40 = tpu.memref_slice %arg6[%select_n3A, %dma_start3A_39] : memref<8x1032xf32, #tpu.memory_space<hbm>> -> memref<1x1032xf32, #tpu.memory_space<hbm>>
      %dma_start3A_41 = tpu.memref_squeeze %dma_start3A_40 : memref<1x1032xf32, #tpu.memory_space<hbm>> -> memref<1032xf32, #tpu.memory_space<hbm>>
      tpu.enqueue_dma source(%dma_start3A_41 : memref<1032xf32, #tpu.memory_space<hbm>>) target(%arg16 : memref<1032xf32, #tpu.memory_space<vmem>>) target_semaphore(%run_scoped3A : memref<!tpu.dma_semaphore, #tpu.memory_space<semaphore_mem>>)
      %dma_wait3A = arith.constant 0 : i32
      %dma_wait3A_42 = tpu.memref_slice %arg6[%select_n3A, %dma_wait3A] : memref<8x1032xf32, #tpu.memory_space<hbm>> -> memref<1x1032xf32, #tpu.memory_space<hbm>>
      %dma_wait3A_43 = tpu.memref_squeeze %dma_wait3A_42 : memref<1x1032xf32, #tpu.memory_space<hbm>> -> memref<1032xf32, #tpu.memory_space<hbm>>
      %dma_wait3A_44 = arith.constant 0 : i32
      %dma_wait3A_45 = tpu.memref_slice %arg6[%select_n3A, %dma_wait3A_44] : memref<8x1032xf32, #tpu.memory_space<hbm>> -> memref<1x1032xf32, #tpu.memory_space<hbm>>
      %dma_wait3A_46 = tpu.memref_squeeze %dma_wait3A_45 : memref<1x1032xf32, #tpu.memory_space<hbm>> -> memref<1032xf32, #tpu.memory_space<hbm>>
      tpu.wait_dma2 semaphore(%run_scoped3A : memref<!tpu.dma_semaphore, #tpu.memory_space<semaphore_mem>>) src(%dma_wait3A_46 : memref<1032xf32, #tpu.memory_space<hbm>>) dst(%arg16 : memref<1032xf32, #tpu.memory_space<vmem>>)
      tpu.yield
    }) : () -> ()
    "tpu.region"() ({
      %run_scoped3A = tpu.sem_alloc : memref<!tpu.dma_semaphore, #tpu.memory_space<semaphore_mem>>
      %dma_start3A = arith.constant 0 : i32
      %dma_start3A_37 = tpu.memref_slice %arg7[%select_n3A, %dma_start3A] : memref<8x1032xf32, #tpu.memory_space<hbm>> -> memref<1x1032xf32, #tpu.memory_space<hbm>>
      %dma_start3A_38 = tpu.memref_squeeze %dma_start3A_37 : memref<1x1032xf32, #tpu.memory_space<hbm>> -> memref<1032xf32, #tpu.memory_space<hbm>>
      %dma_start3A_39 = arith.constant 0 : i32
      %dma_start3A_40 = tpu.memref_slice %arg7[%select_n3A, %dma_start3A_39] : memref<8x1032xf32, #tpu.memory_space<hbm>> -> memref<1x1032xf32, #tpu.memory_space<hbm>>
      %dma_start3A_41 = tpu.memref_squeeze %dma_start3A_40 : memref<1x1032xf32, #tpu.memory_space<hbm>> -> memref<1032xf32, #tpu.memory_space<hbm>>
      tpu.enqueue_dma source(%dma_start3A_41 : memref<1032xf32, #tpu.memory_space<hbm>>) target(%arg17 : memref<1032xf32, #tpu.memory_space<vmem>>) target_semaphore(%run_scoped3A : memref<!tpu.dma_semaphore, #tpu.memory_space<semaphore_mem>>)
      %dma_wait3A = arith.constant 0 : i32
      %dma_wait3A_42 = tpu.memref_slice %arg7[%select_n3A, %dma_wait3A] : memref<8x1032xf32, #tpu.memory_space<hbm>> -> memref<1x1032xf32, #tpu.memory_space<hbm>>
      %dma_wait3A_43 = tpu.memref_squeeze %dma_wait3A_42 : memref<1x1032xf32, #tpu.memory_space<hbm>> -> memref<1032xf32, #tpu.memory_space<hbm>>
      %dma_wait3A_44 = arith.constant 0 : i32
      %dma_wait3A_45 = tpu.memref_slice %arg7[%select_n3A, %dma_wait3A_44] : memref<8x1032xf32, #tpu.memory_space<hbm>> -> memref<1x1032xf32, #tpu.memory_space<hbm>>
      %dma_wait3A_46 = tpu.memref_squeeze %dma_wait3A_45 : memref<1x1032xf32, #tpu.memory_space<hbm>> -> memref<1032xf32, #tpu.memory_space<hbm>>
      tpu.wait_dma2 semaphore(%run_scoped3A : memref<!tpu.dma_semaphore, #tpu.memory_space<semaphore_mem>>) src(%dma_wait3A_46 : memref<1032xf32, #tpu.memory_space<hbm>>) dst(%arg17 : memref<1032xf32, #tpu.memory_space<vmem>>)
      tpu.yield
    }) : () -> ()
    "tpu.region"() ({
      %run_scoped3A = tpu.sem_alloc : memref<!tpu.dma_semaphore, #tpu.memory_space<semaphore_mem>>
      %dma_start3A = arith.constant 0 : i32
      %dma_start3A_37 = arith.constant 0 : i32
      %dma_start3A_38 = tpu.memref_slice %arg8[%select_n3A, %dma_start3A, %dma_start3A_37] : memref<8x9x1024xf32, #tpu.memory_space<hbm>> -> memref<1x9x1024xf32, #tpu.memory_space<hbm>>
      %dma_start3A_39 = tpu.memref_squeeze %dma_start3A_38 : memref<1x9x1024xf32, #tpu.memory_space<hbm>> -> memref<9x1024xf32, #tpu.memory_space<hbm>>
      %dma_start3A_40 = arith.constant 0 : i32
      %dma_start3A_41 = arith.constant 0 : i32
      %dma_start3A_42 = tpu.memref_slice %arg8[%select_n3A, %dma_start3A_40, %dma_start3A_41] : memref<8x9x1024xf32, #tpu.memory_space<hbm>> -> memref<1x9x1024xf32, #tpu.memory_space<hbm>>
      %dma_start3A_43 = tpu.memref_squeeze %dma_start3A_42 : memref<1x9x1024xf32, #tpu.memory_space<hbm>> -> memref<9x1024xf32, #tpu.memory_space<hbm>>
      tpu.enqueue_dma source(%dma_start3A_43 : memref<9x1024xf32, #tpu.memory_space<hbm>>) target(%arg18 : memref<9x1024xf32, #tpu.memory_space<vmem>>) target_semaphore(%run_scoped3A : memref<!tpu.dma_semaphore, #tpu.memory_space<semaphore_mem>>)
      %dma_wait3A = arith.constant 0 : i32
      %dma_wait3A_44 = arith.constant 0 : i32
      %dma_wait3A_45 = tpu.memref_slice %arg8[%select_n3A, %dma_wait3A, %dma_wait3A_44] : memref<8x9x1024xf32, #tpu.memory_space<hbm>> -> memref<1x9x1024xf32, #tpu.memory_space<hbm>>
      %dma_wait3A_46 = tpu.memref_squeeze %dma_wait3A_45 : memref<1x9x1024xf32, #tpu.memory_space<hbm>> -> memref<9x1024xf32, #tpu.memory_space<hbm>>
      %dma_wait3A_47 = arith.constant 0 : i32
      %dma_wait3A_48 = arith.constant 0 : i32
      %dma_wait3A_49 = tpu.memref_slice %arg8[%select_n3A, %dma_wait3A_47, %dma_wait3A_48] : memref<8x9x1024xf32, #tpu.memory_space<hbm>> -> memref<1x9x1024xf32, #tpu.memory_space<hbm>>
      %dma_wait3A_50 = tpu.memref_squeeze %dma_wait3A_49 : memref<1x9x1024xf32, #tpu.memory_space<hbm>> -> memref<9x1024xf32, #tpu.memory_space<hbm>>
      tpu.wait_dma2 semaphore(%run_scoped3A : memref<!tpu.dma_semaphore, #tpu.memory_space<semaphore_mem>>) src(%dma_wait3A_50 : memref<9x1024xf32, #tpu.memory_space<hbm>>) dst(%arg18 : memref<9x1024xf32, #tpu.memory_space<vmem>>)
      tpu.yield
    }) : () -> ()
    "tpu.region"() ({
      %run_scoped3A = tpu.sem_alloc : memref<!tpu.dma_semaphore, #tpu.memory_space<semaphore_mem>>
      %dma_start3A = arith.constant 0 : i32
      %dma_start3A_37 = tpu.memref_slice %arg9[%select_n3A, %dma_start3A] : memref<8x1024xf32, #tpu.memory_space<hbm>> -> memref<1x1024xf32, #tpu.memory_space<hbm>>
      %dma_start3A_38 = tpu.memref_squeeze %dma_start3A_37 : memref<1x1024xf32, #tpu.memory_space<hbm>> -> memref<1024xf32, #tpu.memory_space<hbm>>
      %dma_start3A_39 = arith.constant 0 : i32
      %dma_start3A_40 = tpu.memref_slice %arg9[%select_n3A, %dma_start3A_39] : memref<8x1024xf32, #tpu.memory_space<hbm>> -> memref<1x1024xf32, #tpu.memory_space<hbm>>
      %dma_start3A_41 = tpu.memref_squeeze %dma_start3A_40 : memref<1x1024xf32, #tpu.memory_space<hbm>> -> memref<1024xf32, #tpu.memory_space<hbm>>
      tpu.enqueue_dma source(%dma_start3A_41 : memref<1024xf32, #tpu.memory_space<hbm>>) target(%arg19 : memref<1024xf32, #tpu.memory_space<vmem>>) target_semaphore(%run_scoped3A : memref<!tpu.dma_semaphore, #tpu.memory_space<semaphore_mem>>)
      %dma_wait3A = arith.constant 0 : i32
      %dma_wait3A_42 = tpu.memref_slice %arg9[%select_n3A, %dma_wait3A] : memref<8x1024xf32, #tpu.memory_space<hbm>> -> memref<1x1024xf32, #tpu.memory_space<hbm>>
      %dma_wait3A_43 = tpu.memref_squeeze %dma_wait3A_42 : memref<1x1024xf32, #tpu.memory_space<hbm>> -> memref<1024xf32, #tpu.memory_space<hbm>>
      %dma_wait3A_44 = arith.constant 0 : i32
      %dma_wait3A_45 = tpu.memref_slice %arg9[%select_n3A, %dma_wait3A_44] : memref<8x1024xf32, #tpu.memory_space<hbm>> -> memref<1x1024xf32, #tpu.memory_space<hbm>>
      %dma_wait3A_46 = tpu.memref_squeeze %dma_wait3A_45 : memref<1x1024xf32, #tpu.memory_space<hbm>> -> memref<1024xf32, #tpu.memory_space<hbm>>
      tpu.wait_dma2 semaphore(%run_scoped3A : memref<!tpu.dma_semaphore, #tpu.memory_space<semaphore_mem>>) src(%dma_wait3A_46 : memref<1024xf32, #tpu.memory_space<hbm>>) dst(%arg19 : memref<1024xf32, #tpu.memory_space<vmem>>)
      tpu.yield
    }) : () -> ()
    %iota3A = tpu.iota {dimensions = array<i32: 0>} : vector<16xi32>
    %scan3A = arith.constant 0 : i32
    %scan3A_33 = arith.constant 4 : i32
    %scan3A_34 = arith.addi %scan3A, %scan3A_33 : i32
    %scan3A_35 = arith.constant 1 : i32
    scf.for %scan3A_37 = %scan3A to %scan3A_34 step %scan3A_35  : i32 {
      %mul3A_38 = arith.constant 64 : i32
      %mul3A_39 = arith.muli %scan3A_37, %mul3A_38 : i32
      %add3A_40 = arith.addi %mul3A_32, %mul3A_39 : i32
      %scan3A_41 = arith.constant 0 : i32
      %scan3A_42 = arith.constant 64 : i32
      %scan3A_43 = arith.addi %scan3A_41, %scan3A_42 : i32
      %scan3A_44 = arith.constant 1 : i32
      scf.for %scan3A_85 = %scan3A_41 to %scan3A_43 step %scan3A_44  : i32 {
        %add3A_86 = arith.addi %add3A_40, %scan3A_85 : i32
        %broadcast_in_dim3A = vector.broadcast %add3A_86 : i32 to vector<16xi32>
        %gather3A = tpu.vector_load_idx %arg12[%broadcast_in_dim3A] : memref<1024xf32, #tpu.memory_space<vmem>>[vector<16xi32>], vector<16xf32>,
        %gather3A_87 = tpu.vector_load_idx %arg13[%broadcast_in_dim3A] : memref<1024xf32, #tpu.memory_space<vmem>>[vector<16xi32>], vector<16xf32>,
        %gather3A_88 = tpu.vector_load_idx %arg14[%broadcast_in_dim3A] : memref<1024xf32, #tpu.memory_space<vmem>>[vector<16xi32>], vector<16xf32>,
        %add3A_89 = arith.constant 0 : i32
        %add3A_90 = vector.broadcast %add3A_89 : i32 to vector<16xi32>
        %add3A_91 = arith.addi %broadcast_in_dim3A, %add3A_90 : vector<16xi32>
        %gather3A_92 = tpu.vector_load_idx %arg15[%add3A_91] : memref<1032xf32, #tpu.memory_space<vmem>>[vector<16xi32>], vector<16xf32>,
        %add3A_93 = arith.constant 0 : i32
        %add3A_94 = vector.broadcast %add3A_93 : i32 to vector<16xi32>
        %add3A_95 = arith.addi %broadcast_in_dim3A, %add3A_94 : vector<16xi32>
        %gather3A_96 = tpu.vector_load_idx %arg16[%add3A_95] : memref<1032xf32, #tpu.memory_space<vmem>>[vector<16xi32>], vector<16xf32>,
        %add3A_97 = arith.constant 0 : i32
        %add3A_98 = vector.broadcast %add3A_97 : i32 to vector<16xi32>
        %add3A_99 = arith.addi %broadcast_in_dim3A, %add3A_98 : vector<16xi32>
        %gather3A_100 = tpu.vector_load_idx %arg17[%add3A_99] : memref<1032xf32, #tpu.memory_space<vmem>>[vector<16xi32>], vector<16xf32>,
        %add3A_101 = arith.constant 1 : i32
        %add3A_102 = vector.broadcast %add3A_101 : i32 to vector<16xi32>
        %add3A_103 = arith.addi %broadcast_in_dim3A, %add3A_102 : vector<16xi32>
        %gather3A_104 = tpu.vector_load_idx %arg15[%add3A_103] : memref<1032xf32, #tpu.memory_space<vmem>>[vector<16xi32>], vector<16xf32>,
        %add3A_105 = arith.constant 1 : i32
        %add3A_106 = vector.broadcast %add3A_105 : i32 to vector<16xi32>
        %add3A_107 = arith.addi %broadcast_in_dim3A, %add3A_106 : vector<16xi32>
        %gather3A_108 = tpu.vector_load_idx %arg16[%add3A_107] : memref<1032xf32, #tpu.memory_space<vmem>>[vector<16xi32>], vector<16xf32>,
        %add3A_109 = arith.constant 1 : i32
        %add3A_110 = vector.broadcast %add3A_109 : i32 to vector<16xi32>
        %add3A_111 = arith.addi %broadcast_in_dim3A, %add3A_110 : vector<16xi32>
        %gather3A_112 = tpu.vector_load_idx %arg17[%add3A_111] : memref<1032xf32, #tpu.memory_space<vmem>>[vector<16xi32>], vector<16xf32>,
        %add3A_113 = arith.constant 2 : i32
        %add3A_114 = vector.broadcast %add3A_113 : i32 to vector<16xi32>
        %add3A_115 = arith.addi %broadcast_in_dim3A, %add3A_114 : vector<16xi32>
        %gather3A_116 = tpu.vector_load_idx %arg15[%add3A_115] : memref<1032xf32, #tpu.memory_space<vmem>>[vector<16xi32>], vector<16xf32>,
        %add3A_117 = arith.constant 2 : i32
        %add3A_118 = vector.broadcast %add3A_117 : i32 to vector<16xi32>
        %add3A_119 = arith.addi %broadcast_in_dim3A, %add3A_118 : vector<16xi32>
        %gather3A_120 = tpu.vector_load_idx %arg16[%add3A_119] : memref<1032xf32, #tpu.memory_space<vmem>>[vector<16xi32>], vector<16xf32>,
        %add3A_121 = arith.constant 2 : i32
        %add3A_122 = vector.broadcast %add3A_121 : i32 to vector<16xi32>
        %add3A_123 = arith.addi %broadcast_in_dim3A, %add3A_122 : vector<16xi32>
        %gather3A_124 = tpu.vector_load_idx %arg17[%add3A_123] : memref<1032xf32, #tpu.memory_space<vmem>>[vector<16xi32>], vector<16xf32>,
        %broadcast_in_dim3A_125 = arith.constant 0 : i32
        %broadcast_in_dim3A_126 = vector.broadcast %broadcast_in_dim3A_125 : i32 to vector<16xi32>
        %gather3A_127 = tpu.vector_load_idx %arg18[%broadcast_in_dim3A_126, %broadcast_in_dim3A] : memref<9x1024xf32, #tpu.memory_space<vmem>>[vector<16xi32>, vector<16xi32>], vector<16xf32>,
        %broadcast_in_dim3A_128 = arith.constant 1 : i32
        %broadcast_in_dim3A_129 = vector.broadcast %broadcast_in_dim3A_128 : i32 to vector<16xi32>
        %gather3A_130 = tpu.vector_load_idx %arg18[%broadcast_in_dim3A_129, %broadcast_in_dim3A] : memref<9x1024xf32, #tpu.memory_space<vmem>>[vector<16xi32>, vector<16xi32>], vector<16xf32>,
        %broadcast_in_dim3A_131 = arith.constant 2 : i32
        %broadcast_in_dim3A_132 = vector.broadcast %broadcast_in_dim3A_131 : i32 to vector<16xi32>
        %gather3A_133 = tpu.vector_load_idx %arg18[%broadcast_in_dim3A_132, %broadcast_in_dim3A] : memref<9x1024xf32, #tpu.memory_space<vmem>>[vector<16xi32>, vector<16xi32>], vector<16xf32>,
        %broadcast_in_dim3A_134 = arith.constant 3 : i32
        %broadcast_in_dim3A_135 = vector.broadcast %broadcast_in_dim3A_134 : i32 to vector<16xi32>
        %gather3A_136 = tpu.vector_load_idx %arg18[%broadcast_in_dim3A_135, %broadcast_in_dim3A] : memref<9x1024xf32, #tpu.memory_space<vmem>>[vector<16xi32>, vector<16xi32>], vector<16xf32>,
        %broadcast_in_dim3A_137 = arith.constant 4 : i32
        %broadcast_in_dim3A_138 = vector.broadcast %broadcast_in_dim3A_137 : i32 to vector<16xi32>
        %gather3A_139 = tpu.vector_load_idx %arg18[%broadcast_in_dim3A_138, %broadcast_in_dim3A] : memref<9x1024xf32, #tpu.memory_space<vmem>>[vector<16xi32>, vector<16xi32>], vector<16xf32>,
        %broadcast_in_dim3A_140 = arith.constant 5 : i32
        %broadcast_in_dim3A_141 = vector.broadcast %broadcast_in_dim3A_140 : i32 to vector<16xi32>
        %gather3A_142 = tpu.vector_load_idx %arg18[%broadcast_in_dim3A_141, %broadcast_in_dim3A] : memref<9x1024xf32, #tpu.memory_space<vmem>>[vector<16xi32>, vector<16xi32>], vector<16xf32>,
        %broadcast_in_dim3A_143 = arith.constant 6 : i32
        %broadcast_in_dim3A_144 = vector.broadcast %broadcast_in_dim3A_143 : i32 to vector<16xi32>
        %gather3A_145 = tpu.vector_load_idx %arg18[%broadcast_in_dim3A_144, %broadcast_in_dim3A] : memref<9x1024xf32, #tpu.memory_space<vmem>>[vector<16xi32>, vector<16xi32>], vector<16xf32>,
        %broadcast_in_dim3A_146 = arith.constant 7 : i32
        %broadcast_in_dim3A_147 = vector.broadcast %broadcast_in_dim3A_146 : i32 to vector<16xi32>
        %gather3A_148 = tpu.vector_load_idx %arg18[%broadcast_in_dim3A_147, %broadcast_in_dim3A] : memref<9x1024xf32, #tpu.memory_space<vmem>>[vector<16xi32>, vector<16xi32>], vector<16xf32>,
        %broadcast_in_dim3A_149 = arith.constant 8 : i32
        %broadcast_in_dim3A_150 = vector.broadcast %broadcast_in_dim3A_149 : i32 to vector<16xi32>
        %gather3A_151 = tpu.vector_load_idx %arg18[%broadcast_in_dim3A_150, %broadcast_in_dim3A] : memref<9x1024xf32, #tpu.memory_space<vmem>>[vector<16xi32>, vector<16xi32>], vector<16xf32>,
        %gather3A_152 = tpu.vector_load_idx %arg19[%broadcast_in_dim3A] : memref<1024xf32, #tpu.memory_space<vmem>>[vector<16xi32>], vector<16xf32>,
        %get3A = arith.constant 0 : index
        %get3A_153 = tpu.vector_load %arg12[%get3A] {strides = array<i32>} : memref<1024xf32, #tpu.memory_space<vmem>>, vector<16xf32>,
        %sub3A_154 = arith.subf %get3A_153, %gather3A : vector<16xf32>
        %get3A_155 = arith.constant 0 : index
        %get3A_156 = tpu.vector_load %arg13[%get3A_155] {strides = array<i32>} : memref<1024xf32, #tpu.memory_space<vmem>>, vector<16xf32>,
        %sub3A_157 = arith.subf %get3A_156, %gather3A_87 : vector<16xf32>
        %get3A_158 = arith.constant 0 : index
        %get3A_159 = tpu.vector_load %arg14[%get3A_158] {strides = array<i32>} : memref<1024xf32, #tpu.memory_space<vmem>>, vector<16xf32>,
        %sub3A_160 = arith.subf %get3A_159, %gather3A_88 : vector<16xf32>
        %mul3A_161 = arith.mulf %sub3A_154, %sub3A_154 : vector<16xf32>
        %mul3A_162 = arith.mulf %sub3A_157, %sub3A_157 : vector<16xf32>
        %add3A_163 = arith.addf %mul3A_161, %mul3A_162 : vector<16xf32>
        %mul3A_164 = arith.mulf %sub3A_160, %sub3A_160 : vector<16xf32>
        %add3A_165 = arith.addf %add3A_163, %mul3A_164 : vector<16xf32>
        %add3A_166 = arith.constant 0 : i32
        %add3A_167 = vector.broadcast %add3A_166 : i32 to vector<16xi32>
        %add3A_168 = arith.addi %iota3A, %add3A_167 : vector<16xi32>
        %masked_sort3A = arith.constant dense<true> : vector<16xi1>
        %masked_sort3A_169, %masked_sort3A_170, %masked_sort3A_171 = tpu.sort %add3A_165, %add3A_168 masked %masked_sort3A : (vector<16xf32>, vector<16xi32>, vector<16xi1>) -> (vector<16xi1>, vector<16xf32>, vector<16xi32>)
        %get3A_172 = arith.constant 16 : index
        %get3A_173 = tpu.vector_load %arg12[%get3A_172] {strides = array<i32>} : memref<1024xf32, #tpu.memory_space<vmem>>, vector<16xf32>,
        %sub3A_174 = arith.subf %get3A_173, %gather3A : vector<16xf32>
        %get3A_175 = arith.constant 16 : index
        %get3A_176 = tpu.vector_load %arg13[%get3A_175] {strides = array<i32>} : memref<1024xf32, #tpu.memory_space<vmem>>, vector<16xf32>,
        %sub3A_177 = arith.subf %get3A_176, %gather3A_87 : vector<16xf32>
        %get3A_178 = arith.constant 16 : index
        %get3A_179 = tpu.vector_load %arg14[%get3A_178] {strides = array<i32>} : memref<1024xf32, #tpu.memory_space<vmem>>, vector<16xf32>,
        %sub3A_180 = arith.subf %get3A_179, %gather3A_88 : vector<16xf32>
        %mul3A_181 = arith.mulf %sub3A_174, %sub3A_174 : vector<16xf32>
        %mul3A_182 = arith.mulf %sub3A_177, %sub3A_177 : vector<16xf32>
        %add3A_183 = arith.addf %mul3A_181, %mul3A_182 : vector<16xf32>
        %mul3A_184 = arith.mulf %sub3A_180, %sub3A_180 : vector<16xf32>
        %add3A_185 = arith.addf %add3A_183, %mul3A_184 : vector<16xf32>
        %add3A_186 = arith.constant 16 : i32
        %add3A_187 = vector.broadcast %add3A_186 : i32 to vector<16xi32>
        %add3A_188 = arith.addi %iota3A, %add3A_187 : vector<16xi32>
        %masked_sort3A_189 = arith.constant dense<true> : vector<16xi1>
        %masked_sort3A_190, %masked_sort3A_191, %masked_sort3A_192 = tpu.sort %add3A_185, %add3A_188 masked %masked_sort3A_189 : (vector<16xf32>, vector<16xi32>, vector<16xi1>) -> (vector<16xi1>, vector<16xf32>, vector<16xi32>)
        %rev3A = arith.constant 15 : i32
        %rev3A_193 = vector.broadcast %rev3A : i32 to vector<16xi32>
        %rev3A_194 = tpu.iota {dimensions = array<i32: 0>} : vector<16xi32>
        %rev3A_195 = arith.subi %rev3A_193, %rev3A_194 : vector<16xi32>
        %rev3A_196 = tpu.dynamic_gather %masked_sort3A_191[%rev3A_195] in [0] : vector<16xf32>, vector<16xi32> -> vector<16xf32>
        %rev3A_197 = arith.constant 15 : i32
        %rev3A_198 = vector.broadcast %rev3A_197 : i32 to vector<16xi32>
        %rev3A_199 = tpu.iota {dimensions = array<i32: 0>} : vector<16xi32>
        %rev3A_200 = arith.subi %rev3A_198, %rev3A_199 : vector<16xi32>
        %rev3A_201 = tpu.dynamic_gather %masked_sort3A_192[%rev3A_200] in [0] : vector<16xi32>, vector<16xi32> -> vector<16xi32>
        %lt3A_202 = arith.cmpf olt, %masked_sort3A_170, %rev3A_196 : vector<16xf32>
        %eq3A_203 = arith.cmpf oeq, %masked_sort3A_170, %rev3A_196 : vector<16xf32>
        %lt3A_204 = arith.cmpi slt, %masked_sort3A_171, %rev3A_201 : vector<16xi32>
        %and3A_205 = arith.andi %eq3A_203, %lt3A_204 : vector<16xi1>
        %or3A = arith.ori %lt3A_202, %and3A_205 : vector<16xi1>
        %select_n3A_206 = arith.select %or3A, %masked_sort3A_170, %rev3A_196 : vector<16xi1>, vector<16xf32>
        %select_n3A_207 = arith.select %or3A, %masked_sort3A_171, %rev3A_201 : vector<16xi1>, vector<16xi32>
        %select_n3A_208 = arith.select %or3A, %rev3A_196, %masked_sort3A_170 : vector<16xi1>, vector<16xf32>
        %select_n3A_209 = arith.select %or3A, %rev3A_201, %masked_sort3A_171 : vector<16xi1>, vector<16xi32>
        %masked_sort3A_210 = arith.constant dense<true> : vector<16xi1>
        %masked_sort3A_211, %masked_sort3A_212, %masked_sort3A_213 = tpu.sort %select_n3A_206, %select_n3A_207 masked %masked_sort3A_210 : (vector<16xf32>, vector<16xi32>, vector<16xi1>) -> (vector<16xi1>, vector<16xf32>, vector<16xi32>)
        %masked_sort3A_214 = arith.constant dense<true> : vector<16xi1>
        %masked_sort3A_215, %masked_sort3A_216, %masked_sort3A_217 = tpu.sort %select_n3A_208, %select_n3A_209 masked %masked_sort3A_214 : (vector<16xf32>, vector<16xi32>, vector<16xi1>) -> (vector<16xi1>, vector<16xf32>, vector<16xi32>)
        %reduce_max3A = arith.constant true
        %reduce_max3A_218 = vector.broadcast %reduce_max3A : i1 to vector<16xi1>
        %reduce_max3A_219 = tpu.scan <max>, %masked_sort3A_216 masked %reduce_max3A_218 : vector<16xf32>, vector<16xi1> -> vector<16xf32>
        %reduce_max3A_220 = vector.extract %reduce_max3A_219[15] : f32 from vector<16xf32>
        %scan3A_221 = arith.constant 1 : i32
        %scan3A_222 = arith.constant 31 : i32
        %scan3A_223 = arith.addi %scan3A_221, %scan3A_222 : i32
        %scan3A_224 = arith.constant 1 : i32
        %scan3A_225:5 = scf.for %scan3A_887 = %scan3A_221 to %scan3A_223 step %scan3A_224 iter_args(%scan3A_888 = %masked_sort3A_212, %scan3A_889 = %masked_sort3A_213, %scan3A_890 = %masked_sort3A_216, %scan3A_891 = %masked_sort3A_217, %scan3A_892 = %reduce_max3A_220) -> (vector<16xf32>, vector<16xi32>, vector<16xf32>, vector<16xi32>, f32)  : i32 {
          %mul3A_893 = arith.constant 2 : i32
          %mul3A_894 = arith.muli %mul3A_893, %scan3A_887 : i32
          %mul3A_895 = arith.constant 16 : i32
          %mul3A_896 = arith.muli %mul3A_894, %mul3A_895 : i32
          %get3A_897 = arith.index_cast %mul3A_896 : i32 to index
          %get3A_898 = tpu.vector_load %arg12[%get3A_897] {strides = array<i32>} : memref<1024xf32, #tpu.memory_space<vmem>>, vector<16xf32>,
          %sub3A_899 = arith.subf %get3A_898, %gather3A : vector<16xf32>
          %get3A_900 = arith.index_cast %mul3A_896 : i32 to index
          %get3A_901 = tpu.vector_load %arg13[%get3A_900] {strides = array<i32>} : memref<1024xf32, #tpu.memory_space<vmem>>, vector<16xf32>,
          %sub3A_902 = arith.subf %get3A_901, %gather3A_87 : vector<16xf32>
          %get3A_903 = arith.index_cast %mul3A_896 : i32 to index
          %get3A_904 = tpu.vector_load %arg14[%get3A_903] {strides = array<i32>} : memref<1024xf32, #tpu.memory_space<vmem>>, vector<16xf32>,
          %sub3A_905 = arith.subf %get3A_904, %gather3A_88 : vector<16xf32>
          %mul3A_906 = arith.mulf %sub3A_899, %sub3A_899 : vector<16xf32>
          %mul3A_907 = arith.mulf %sub3A_902, %sub3A_902 : vector<16xf32>
          %add3A_908 = arith.addf %mul3A_906, %mul3A_907 : vector<16xf32>
          %mul3A_909 = arith.mulf %sub3A_905, %sub3A_905 : vector<16xf32>
          %add3A_910 = arith.addf %add3A_908, %mul3A_909 : vector<16xf32>
          %add3A_911 = vector.broadcast %mul3A_896 : i32 to vector<16xi32>
          %add3A_912 = arith.addi %iota3A, %add3A_911 : vector<16xi32>
          %mul3A_913 = arith.constant 2 : i32
          %mul3A_914 = arith.muli %mul3A_913, %scan3A_887 : i32
          %add3A_915 = arith.constant 1 : i32
          %add3A_916 = arith.addi %mul3A_914, %add3A_915 : i32
          %mul3A_917 = arith.constant 16 : i32
          %mul3A_918 = arith.muli %add3A_916, %mul3A_917 : i32
          %get3A_919 = arith.index_cast %mul3A_918 : i32 to index
          %get3A_920 = tpu.vector_load %arg12[%get3A_919] {strides = array<i32>} : memref<1024xf32, #tpu.memory_space<vmem>>, vector<16xf32>,
          %sub3A_921 = arith.subf %get3A_920, %gather3A : vector<16xf32>
          %get3A_922 = arith.index_cast %mul3A_918 : i32 to index
          %get3A_923 = tpu.vector_load %arg13[%get3A_922] {strides = array<i32>} : memref<1024xf32, #tpu.memory_space<vmem>>, vector<16xf32>,
          %sub3A_924 = arith.subf %get3A_923, %gather3A_87 : vector<16xf32>
          %get3A_925 = arith.index_cast %mul3A_918 : i32 to index
          %get3A_926 = tpu.vector_load %arg14[%get3A_925] {strides = array<i32>} : memref<1024xf32, #tpu.memory_space<vmem>>, vector<16xf32>,
          %sub3A_927 = arith.subf %get3A_926, %gather3A_88 : vector<16xf32>
          %mul3A_928 = arith.mulf %sub3A_921, %sub3A_921 : vector<16xf32>
          %mul3A_929 = arith.mulf %sub3A_924, %sub3A_924 : vector<16xf32>
          %add3A_930 = arith.addf %mul3A_928, %mul3A_929 : vector<16xf32>
          %mul3A_931 = arith.mulf %sub3A_927, %sub3A_927 : vector<16xf32>
          %add3A_932 = arith.addf %add3A_930, %mul3A_931 : vector<16xf32>
          %add3A_933 = vector.broadcast %mul3A_918 : i32 to vector<16xi32>
          %add3A_934 = arith.addi %iota3A, %add3A_933 : vector<16xi32>
          %min3A_935 = arith.minimumf %add3A_910, %add3A_932 : vector<16xf32>
          %reduce_min3A = arith.constant true
          %reduce_min3A_936 = vector.broadcast %reduce_min3A : i1 to vector<16xi1>
          %reduce_min3A_937 = tpu.scan <min>, %min3A_935 masked %reduce_min3A_936 : vector<16xf32>, vector<16xi1> -> vector<16xf32>
          %reduce_min3A_938 = vector.extract %reduce_min3A_937[15] : f32 from vector<16xf32>
          %le3A = arith.cmpf ole, %reduce_min3A_938, %scan3A_892 : f32
          %convert_element_type3A_939 = arith.extui %le3A : i1 to i32
          %cond3A = arith.constant 0 : i32
          %cond3A_940 = arith.cmpi ne, %convert_element_type3A_939, %cond3A : i32
          %cond3A_941:5 = scf.if %cond3A_940 -> (vector<16xf32>, vector<16xi32>, vector<16xf32>, vector<16xi32>, f32) {
            %masked_sort3A_942 = arith.constant dense<true> : vector<16xi1>
            %masked_sort3A_943, %masked_sort3A_944, %masked_sort3A_945 = tpu.sort %add3A_910, %add3A_912 masked %masked_sort3A_942 : (vector<16xf32>, vector<16xi32>, vector<16xi1>) -> (vector<16xi1>, vector<16xf32>, vector<16xi32>)
            %masked_sort3A_946 = arith.constant dense<true> : vector<16xi1>
            %masked_sort3A_947, %masked_sort3A_948, %masked_sort3A_949 = tpu.sort %add3A_932, %add3A_934 masked %masked_sort3A_946 : (vector<16xf32>, vector<16xi32>, vector<16xi1>) -> (vector<16xi1>, vector<16xf32>, vector<16xi32>)
            %rev3A_950 = arith.constant 15 : i32
            %rev3A_951 = vector.broadcast %rev3A_950 : i32 to vector<16xi32>
            %rev3A_952 = tpu.iota {dimensions = array<i32: 0>} : vector<16xi32>
            %rev3A_953 = arith.subi %rev3A_951, %rev3A_952 : vector<16xi32>
            %rev3A_954 = tpu.dynamic_gather %masked_sort3A_948[%rev3A_953] in [0] : vector<16xf32>, vector<16xi32> -> vector<16xf32>
            %rev3A_955 = arith.constant 15 : i32
            %rev3A_956 = vector.broadcast %rev3A_955 : i32 to vector<16xi32>
            %rev3A_957 = tpu.iota {dimensions = array<i32: 0>} : vector<16xi32>
            %rev3A_958 = arith.subi %rev3A_956, %rev3A_957 : vector<16xi32>
            %rev3A_959 = tpu.dynamic_gather %masked_sort3A_949[%rev3A_958] in [0] : vector<16xi32>, vector<16xi32> -> vector<16xi32>
            %lt3A_960 = arith.cmpf olt, %masked_sort3A_944, %rev3A_954 : vector<16xf32>
            %eq3A_961 = arith.cmpf oeq, %masked_sort3A_944, %rev3A_954 : vector<16xf32>
            %lt3A_962 = arith.cmpi slt, %masked_sort3A_945, %rev3A_959 : vector<16xi32>
            %and3A_963 = arith.andi %eq3A_961, %lt3A_962 : vector<16xi1>
            %or3A_964 = arith.ori %lt3A_960, %and3A_963 : vector<16xi1>
            %select_n3A_965 = arith.select %or3A_964, %masked_sort3A_944, %rev3A_954 : vector<16xi1>, vector<16xf32>
            %select_n3A_966 = arith.select %or3A_964, %masked_sort3A_945, %rev3A_959 : vector<16xi1>, vector<16xi32>
            %select_n3A_967 = arith.select %or3A_964, %rev3A_954, %masked_sort3A_944 : vector<16xi1>, vector<16xf32>
            %select_n3A_968 = arith.select %or3A_964, %rev3A_959, %masked_sort3A_945 : vector<16xi1>, vector<16xi32>
            %masked_sort3A_969 = arith.constant dense<true> : vector<16xi1>
            %masked_sort3A_970, %masked_sort3A_971, %masked_sort3A_972 = tpu.sort %select_n3A_965, %select_n3A_966 masked %masked_sort3A_969 : (vector<16xf32>, vector<16xi32>, vector<16xi1>) -> (vector<16xi1>, vector<16xf32>, vector<16xi32>)
            %masked_sort3A_973 = arith.constant dense<true> : vector<16xi1>
            %masked_sort3A_974, %masked_sort3A_975, %masked_sort3A_976 = tpu.sort %select_n3A_967, %select_n3A_968 masked %masked_sort3A_973 : (vector<16xf32>, vector<16xi32>, vector<16xi1>) -> (vector<16xi1>, vector<16xf32>, vector<16xi32>)
            %rev3A_977 = arith.constant 15 : i32
            %rev3A_978 = vector.broadcast %rev3A_977 : i32 to vector<16xi32>
            %rev3A_979 = tpu.iota {dimensions = array<i32: 0>} : vector<16xi32>
            %rev3A_980 = arith.subi %rev3A_978, %rev3A_979 : vector<16xi32>
            %rev3A_981 = tpu.dynamic_gather %masked_sort3A_975[%rev3A_980] in [0] : vector<16xf32>, vector<16xi32> -> vector<16xf32>
            %rev3A_982 = arith.constant 15 : i32
            %rev3A_983 = vector.broadcast %rev3A_982 : i32 to vector<16xi32>
            %rev3A_984 = tpu.iota {dimensions = array<i32: 0>} : vector<16xi32>
            %rev3A_985 = arith.subi %rev3A_983, %rev3A_984 : vector<16xi32>
            %rev3A_986 = tpu.dynamic_gather %masked_sort3A_976[%rev3A_985] in [0] : vector<16xi32>, vector<16xi32> -> vector<16xi32>
            %rev3A_987 = arith.constant 15 : i32
            %rev3A_988 = vector.broadcast %rev3A_987 : i32 to vector<16xi32>
            %rev3A_989 = tpu.iota {dimensions = array<i32: 0>} : vector<16xi32>
            %rev3A_990 = arith.subi %rev3A_988, %rev3A_989 : vector<16xi32>
            %rev3A_991 = tpu.dynamic_gather %masked_sort3A_971[%rev3A_990] in [0] : vector<16xf32>, vector<16xi32> -> vector<16xf32>
            %rev3A_992 = arith.constant 15 : i32
            %rev3A_993 = vector.broadcast %rev3A_992 : i32 to vector<16xi32>
            %rev3A_994 = tpu.iota {dimensions = array<i32: 0>} : vector<16xi32>
            %rev3A_995 = arith.subi %rev3A_993, %rev3A_994 : vector<16xi32>
            %rev3A_996 = tpu.dynamic_gather %masked_sort3A_972[%rev3A_995] in [0] : vector<16xi32>, vector<16xi32> -> vector<16xi32>
            %lt3A_997 = arith.cmpf olt, %scan3A_888, %rev3A_981 : vector<16xf32>
            %eq3A_998 = arith.cmpf oeq, %scan3A_888, %rev3A_981 : vector<16xf32>
            %lt3A_999 = arith.cmpi slt, %scan3A_889, %rev3A_986 : vector<16xi32>
            %and3A_1000 = arith.andi %eq3A_998, %lt3A_999 : vector<16xi1>
            %or3A_1001 = arith.ori %lt3A_997, %and3A_1000 : vector<16xi1>
            %select_n3A_1002 = arith.select %or3A_1001, %scan3A_888, %rev3A_981 : vector<16xi1>, vector<16xf32>
            %select_n3A_1003 = arith.select %or3A_1001, %scan3A_889, %rev3A_986 : vector<16xi1>, vector<16xi32>
            %lt3A_1004 = arith.cmpf olt, %scan3A_890, %rev3A_991 : vector<16xf32>
            %eq3A_1005 = arith.cmpf oeq, %scan3A_890, %rev3A_991 : vector<16xf32>
            %lt3A_1006 = arith.cmpi slt, %scan3A_891, %rev3A_996 : vector<16xi32>
            %and3A_1007 = arith.andi %eq3A_1005, %lt3A_1006 : vector<16xi1>
            %or3A_1008 = arith.ori %lt3A_1004, %and3A_1007 : vector<16xi1>
            %select_n3A_1009 = arith.select %or3A_1008, %scan3A_890, %rev3A_991 : vector<16xi1>, vector<16xf32>
            %select_n3A_1010 = arith.select %or3A_1008, %scan3A_891, %rev3A_996 : vector<16xi1>, vector<16xi32>
            %lt3A_1011 = arith.cmpf olt, %select_n3A_1002, %select_n3A_1009 : vector<16xf32>
            %eq3A_1012 = arith.cmpf oeq, %select_n3A_1002, %select_n3A_1009 : vector<16xf32>
            %lt3A_1013 = arith.cmpi slt, %select_n3A_1003, %select_n3A_1010 : vector<16xi32>
            %and3A_1014 = arith.andi %eq3A_1012, %lt3A_1013 : vector<16xi1>
            %or3A_1015 = arith.ori %lt3A_1011, %and3A_1014 : vector<16xi1>
            %select_n3A_1016 = arith.select %or3A_1015, %select_n3A_1002, %select_n3A_1009 : vector<16xi1>, vector<16xf32>
            %select_n3A_1017 = arith.select %or3A_1015, %select_n3A_1003, %select_n3A_1010 : vector<16xi1>, vector<16xi32>
            %select_n3A_1018 = arith.select %or3A_1015, %select_n3A_1009, %select_n3A_1002 : vector<16xi1>, vector<16xf32>
            %select_n3A_1019 = arith.select %or3A_1015, %select_n3A_1010, %select_n3A_1003 : vector<16xi1>, vector<16xi32>
            %masked_sort3A_1020 = arith.constant dense<true> : vector<16xi1>
            %masked_sort3A_1021, %masked_sort3A_1022, %masked_sort3A_1023 = tpu.sort %select_n3A_1016, %select_n3A_1017 masked %masked_sort3A_1020 : (vector<16xf32>, vector<16xi32>, vector<16xi1>) -> (vector<16xi1>, vector<16xf32>, vector<16xi32>)
            %masked_sort3A_1024 = arith.constant dense<true> : vector<16xi1>
            %masked_sort3A_1025, %masked_sort3A_1026, %masked_sort3A_1027 = tpu.sort %select_n3A_1018, %select_n3A_1019 masked %masked_sort3A_1024 : (vector<16xf32>, vector<16xi32>, vector<16xi1>) -> (vector<16xi1>, vector<16xf32>, vector<16xi32>)
            %reduce_max3A_1028 = arith.constant true
            %reduce_max3A_1029 = vector.broadcast %reduce_max3A_1028 : i1 to vector<16xi1>
            %reduce_max3A_1030 = tpu.scan <max>, %masked_sort3A_1026 masked %reduce_max3A_1029 : vector<16xf32>, vector<16xi1> -> vector<16xf32>
            %reduce_max3A_1031 = vector.extract %reduce_max3A_1030[15] : f32 from vector<16xf32>
            scf.yield %masked_sort3A_1022, %masked_sort3A_1023, %masked_sort3A_1026, %masked_sort3A_1027, %reduce_max3A_1031 : vector<16xf32>, vector<16xi32>, vector<16xf32>, vector<16xi32>, f32
          } else {
            scf.yield %scan3A_888, %scan3A_889, %scan3A_890, %scan3A_891, %scan3A_892 : vector<16xf32>, vector<16xi32>, vector<16xf32>, vector<16xi32>, f32
          }
          scf.yield %cond3A_941#0, %cond3A_941#1, %cond3A_941#2, %cond3A_941#3, %cond3A_941#4 : vector<16xf32>, vector<16xi32>, vector<16xf32>, vector<16xi32>, f32
        }
        %scan3A_226 = arith.constant 31 : i32
        %swap3A = arith.index_cast %scan3A_85 : i32 to index
        %swap3A_227 = arith.constant 0 : index
        %swap3A_228 = tpu.vector_load %arg20[%swap3A, %swap3A_227] {strides = array<i32>} : memref<64x32xi32, #tpu.memory_space<vmem>>, vector<16xi32>,
        tpu.vector_store %arg20[%swap3A, %swap3A_227], %scan3A_225#1 {strides = array<i32>} : memref<64x32xi32, #tpu.memory_space<vmem>>, vector<16xi32>,
        %swap3A_229 = arith.constant 0 : i32
        %swap3A_230 = arith.index_cast %swap3A_229 : i32 to index
        %swap3A_231 = arith.index_cast %scan3A_85 : i32 to index
        %swap3A_232 = arith.constant 0 : index
        %swap3A_233 = tpu.vector_load %arg21[%swap3A_230, %swap3A_231, %swap3A_232] {strides = array<i32>} : memref<20x64x32xf32, #tpu.memory_space<vmem>>, vector<16xf32>,
        tpu.vector_store %arg21[%swap3A_230, %swap3A_231, %swap3A_232], %scan3A_225#0 {strides = array<i32>} : memref<20x64x32xf32, #tpu.memory_space<vmem>>, vector<16xf32>,
        %add3A_234 = arith.constant 0 : i32
        %add3A_235 = vector.broadcast %add3A_234 : i32 to vector<16xi32>
        %add3A_236 = arith.addi %scan3A_225#1, %add3A_235 : vector<16xi32>
        %gather3A_237 = tpu.vector_load_idx %arg15[%add3A_236] : memref<1032xf32, #tpu.memory_space<vmem>>[vector<16xi32>], vector<16xf32>,
        %add3A_238 = arith.constant 0 : i32
        %add3A_239 = vector.broadcast %add3A_238 : i32 to vector<16xi32>
        %add3A_240 = arith.addi %scan3A_225#1, %add3A_239 : vector<16xi32>
        %gather3A_241 = tpu.vector_load_idx %arg16[%add3A_240] : memref<1032xf32, #tpu.memory_space<vmem>>[vector<16xi32>], vector<16xf32>,
        %add3A_242 = arith.constant 0 : i32
        %add3A_243 = vector.broadcast %add3A_242 : i32 to vector<16xi32>
        %add3A_244 = arith.addi %scan3A_225#1, %add3A_243 : vector<16xi32>
        %gather3A_245 = tpu.vector_load_idx %arg17[%add3A_244] : memref<1032xf32, #tpu.memory_space<vmem>>[vector<16xi32>], vector<16xf32>,
        %add3A_246 = arith.constant 1 : i32
        %add3A_247 = vector.broadcast %add3A_246 : i32 to vector<16xi32>
        %add3A_248 = arith.addi %scan3A_225#1, %add3A_247 : vector<16xi32>
        %gather3A_249 = tpu.vector_load_idx %arg15[%add3A_248] : memref<1032xf32, #tpu.memory_space<vmem>>[vector<16xi32>], vector<16xf32>,
        %add3A_250 = arith.constant 1 : i32
        %add3A_251 = vector.broadcast %add3A_250 : i32 to vector<16xi32>
        %add3A_252 = arith.addi %scan3A_225#1, %add3A_251 : vector<16xi32>
        %gather3A_253 = tpu.vector_load_idx %arg16[%add3A_252] : memref<1032xf32, #tpu.memory_space<vmem>>[vector<16xi32>], vector<16xf32>,
        %add3A_254 = arith.constant 1 : i32
        %add3A_255 = vector.broadcast %add3A_254 : i32 to vector<16xi32>
        %add3A_256 = arith.addi %scan3A_225#1, %add3A_255 : vector<16xi32>
        %gather3A_257 = tpu.vector_load_idx %arg17[%add3A_256] : memref<1032xf32, #tpu.memory_space<vmem>>[vector<16xi32>], vector<16xf32>,
        %add3A_258 = arith.constant 2 : i32
        %add3A_259 = vector.broadcast %add3A_258 : i32 to vector<16xi32>
        %add3A_260 = arith.addi %scan3A_225#1, %add3A_259 : vector<16xi32>
        %gather3A_261 = tpu.vector_load_idx %arg15[%add3A_260] : memref<1032xf32, #tpu.memory_space<vmem>>[vector<16xi32>], vector<16xf32>,
        %add3A_262 = arith.constant 2 : i32
        %add3A_263 = vector.broadcast %add3A_262 : i32 to vector<16xi32>
        %add3A_264 = arith.addi %scan3A_225#1, %add3A_263 : vector<16xi32>
        %gather3A_265 = tpu.vector_load_idx %arg16[%add3A_264] : memref<1032xf32, #tpu.memory_space<vmem>>[vector<16xi32>], vector<16xf32>,
        %add3A_266 = arith.constant 2 : i32
        %add3A_267 = vector.broadcast %add3A_266 : i32 to vector<16xi32>
        %add3A_268 = arith.addi %scan3A_225#1, %add3A_267 : vector<16xi32>
        %gather3A_269 = tpu.vector_load_idx %arg17[%add3A_268] : memref<1032xf32, #tpu.memory_space<vmem>>[vector<16xi32>], vector<16xf32>,
        %broadcast_in_dim3A_270 = arith.constant 0 : i32
        %broadcast_in_dim3A_271 = vector.broadcast %broadcast_in_dim3A_270 : i32 to vector<16xi32>
        %gather3A_272 = tpu.vector_load_idx %arg18[%broadcast_in_dim3A_271, %scan3A_225#1] : memref<9x1024xf32, #tpu.memory_space<vmem>>[vector<16xi32>, vector<16xi32>], vector<16xf32>,
        %broadcast_in_dim3A_273 = arith.constant 1 : i32
        %broadcast_in_dim3A_274 = vector.broadcast %broadcast_in_dim3A_273 : i32 to vector<16xi32>
        %gather3A_275 = tpu.vector_load_idx %arg18[%broadcast_in_dim3A_274, %scan3A_225#1] : memref<9x1024xf32, #tpu.memory_space<vmem>>[vector<16xi32>, vector<16xi32>], vector<16xf32>,
        %broadcast_in_dim3A_276 = arith.constant 2 : i32
        %broadcast_in_dim3A_277 = vector.broadcast %broadcast_in_dim3A_276 : i32 to vector<16xi32>
        %gather3A_278 = tpu.vector_load_idx %arg18[%broadcast_in_dim3A_277, %scan3A_225#1] : memref<9x1024xf32, #tpu.memory_space<vmem>>[vector<16xi32>, vector<16xi32>], vector<16xf32>,
        %broadcast_in_dim3A_279 = arith.constant 3 : i32
        %broadcast_in_dim3A_280 = vector.broadcast %broadcast_in_dim3A_279 : i32 to vector<16xi32>
        %gather3A_281 = tpu.vector_load_idx %arg18[%broadcast_in_dim3A_280, %scan3A_225#1] : memref<9x1024xf32, #tpu.memory_space<vmem>>[vector<16xi32>, vector<16xi32>], vector<16xf32>,
        %broadcast_in_dim3A_282 = arith.constant 4 : i32
        %broadcast_in_dim3A_283 = vector.broadcast %broadcast_in_dim3A_282 : i32 to vector<16xi32>
        %gather3A_284 = tpu.vector_load_idx %arg18[%broadcast_in_dim3A_283, %scan3A_225#1] : memref<9x1024xf32, #tpu.memory_space<vmem>>[vector<16xi32>, vector<16xi32>], vector<16xf32>,
        %broadcast_in_dim3A_285 = arith.constant 5 : i32
        %broadcast_in_dim3A_286 = vector.broadcast %broadcast_in_dim3A_285 : i32 to vector<16xi32>
        %gather3A_287 = tpu.vector_load_idx %arg18[%broadcast_in_dim3A_286, %scan3A_225#1] : memref<9x1024xf32, #tpu.memory_space<vmem>>[vector<16xi32>, vector<16xi32>], vector<16xf32>,
        %broadcast_in_dim3A_288 = arith.constant 6 : i32
        %broadcast_in_dim3A_289 = vector.broadcast %broadcast_in_dim3A_288 : i32 to vector<16xi32>
        %gather3A_290 = tpu.vector_load_idx %arg18[%broadcast_in_dim3A_289, %scan3A_225#1] : memref<9x1024xf32, #tpu.memory_space<vmem>>[vector<16xi32>, vector<16xi32>], vector<16xf32>,
        %broadcast_in_dim3A_291 = arith.constant 7 : i32
        %broadcast_in_dim3A_292 = vector.broadcast %broadcast_in_dim3A_291 : i32 to vector<16xi32>
        %gather3A_293 = tpu.vector_load_idx %arg18[%broadcast_in_dim3A_292, %scan3A_225#1] : memref<9x1024xf32, #tpu.memory_space<vmem>>[vector<16xi32>, vector<16xi32>], vector<16xf32>,
        %broadcast_in_dim3A_294 = arith.constant 8 : i32
        %broadcast_in_dim3A_295 = vector.broadcast %broadcast_in_dim3A_294 : i32 to vector<16xi32>
        %gather3A_296 = tpu.vector_load_idx %arg18[%broadcast_in_dim3A_295, %scan3A_225#1] : memref<9x1024xf32, #tpu.memory_space<vmem>>[vector<16xi32>, vector<16xi32>], vector<16xf32>,
        %gather3A_297 = tpu.vector_load_idx %arg19[%scan3A_225#1] : memref<1024xf32, #tpu.memory_space<vmem>>[vector<16xi32>], vector<16xf32>,
        %sub3A_298 = arith.subf %gather3A_92, %gather3A_237 : vector<16xf32>
        %sub3A_299 = arith.subf %gather3A_96, %gather3A_241 : vector<16xf32>
        %sub3A_300 = arith.subf %gather3A_100, %gather3A_245 : vector<16xf32>
        %mul3A_301 = arith.mulf %sub3A_298, %sub3A_298 : vector<16xf32>
        %mul3A_302 = arith.mulf %sub3A_299, %sub3A_299 : vector<16xf32>
        %add3A_303 = arith.addf %mul3A_301, %mul3A_302 : vector<16xf32>
        %mul3A_304 = arith.mulf %sub3A_300, %sub3A_300 : vector<16xf32>
        %add3A_305 = arith.addf %add3A_303, %mul3A_304 : vector<16xf32>
        %swap3A_306 = arith.constant 1 : i32
        %swap3A_307 = arith.index_cast %swap3A_306 : i32 to index
        %swap3A_308 = arith.index_cast %scan3A_85 : i32 to index
        %swap3A_309 = arith.constant 0 : index
        %swap3A_310 = tpu.vector_load %arg21[%swap3A_307, %swap3A_308, %swap3A_309] {strides = array<i32>} : memref<20x64x32xf32, #tpu.memory_space<vmem>>, vector<16xf32>,
        tpu.vector_store %arg21[%swap3A_307, %swap3A_308, %swap3A_309], %add3A_305 {strides = array<i32>} : memref<20x64x32xf32, #tpu.memory_space<vmem>>, vector<16xf32>,
        %sub3A_311 = arith.subf %gather3A_116, %gather3A_261 : vector<16xf32>
        %sub3A_312 = arith.subf %gather3A_120, %gather3A_265 : vector<16xf32>
        %sub3A_313 = arith.subf %gather3A_124, %gather3A_269 : vector<16xf32>
        %mul3A_314 = arith.mulf %sub3A_311, %sub3A_311 : vector<16xf32>
        %mul3A_315 = arith.mulf %sub3A_312, %sub3A_312 : vector<16xf32>
        %add3A_316 = arith.addf %mul3A_314, %mul3A_315 : vector<16xf32>
        %mul3A_317 = arith.mulf %sub3A_313, %sub3A_313 : vector<16xf32>
        %add3A_318 = arith.addf %add3A_316, %mul3A_317 : vector<16xf32>
        %swap3A_319 = arith.constant 2 : i32
        %swap3A_320 = arith.index_cast %swap3A_319 : i32 to index
        %swap3A_321 = arith.index_cast %scan3A_85 : i32 to index
        %swap3A_322 = arith.constant 0 : index
        %swap3A_323 = tpu.vector_load %arg21[%swap3A_320, %swap3A_321, %swap3A_322] {strides = array<i32>} : memref<20x64x32xf32, #tpu.memory_space<vmem>>, vector<16xf32>,
        tpu.vector_store %arg21[%swap3A_320, %swap3A_321, %swap3A_322], %add3A_318 {strides = array<i32>} : memref<20x64x32xf32, #tpu.memory_space<vmem>>, vector<16xf32>,
        %sub3A_324 = arith.subf %gather3A_92, %gather3A_249 : vector<16xf32>
        %sub3A_325 = arith.subf %gather3A_96, %gather3A_253 : vector<16xf32>
        %sub3A_326 = arith.subf %gather3A_100, %gather3A_257 : vector<16xf32>
        %mul3A_327 = arith.mulf %sub3A_324, %sub3A_324 : vector<16xf32>
        %mul3A_328 = arith.mulf %sub3A_325, %sub3A_325 : vector<16xf32>
        %add3A_329 = arith.addf %mul3A_327, %mul3A_328 : vector<16xf32>
        %mul3A_330 = arith.mulf %sub3A_326, %sub3A_326 : vector<16xf32>
        %add3A_331 = arith.addf %add3A_329, %mul3A_330 : vector<16xf32>
        %swap3A_332 = arith.constant 3 : i32
        %swap3A_333 = arith.index_cast %swap3A_332 : i32 to index
        %swap3A_334 = arith.index_cast %scan3A_85 : i32 to index
        %swap3A_335 = arith.constant 0 : index
        %swap3A_336 = tpu.vector_load %arg21[%swap3A_333, %swap3A_334, %swap3A_335] {strides = array<i32>} : memref<20x64x32xf32, #tpu.memory_space<vmem>>, vector<16xf32>,
        tpu.vector_store %arg21[%swap3A_333, %swap3A_334, %swap3A_335], %add3A_331 {strides = array<i32>} : memref<20x64x32xf32, #tpu.memory_space<vmem>>, vector<16xf32>,
        %sub3A_337 = arith.subf %gather3A_92, %gather3A_261 : vector<16xf32>
        %sub3A_338 = arith.subf %gather3A_96, %gather3A_265 : vector<16xf32>
        %sub3A_339 = arith.subf %gather3A_100, %gather3A_269 : vector<16xf32>
        %mul3A_340 = arith.mulf %sub3A_337, %sub3A_337 : vector<16xf32>
        %mul3A_341 = arith.mulf %sub3A_338, %sub3A_338 : vector<16xf32>
        %add3A_342 = arith.addf %mul3A_340, %mul3A_341 : vector<16xf32>
        %mul3A_343 = arith.mulf %sub3A_339, %sub3A_339 : vector<16xf32>
        %add3A_344 = arith.addf %add3A_342, %mul3A_343 : vector<16xf32>
        %swap3A_345 = arith.constant 4 : i32
        %swap3A_346 = arith.index_cast %swap3A_345 : i32 to index
        %swap3A_347 = arith.index_cast %scan3A_85 : i32 to index
        %swap3A_348 = arith.constant 0 : index
        %swap3A_349 = tpu.vector_load %arg21[%swap3A_346, %swap3A_347, %swap3A_348] {strides = array<i32>} : memref<20x64x32xf32, #tpu.memory_space<vmem>>, vector<16xf32>,
        tpu.vector_store %arg21[%swap3A_346, %swap3A_347, %swap3A_348], %add3A_344 {strides = array<i32>} : memref<20x64x32xf32, #tpu.memory_space<vmem>>, vector<16xf32>,
        %sub3A_350 = arith.subf %gather3A_104, %gather3A_237 : vector<16xf32>
        %sub3A_351 = arith.subf %gather3A_108, %gather3A_241 : vector<16xf32>
        %sub3A_352 = arith.subf %gather3A_112, %gather3A_245 : vector<16xf32>
        %mul3A_353 = arith.mulf %sub3A_350, %sub3A_350 : vector<16xf32>
        %mul3A_354 = arith.mulf %sub3A_351, %sub3A_351 : vector<16xf32>
        %add3A_355 = arith.addf %mul3A_353, %mul3A_354 : vector<16xf32>
        %mul3A_356 = arith.mulf %sub3A_352, %sub3A_352 : vector<16xf32>
        %add3A_357 = arith.addf %add3A_355, %mul3A_356 : vector<16xf32>
        %swap3A_358 = arith.constant 5 : i32
        %swap3A_359 = arith.index_cast %swap3A_358 : i32 to index
        %swap3A_360 = arith.index_cast %scan3A_85 : i32 to index
        %swap3A_361 = arith.constant 0 : index
        %swap3A_362 = tpu.vector_load %arg21[%swap3A_359, %swap3A_360, %swap3A_361] {strides = array<i32>} : memref<20x64x32xf32, #tpu.memory_space<vmem>>, vector<16xf32>,
        tpu.vector_store %arg21[%swap3A_359, %swap3A_360, %swap3A_361], %add3A_357 {strides = array<i32>} : memref<20x64x32xf32, #tpu.memory_space<vmem>>, vector<16xf32>,
        %sub3A_363 = arith.subf %gather3A_104, %gather3A_261 : vector<16xf32>
        %sub3A_364 = arith.subf %gather3A_108, %gather3A_265 : vector<16xf32>
        %sub3A_365 = arith.subf %gather3A_112, %gather3A_269 : vector<16xf32>
        %mul3A_366 = arith.mulf %sub3A_363, %sub3A_363 : vector<16xf32>
        %mul3A_367 = arith.mulf %sub3A_364, %sub3A_364 : vector<16xf32>
        %add3A_368 = arith.addf %mul3A_366, %mul3A_367 : vector<16xf32>
        %mul3A_369 = arith.mulf %sub3A_365, %sub3A_365 : vector<16xf32>
        %add3A_370 = arith.addf %add3A_368, %mul3A_369 : vector<16xf32>
        %swap3A_371 = arith.constant 6 : i32
        %swap3A_372 = arith.index_cast %swap3A_371 : i32 to index
        %swap3A_373 = arith.index_cast %scan3A_85 : i32 to index
        %swap3A_374 = arith.constant 0 : index
        %swap3A_375 = tpu.vector_load %arg21[%swap3A_372, %swap3A_373, %swap3A_374] {strides = array<i32>} : memref<20x64x32xf32, #tpu.memory_space<vmem>>, vector<16xf32>,
        tpu.vector_store %arg21[%swap3A_372, %swap3A_373, %swap3A_374], %add3A_370 {strides = array<i32>} : memref<20x64x32xf32, #tpu.memory_space<vmem>>, vector<16xf32>,
        %sub3A_376 = arith.subf %gather3A_116, %gather3A_237 : vector<16xf32>
        %sub3A_377 = arith.subf %gather3A_120, %gather3A_241 : vector<16xf32>
        %sub3A_378 = arith.subf %gather3A_124, %gather3A_245 : vector<16xf32>
        %mul3A_379 = arith.mulf %sub3A_376, %sub3A_376 : vector<16xf32>
        %mul3A_380 = arith.mulf %sub3A_377, %sub3A_377 : vector<16xf32>
        %add3A_381 = arith.addf %mul3A_379, %mul3A_380 : vector<16xf32>
        %mul3A_382 = arith.mulf %sub3A_378, %sub3A_378 : vector<16xf32>
        %add3A_383 = arith.addf %add3A_381, %mul3A_382 : vector<16xf32>
        %swap3A_384 = arith.constant 7 : i32
        %swap3A_385 = arith.index_cast %swap3A_384 : i32 to index
        %swap3A_386 = arith.index_cast %scan3A_85 : i32 to index
        %swap3A_387 = arith.constant 0 : index
        %swap3A_388 = tpu.vector_load %arg21[%swap3A_385, %swap3A_386, %swap3A_387] {strides = array<i32>} : memref<20x64x32xf32, #tpu.memory_space<vmem>>, vector<16xf32>,
        tpu.vector_store %arg21[%swap3A_385, %swap3A_386, %swap3A_387], %add3A_383 {strides = array<i32>} : memref<20x64x32xf32, #tpu.memory_space<vmem>>, vector<16xf32>,
        %sub3A_389 = arith.subf %gather3A_116, %gather3A_249 : vector<16xf32>
        %sub3A_390 = arith.subf %gather3A_120, %gather3A_253 : vector<16xf32>
        %sub3A_391 = arith.subf %gather3A_124, %gather3A_257 : vector<16xf32>
        %mul3A_392 = arith.mulf %sub3A_389, %sub3A_389 : vector<16xf32>
        %mul3A_393 = arith.mulf %sub3A_390, %sub3A_390 : vector<16xf32>
        %add3A_394 = arith.addf %mul3A_392, %mul3A_393 : vector<16xf32>
        %mul3A_395 = arith.mulf %sub3A_391, %sub3A_391 : vector<16xf32>
        %add3A_396 = arith.addf %add3A_394, %mul3A_395 : vector<16xf32>
        %swap3A_397 = arith.constant 8 : i32
        %swap3A_398 = arith.index_cast %swap3A_397 : i32 to index
        %swap3A_399 = arith.index_cast %scan3A_85 : i32 to index
        %swap3A_400 = arith.constant 0 : index
        %swap3A_401 = tpu.vector_load %arg21[%swap3A_398, %swap3A_399, %swap3A_400] {strides = array<i32>} : memref<20x64x32xf32, #tpu.memory_space<vmem>>, vector<16xf32>,
        tpu.vector_store %arg21[%swap3A_398, %swap3A_399, %swap3A_400], %add3A_396 {strides = array<i32>} : memref<20x64x32xf32, #tpu.memory_space<vmem>>, vector<16xf32>,
        %sub3A_402 = arith.subf %gather3A_249, %gather3A_104 : vector<16xf32>
        %sub3A_403 = arith.subf %gather3A_253, %gather3A_108 : vector<16xf32>
        %sub3A_404 = arith.subf %gather3A_257, %gather3A_112 : vector<16xf32>
        %mul3A_405 = arith.mulf %gather3A_127, %sub3A_402 : vector<16xf32>
        %mul3A_406 = arith.mulf %gather3A_130, %sub3A_403 : vector<16xf32>
        %add3A_407 = arith.addf %mul3A_405, %mul3A_406 : vector<16xf32>
        %mul3A_408 = arith.mulf %gather3A_133, %sub3A_404 : vector<16xf32>
        %add3A_409 = arith.addf %add3A_407, %mul3A_408 : vector<16xf32>
        %swap3A_410 = arith.constant 9 : i32
        %swap3A_411 = arith.index_cast %swap3A_410 : i32 to index
        %swap3A_412 = arith.index_cast %scan3A_85 : i32 to index
        %swap3A_413 = arith.constant 0 : index
        %swap3A_414 = tpu.vector_load %arg21[%swap3A_411, %swap3A_412, %swap3A_413] {strides = array<i32>} : memref<20x64x32xf32, #tpu.memory_space<vmem>>, vector<16xf32>,
        tpu.vector_store %arg21[%swap3A_411, %swap3A_412, %swap3A_413], %add3A_409 {strides = array<i32>} : memref<20x64x32xf32, #tpu.memory_space<vmem>>, vector<16xf32>,
        %mul3A_415 = arith.mulf %gather3A_136, %sub3A_402 : vector<16xf32>
        %mul3A_416 = arith.mulf %gather3A_139, %sub3A_403 : vector<16xf32>
        %add3A_417 = arith.addf %mul3A_415, %mul3A_416 : vector<16xf32>
        %mul3A_418 = arith.mulf %gather3A_142, %sub3A_404 : vector<16xf32>
        %add3A_419 = arith.addf %add3A_417, %mul3A_418 : vector<16xf32>
        %swap3A_420 = arith.constant 10 : i32
        %swap3A_421 = arith.index_cast %swap3A_420 : i32 to index
        %swap3A_422 = arith.index_cast %scan3A_85 : i32 to index
        %swap3A_423 = arith.constant 0 : index
        %swap3A_424 = tpu.vector_load %arg21[%swap3A_421, %swap3A_422, %swap3A_423] {strides = array<i32>} : memref<20x64x32xf32, #tpu.memory_space<vmem>>, vector<16xf32>,
        tpu.vector_store %arg21[%swap3A_421, %swap3A_422, %swap3A_423], %add3A_419 {strides = array<i32>} : memref<20x64x32xf32, #tpu.memory_space<vmem>>, vector<16xf32>,
        %mul3A_425 = arith.mulf %gather3A_145, %sub3A_402 : vector<16xf32>
        %mul3A_426 = arith.mulf %gather3A_148, %sub3A_403 : vector<16xf32>
        %add3A_427 = arith.addf %mul3A_425, %mul3A_426 : vector<16xf32>
        %mul3A_428 = arith.mulf %gather3A_151, %sub3A_404 : vector<16xf32>
        %add3A_429 = arith.addf %add3A_427, %mul3A_428 : vector<16xf32>
        %swap3A_430 = arith.constant 11 : i32
        %swap3A_431 = arith.index_cast %swap3A_430 : i32 to index
        %swap3A_432 = arith.index_cast %scan3A_85 : i32 to index
        %swap3A_433 = arith.constant 0 : index
        %swap3A_434 = tpu.vector_load %arg21[%swap3A_431, %swap3A_432, %swap3A_433] {strides = array<i32>} : memref<20x64x32xf32, #tpu.memory_space<vmem>>, vector<16xf32>,
        tpu.vector_store %arg21[%swap3A_431, %swap3A_432, %swap3A_433], %add3A_429 {strides = array<i32>} : memref<20x64x32xf32, #tpu.memory_space<vmem>>, vector<16xf32>,
        %mul3A_435 = arith.mulf %gather3A_133, %gather3A_275 : vector<16xf32>
        %mul3A_436 = arith.mulf %gather3A_142, %gather3A_284 : vector<16xf32>
        %add3A_437 = arith.addf %mul3A_435, %mul3A_436 : vector<16xf32>
        %mul3A_438 = arith.mulf %gather3A_151, %gather3A_293 : vector<16xf32>
        %add3A_439 = arith.addf %add3A_437, %mul3A_438 : vector<16xf32>
        %mul3A_440 = arith.mulf %gather3A_130, %gather3A_278 : vector<16xf32>
        %mul3A_441 = arith.mulf %gather3A_139, %gather3A_287 : vector<16xf32>
        %add3A_442 = arith.addf %mul3A_440, %mul3A_441 : vector<16xf32>
        %mul3A_443 = arith.mulf %gather3A_148, %gather3A_296 : vector<16xf32>
        %add3A_444 = arith.addf %add3A_442, %mul3A_443 : vector<16xf32>
        %sub3A_445 = arith.subf %add3A_439, %add3A_444 : vector<16xf32>
        %swap3A_446 = arith.constant 12 : i32
        %swap3A_447 = arith.index_cast %swap3A_446 : i32 to index
        %swap3A_448 = arith.index_cast %scan3A_85 : i32 to index
        %swap3A_449 = arith.constant 0 : index
        %swap3A_450 = tpu.vector_load %arg21[%swap3A_447, %swap3A_448, %swap3A_449] {strides = array<i32>} : memref<20x64x32xf32, #tpu.memory_space<vmem>>, vector<16xf32>,
        tpu.vector_store %arg21[%swap3A_447, %swap3A_448, %swap3A_449], %sub3A_445 {strides = array<i32>} : memref<20x64x32xf32, #tpu.memory_space<vmem>>, vector<16xf32>,
        %mul3A_451 = arith.mulf %gather3A_127, %gather3A_278 : vector<16xf32>
        %mul3A_452 = arith.mulf %gather3A_136, %gather3A_287 : vector<16xf32>
        %add3A_453 = arith.addf %mul3A_451, %mul3A_452 : vector<16xf32>
        %mul3A_454 = arith.mulf %gather3A_145, %gather3A_296 : vector<16xf32>
        %add3A_455 = arith.addf %add3A_453, %mul3A_454 : vector<16xf32>
        %mul3A_456 = arith.mulf %gather3A_133, %gather3A_272 : vector<16xf32>
        %mul3A_457 = arith.mulf %gather3A_142, %gather3A_281 : vector<16xf32>
        %add3A_458 = arith.addf %mul3A_456, %mul3A_457 : vector<16xf32>
        %mul3A_459 = arith.mulf %gather3A_151, %gather3A_290 : vector<16xf32>
        %add3A_460 = arith.addf %add3A_458, %mul3A_459 : vector<16xf32>
        %sub3A_461 = arith.subf %add3A_455, %add3A_460 : vector<16xf32>
        %swap3A_462 = arith.constant 13 : i32
        %swap3A_463 = arith.index_cast %swap3A_462 : i32 to index
        %swap3A_464 = arith.index_cast %scan3A_85 : i32 to index
        %swap3A_465 = arith.constant 0 : index
        %swap3A_466 = tpu.vector_load %arg21[%swap3A_463, %swap3A_464, %swap3A_465] {strides = array<i32>} : memref<20x64x32xf32, #tpu.memory_space<vmem>>, vector<16xf32>,
        tpu.vector_store %arg21[%swap3A_463, %swap3A_464, %swap3A_465], %sub3A_461 {strides = array<i32>} : memref<20x64x32xf32, #tpu.memory_space<vmem>>, vector<16xf32>,
        %mul3A_467 = arith.mulf %gather3A_130, %gather3A_272 : vector<16xf32>
        %mul3A_468 = arith.mulf %gather3A_139, %gather3A_281 : vector<16xf32>
        %add3A_469 = arith.addf %mul3A_467, %mul3A_468 : vector<16xf32>
        %mul3A_470 = arith.mulf %gather3A_148, %gather3A_290 : vector<16xf32>
        %add3A_471 = arith.addf %add3A_469, %mul3A_470 : vector<16xf32>
        %mul3A_472 = arith.mulf %gather3A_127, %gather3A_275 : vector<16xf32>
        %mul3A_473 = arith.mulf %gather3A_136, %gather3A_284 : vector<16xf32>
        %add3A_474 = arith.addf %mul3A_472, %mul3A_473 : vector<16xf32>
        %mul3A_475 = arith.mulf %gather3A_145, %gather3A_293 : vector<16xf32>
        %add3A_476 = arith.addf %add3A_474, %mul3A_475 : vector<16xf32>
        %sub3A_477 = arith.subf %add3A_471, %add3A_476 : vector<16xf32>
        %swap3A_478 = arith.constant 14 : i32
        %swap3A_479 = arith.index_cast %swap3A_478 : i32 to index
        %swap3A_480 = arith.index_cast %scan3A_85 : i32 to index
        %swap3A_481 = arith.constant 0 : index
        %swap3A_482 = tpu.vector_load %arg21[%swap3A_479, %swap3A_480, %swap3A_481] {strides = array<i32>} : memref<20x64x32xf32, #tpu.memory_space<vmem>>, vector<16xf32>,
        tpu.vector_store %arg21[%swap3A_479, %swap3A_480, %swap3A_481], %sub3A_477 {strides = array<i32>} : memref<20x64x32xf32, #tpu.memory_space<vmem>>, vector<16xf32>,
        %mul3A_483 = arith.mulf %gather3A_127, %gather3A_272 : vector<16xf32>
        %mul3A_484 = arith.mulf %gather3A_136, %gather3A_281 : vector<16xf32>
        %add3A_485 = arith.addf %mul3A_483, %mul3A_484 : vector<16xf32>
        %mul3A_486 = arith.mulf %gather3A_145, %gather3A_290 : vector<16xf32>
        %add3A_487 = arith.addf %add3A_485, %mul3A_486 : vector<16xf32>
        %mul3A_488 = arith.mulf %gather3A_130, %gather3A_275 : vector<16xf32>
        %mul3A_489 = arith.mulf %gather3A_139, %gather3A_284 : vector<16xf32>
        %add3A_490 = arith.addf %mul3A_488, %mul3A_489 : vector<16xf32>
        %mul3A_491 = arith.mulf %gather3A_148, %gather3A_293 : vector<16xf32>
        %add3A_492 = arith.addf %add3A_490, %mul3A_491 : vector<16xf32>
        %mul3A_493 = arith.mulf %gather3A_133, %gather3A_278 : vector<16xf32>
        %mul3A_494 = arith.mulf %gather3A_142, %gather3A_287 : vector<16xf32>
        %add3A_495 = arith.addf %mul3A_493, %mul3A_494 : vector<16xf32>
        %mul3A_496 = arith.mulf %gather3A_151, %gather3A_296 : vector<16xf32>
        %add3A_497 = arith.addf %add3A_495, %mul3A_496 : vector<16xf32>
        %add3A_498 = arith.constant 1.000000e+00 : f32
        %add3A_499 = vector.broadcast %add3A_498 : f32 to vector<16xf32>
        %add3A_500 = arith.addf %add3A_499, %add3A_487 : vector<16xf32>
        %sub3A_501 = arith.subf %add3A_500, %add3A_492 : vector<16xf32>
        %sub3A_502 = arith.subf %sub3A_501, %add3A_497 : vector<16xf32>
        %swap3A_503 = arith.constant 15 : i32
        %swap3A_504 = arith.index_cast %swap3A_503 : i32 to index
        %swap3A_505 = arith.index_cast %scan3A_85 : i32 to index
        %swap3A_506 = arith.constant 0 : index
        %swap3A_507 = tpu.vector_load %arg21[%swap3A_504, %swap3A_505, %swap3A_506] {strides = array<i32>} : memref<20x64x32xf32, #tpu.memory_space<vmem>>, vector<16xf32>,
        tpu.vector_store %arg21[%swap3A_504, %swap3A_505, %swap3A_506], %sub3A_502 {strides = array<i32>} : memref<20x64x32xf32, #tpu.memory_space<vmem>>, vector<16xf32>,
        %sub3A_508 = arith.constant 1.000000e+00 : f32
        %sub3A_509 = vector.broadcast %sub3A_508 : f32 to vector<16xf32>
        %sub3A_510 = arith.subf %sub3A_509, %add3A_487 : vector<16xf32>
        %add3A_511 = arith.addf %sub3A_510, %add3A_492 : vector<16xf32>
        %sub3A_512 = arith.subf %add3A_511, %add3A_497 : vector<16xf32>
        %swap3A_513 = arith.constant 16 : i32
        %swap3A_514 = arith.index_cast %swap3A_513 : i32 to index
        %swap3A_515 = arith.index_cast %scan3A_85 : i32 to index
        %swap3A_516 = arith.constant 0 : index
        %swap3A_517 = tpu.vector_load %arg21[%swap3A_514, %swap3A_515, %swap3A_516] {strides = array<i32>} : memref<20x64x32xf32, #tpu.memory_space<vmem>>, vector<16xf32>,
        tpu.vector_store %arg21[%swap3A_514, %swap3A_515, %swap3A_516], %sub3A_512 {strides = array<i32>} : memref<20x64x32xf32, #tpu.memory_space<vmem>>, vector<16xf32>,
        %sub3A_518 = arith.constant 1.000000e+00 : f32
        %sub3A_519 = vector.broadcast %sub3A_518 : f32 to vector<16xf32>
        %sub3A_520 = arith.subf %sub3A_519, %add3A_487 : vector<16xf32>
        %sub3A_521 = arith.subf %sub3A_520, %add3A_492 : vector<16xf32>
        %add3A_522 = arith.addf %sub3A_521, %add3A_497 : vector<16xf32>
        %swap3A_523 = arith.constant 17 : i32
        %swap3A_524 = arith.index_cast %swap3A_523 : i32 to index
        %swap3A_525 = arith.index_cast %scan3A_85 : i32 to index
        %swap3A_526 = arith.constant 0 : index
        %swap3A_527 = tpu.vector_load %arg21[%swap3A_524, %swap3A_525, %swap3A_526] {strides = array<i32>} : memref<20x64x32xf32, #tpu.memory_space<vmem>>, vector<16xf32>,
        tpu.vector_store %arg21[%swap3A_524, %swap3A_525, %swap3A_526], %add3A_522 {strides = array<i32>} : memref<20x64x32xf32, #tpu.memory_space<vmem>>, vector<16xf32>,
        %add3A_528 = arith.constant 1.000000e+00 : f32
        %add3A_529 = vector.broadcast %add3A_528 : f32 to vector<16xf32>
        %add3A_530 = arith.addf %add3A_529, %add3A_487 : vector<16xf32>
        %add3A_531 = arith.addf %add3A_530, %add3A_492 : vector<16xf32>
        %add3A_532 = arith.addf %add3A_531, %add3A_497 : vector<16xf32>
        %swap3A_533 = arith.constant 18 : i32
        %swap3A_534 = arith.index_cast %swap3A_533 : i32 to index
        %swap3A_535 = arith.index_cast %scan3A_85 : i32 to index
        %swap3A_536 = arith.constant 0 : index
        %swap3A_537 = tpu.vector_load %arg21[%swap3A_534, %swap3A_535, %swap3A_536] {strides = array<i32>} : memref<20x64x32xf32, #tpu.memory_space<vmem>>, vector<16xf32>,
        tpu.vector_store %arg21[%swap3A_534, %swap3A_535, %swap3A_536], %add3A_532 {strides = array<i32>} : memref<20x64x32xf32, #tpu.memory_space<vmem>>, vector<16xf32>,
        %sub3A_538 = arith.subi %broadcast_in_dim3A, %scan3A_225#1 : vector<16xi32>
        %add3A_539 = arith.constant 32 : i32
        %add3A_540 = vector.broadcast %add3A_539 : i32 to vector<16xi32>
        %add3A_541 = arith.addi %sub3A_538, %add3A_540 : vector<16xi32>
        %jit3A_542 = arith.constant 0 : i32
        %jit3A_543 = arith.constant 64 : i32
        %max3A = vector.broadcast %jit3A_542 : i32 to vector<16xi32>
        %max3A_544 = arith.maxsi %max3A, %add3A_541 : vector<16xi32>
        %min3A = vector.broadcast %jit3A_543 : i32 to vector<16xi32>
        %min3A_545 = arith.minsi %min3A, %max3A_544 : vector<16xi32>
        %eq3A_546 = arith.cmpf oeq, %gather3A_297, %gather3A_152 : vector<16xf32>
        %jit3A_547 = arith.constant 65 : i32
        %broadcast_in_dim3A_548 = vector.broadcast %jit3A_547 : i32 to vector<16xi32>
        %select_n3A_549 = arith.select %eq3A_546, %min3A_545, %broadcast_in_dim3A_548 : vector<16xi1>, vector<16xi32>
        %convert_element_type3A = arith.sitofp %select_n3A_549 : vector<16xi32> to vector<16xf32>
        %swap3A_550 = arith.constant 19 : i32
        %swap3A_551 = arith.index_cast %swap3A_550 : i32 to index
        %swap3A_552 = arith.index_cast %scan3A_85 : i32 to index
        %swap3A_553 = arith.constant 0 : index
        %swap3A_554 = tpu.vector_load %arg21[%swap3A_551, %swap3A_552, %swap3A_553] {strides = array<i32>} : memref<20x64x32xf32, #tpu.memory_space<vmem>>, vector<16xf32>,
        tpu.vector_store %arg21[%swap3A_551, %swap3A_552, %swap3A_553], %convert_element_type3A {strides = array<i32>} : memref<20x64x32xf32, #tpu.memory_space<vmem>>, vector<16xf32>,
        %swap3A_555 = arith.index_cast %scan3A_85 : i32 to index
        %swap3A_556 = arith.constant 16 : index
        %swap3A_557 = tpu.vector_load %arg20[%swap3A_555, %swap3A_556] {strides = array<i32>} : memref<64x32xi32, #tpu.memory_space<vmem>>, vector<16xi32>,
        tpu.vector_store %arg20[%swap3A_555, %swap3A_556], %scan3A_225#3 {strides = array<i32>} : memref<64x32xi32, #tpu.memory_space<vmem>>, vector<16xi32>,
        %swap3A_558 = arith.constant 0 : i32
        %swap3A_559 = arith.index_cast %swap3A_558 : i32 to index
        %swap3A_560 = arith.index_cast %scan3A_85 : i32 to index
        %swap3A_561 = arith.constant 16 : index
        %swap3A_562 = tpu.vector_load %arg21[%swap3A_559, %swap3A_560, %swap3A_561] {strides = array<i32>} : memref<20x64x32xf32, #tpu.memory_space<vmem>>, vector<16xf32>,
        tpu.vector_store %arg21[%swap3A_559, %swap3A_560, %swap3A_561], %scan3A_225#2 {strides = array<i32>} : memref<20x64x32xf32, #tpu.memory_space<vmem>>, vector<16xf32>,
        %add3A_563 = arith.constant 0 : i32
        %add3A_564 = vector.broadcast %add3A_563 : i32 to vector<16xi32>
        %add3A_565 = arith.addi %scan3A_225#3, %add3A_564 : vector<16xi32>
        %gather3A_566 = tpu.vector_load_idx %arg15[%add3A_565] : memref<1032xf32, #tpu.memory_space<vmem>>[vector<16xi32>], vector<16xf32>,
        %add3A_567 = arith.constant 0 : i32
        %add3A_568 = vector.broadcast %add3A_567 : i32 to vector<16xi32>
        %add3A_569 = arith.addi %scan3A_225#3, %add3A_568 : vector<16xi32>
        %gather3A_570 = tpu.vector_load_idx %arg16[%add3A_569] : memref<1032xf32, #tpu.memory_space<vmem>>[vector<16xi32>], vector<16xf32>,
        %add3A_571 = arith.constant 0 : i32
        %add3A_572 = vector.broadcast %add3A_571 : i32 to vector<16xi32>
        %add3A_573 = arith.addi %scan3A_225#3, %add3A_572 : vector<16xi32>
        %gather3A_574 = tpu.vector_load_idx %arg17[%add3A_573] : memref<1032xf32, #tpu.memory_space<vmem>>[vector<16xi32>], vector<16xf32>,
        %add3A_575 = arith.constant 1 : i32
        %add3A_576 = vector.broadcast %add3A_575 : i32 to vector<16xi32>
        %add3A_577 = arith.addi %scan3A_225#3, %add3A_576 : vector<16xi32>
        %gather3A_578 = tpu.vector_load_idx %arg15[%add3A_577] : memref<1032xf32, #tpu.memory_space<vmem>>[vector<16xi32>], vector<16xf32>,
        %add3A_579 = arith.constant 1 : i32
        %add3A_580 = vector.broadcast %add3A_579 : i32 to vector<16xi32>
        %add3A_581 = arith.addi %scan3A_225#3, %add3A_580 : vector<16xi32>
        %gather3A_582 = tpu.vector_load_idx %arg16[%add3A_581] : memref<1032xf32, #tpu.memory_space<vmem>>[vector<16xi32>], vector<16xf32>,
        %add3A_583 = arith.constant 1 : i32
        %add3A_584 = vector.broadcast %add3A_583 : i32 to vector<16xi32>
        %add3A_585 = arith.addi %scan3A_225#3, %add3A_584 : vector<16xi32>
        %gather3A_586 = tpu.vector_load_idx %arg17[%add3A_585] : memref<1032xf32, #tpu.memory_space<vmem>>[vector<16xi32>], vector<16xf32>,
        %add3A_587 = arith.constant 2 : i32
        %add3A_588 = vector.broadcast %add3A_587 : i32 to vector<16xi32>
        %add3A_589 = arith.addi %scan3A_225#3, %add3A_588 : vector<16xi32>
        %gather3A_590 = tpu.vector_load_idx %arg15[%add3A_589] : memref<1032xf32, #tpu.memory_space<vmem>>[vector<16xi32>], vector<16xf32>,
        %add3A_591 = arith.constant 2 : i32
        %add3A_592 = vector.broadcast %add3A_591 : i32 to vector<16xi32>
        %add3A_593 = arith.addi %scan3A_225#3, %add3A_592 : vector<16xi32>
        %gather3A_594 = tpu.vector_load_idx %arg16[%add3A_593] : memref<1032xf32, #tpu.memory_space<vmem>>[vector<16xi32>], vector<16xf32>,
        %add3A_595 = arith.constant 2 : i32
        %add3A_596 = vector.broadcast %add3A_595 : i32 to vector<16xi32>
        %add3A_597 = arith.addi %scan3A_225#3, %add3A_596 : vector<16xi32>
        %gather3A_598 = tpu.vector_load_idx %arg17[%add3A_597] : memref<1032xf32, #tpu.memory_space<vmem>>[vector<16xi32>], vector<16xf32>,
        %broadcast_in_dim3A_599 = arith.constant 0 : i32
        %broadcast_in_dim3A_600 = vector.broadcast %broadcast_in_dim3A_599 : i32 to vector<16xi32>
        %gather3A_601 = tpu.vector_load_idx %arg18[%broadcast_in_dim3A_600, %scan3A_225#3] : memref<9x1024xf32, #tpu.memory_space<vmem>>[vector<16xi32>, vector<16xi32>], vector<16xf32>,
        %broadcast_in_dim3A_602 = arith.constant 1 : i32
        %broadcast_in_dim3A_603 = vector.broadcast %broadcast_in_dim3A_602 : i32 to vector<16xi32>
        %gather3A_604 = tpu.vector_load_idx %arg18[%broadcast_in_dim3A_603, %scan3A_225#3] : memref<9x1024xf32, #tpu.memory_space<vmem>>[vector<16xi32>, vector<16xi32>], vector<16xf32>,
        %broadcast_in_dim3A_605 = arith.constant 2 : i32
        %broadcast_in_dim3A_606 = vector.broadcast %broadcast_in_dim3A_605 : i32 to vector<16xi32>
        %gather3A_607 = tpu.vector_load_idx %arg18[%broadcast_in_dim3A_606, %scan3A_225#3] : memref<9x1024xf32, #tpu.memory_space<vmem>>[vector<16xi32>, vector<16xi32>], vector<16xf32>,
        %broadcast_in_dim3A_608 = arith.constant 3 : i32
        %broadcast_in_dim3A_609 = vector.broadcast %broadcast_in_dim3A_608 : i32 to vector<16xi32>
        %gather3A_610 = tpu.vector_load_idx %arg18[%broadcast_in_dim3A_609, %scan3A_225#3] : memref<9x1024xf32, #tpu.memory_space<vmem>>[vector<16xi32>, vector<16xi32>], vector<16xf32>,
        %broadcast_in_dim3A_611 = arith.constant 4 : i32
        %broadcast_in_dim3A_612 = vector.broadcast %broadcast_in_dim3A_611 : i32 to vector<16xi32>
        %gather3A_613 = tpu.vector_load_idx %arg18[%broadcast_in_dim3A_612, %scan3A_225#3] : memref<9x1024xf32, #tpu.memory_space<vmem>>[vector<16xi32>, vector<16xi32>], vector<16xf32>,
        %broadcast_in_dim3A_614 = arith.constant 5 : i32
        %broadcast_in_dim3A_615 = vector.broadcast %broadcast_in_dim3A_614 : i32 to vector<16xi32>
        %gather3A_616 = tpu.vector_load_idx %arg18[%broadcast_in_dim3A_615, %scan3A_225#3] : memref<9x1024xf32, #tpu.memory_space<vmem>>[vector<16xi32>, vector<16xi32>], vector<16xf32>,
        %broadcast_in_dim3A_617 = arith.constant 6 : i32
        %broadcast_in_dim3A_618 = vector.broadcast %broadcast_in_dim3A_617 : i32 to vector<16xi32>
        %gather3A_619 = tpu.vector_load_idx %arg18[%broadcast_in_dim3A_618, %scan3A_225#3] : memref<9x1024xf32, #tpu.memory_space<vmem>>[vector<16xi32>, vector<16xi32>], vector<16xf32>,
        %broadcast_in_dim3A_620 = arith.constant 7 : i32
        %broadcast_in_dim3A_621 = vector.broadcast %broadcast_in_dim3A_620 : i32 to vector<16xi32>
        %gather3A_622 = tpu.vector_load_idx %arg18[%broadcast_in_dim3A_621, %scan3A_225#3] : memref<9x1024xf32, #tpu.memory_space<vmem>>[vector<16xi32>, vector<16xi32>], vector<16xf32>,
        %broadcast_in_dim3A_623 = arith.constant 8 : i32
        %broadcast_in_dim3A_624 = vector.broadcast %broadcast_in_dim3A_623 : i32 to vector<16xi32>
        %gather3A_625 = tpu.vector_load_idx %arg18[%broadcast_in_dim3A_624, %scan3A_225#3] : memref<9x1024xf32, #tpu.memory_space<vmem>>[vector<16xi32>, vector<16xi32>], vector<16xf32>,
        %gather3A_626 = tpu.vector_load_idx %arg19[%scan3A_225#3] : memref<1024xf32, #tpu.memory_space<vmem>>[vector<16xi32>], vector<16xf32>,
        %sub3A_627 = arith.subf %gather3A_92, %gather3A_566 : vector<16xf32>
        %sub3A_628 = arith.subf %gather3A_96, %gather3A_570 : vector<16xf32>
        %sub3A_629 = arith.subf %gather3A_100, %gather3A_574 : vector<16xf32>
        %mul3A_630 = arith.mulf %sub3A_627, %sub3A_627 : vector<16xf32>
        %mul3A_631 = arith.mulf %sub3A_628, %sub3A_628 : vector<16xf32>
        %add3A_632 = arith.addf %mul3A_630, %mul3A_631 : vector<16xf32>
        %mul3A_633 = arith.mulf %sub3A_629, %sub3A_629 : vector<16xf32>
        %add3A_634 = arith.addf %add3A_632, %mul3A_633 : vector<16xf32>
        %swap3A_635 = arith.constant 1 : i32
        %swap3A_636 = arith.index_cast %swap3A_635 : i32 to index
        %swap3A_637 = arith.index_cast %scan3A_85 : i32 to index
        %swap3A_638 = arith.constant 16 : index
        %swap3A_639 = tpu.vector_load %arg21[%swap3A_636, %swap3A_637, %swap3A_638] {strides = array<i32>} : memref<20x64x32xf32, #tpu.memory_space<vmem>>, vector<16xf32>,
        tpu.vector_store %arg21[%swap3A_636, %swap3A_637, %swap3A_638], %add3A_634 {strides = array<i32>} : memref<20x64x32xf32, #tpu.memory_space<vmem>>, vector<16xf32>,
        %sub3A_640 = arith.subf %gather3A_116, %gather3A_590 : vector<16xf32>
        %sub3A_641 = arith.subf %gather3A_120, %gather3A_594 : vector<16xf32>
        %sub3A_642 = arith.subf %gather3A_124, %gather3A_598 : vector<16xf32>
        %mul3A_643 = arith.mulf %sub3A_640, %sub3A_640 : vector<16xf32>
        %mul3A_644 = arith.mulf %sub3A_641, %sub3A_641 : vector<16xf32>
        %add3A_645 = arith.addf %mul3A_643, %mul3A_644 : vector<16xf32>
        %mul3A_646 = arith.mulf %sub3A_642, %sub3A_642 : vector<16xf32>
        %add3A_647 = arith.addf %add3A_645, %mul3A_646 : vector<16xf32>
        %swap3A_648 = arith.constant 2 : i32
        %swap3A_649 = arith.index_cast %swap3A_648 : i32 to index
        %swap3A_650 = arith.index_cast %scan3A_85 : i32 to index
        %swap3A_651 = arith.constant 16 : index
        %swap3A_652 = tpu.vector_load %arg21[%swap3A_649, %swap3A_650, %swap3A_651] {strides = array<i32>} : memref<20x64x32xf32, #tpu.memory_space<vmem>>, vector<16xf32>,
        tpu.vector_store %arg21[%swap3A_649, %swap3A_650, %swap3A_651], %add3A_647 {strides = array<i32>} : memref<20x64x32xf32, #tpu.memory_space<vmem>>, vector<16xf32>,
        %sub3A_653 = arith.subf %gather3A_92, %gather3A_578 : vector<16xf32>
        %sub3A_654 = arith.subf %gather3A_96, %gather3A_582 : vector<16xf32>
        %sub3A_655 = arith.subf %gather3A_100, %gather3A_586 : vector<16xf32>
        %mul3A_656 = arith.mulf %sub3A_653, %sub3A_653 : vector<16xf32>
        %mul3A_657 = arith.mulf %sub3A_654, %sub3A_654 : vector<16xf32>
        %add3A_658 = arith.addf %mul3A_656, %mul3A_657 : vector<16xf32>
        %mul3A_659 = arith.mulf %sub3A_655, %sub3A_655 : vector<16xf32>
        %add3A_660 = arith.addf %add3A_658, %mul3A_659 : vector<16xf32>
        %swap3A_661 = arith.constant 3 : i32
        %swap3A_662 = arith.index_cast %swap3A_661 : i32 to index
        %swap3A_663 = arith.index_cast %scan3A_85 : i32 to index
        %swap3A_664 = arith.constant 16 : index
        %swap3A_665 = tpu.vector_load %arg21[%swap3A_662, %swap3A_663, %swap3A_664] {strides = array<i32>} : memref<20x64x32xf32, #tpu.memory_space<vmem>>, vector<16xf32>,
        tpu.vector_store %arg21[%swap3A_662, %swap3A_663, %swap3A_664], %add3A_660 {strides = array<i32>} : memref<20x64x32xf32, #tpu.memory_space<vmem>>, vector<16xf32>,
        %sub3A_666 = arith.subf %gather3A_92, %gather3A_590 : vector<16xf32>
        %sub3A_667 = arith.subf %gather3A_96, %gather3A_594 : vector<16xf32>
        %sub3A_668 = arith.subf %gather3A_100, %gather3A_598 : vector<16xf32>
        %mul3A_669 = arith.mulf %sub3A_666, %sub3A_666 : vector<16xf32>
        %mul3A_670 = arith.mulf %sub3A_667, %sub3A_667 : vector<16xf32>
        %add3A_671 = arith.addf %mul3A_669, %mul3A_670 : vector<16xf32>
        %mul3A_672 = arith.mulf %sub3A_668, %sub3A_668 : vector<16xf32>
        %add3A_673 = arith.addf %add3A_671, %mul3A_672 : vector<16xf32>
        %swap3A_674 = arith.constant 4 : i32
        %swap3A_675 = arith.index_cast %swap3A_674 : i32 to index
        %swap3A_676 = arith.index_cast %scan3A_85 : i32 to index
        %swap3A_677 = arith.constant 16 : index
        %swap3A_678 = tpu.vector_load %arg21[%swap3A_675, %swap3A_676, %swap3A_677] {strides = array<i32>} : memref<20x64x32xf32, #tpu.memory_space<vmem>>, vector<16xf32>,
        tpu.vector_store %arg21[%swap3A_675, %swap3A_676, %swap3A_677], %add3A_673 {strides = array<i32>} : memref<20x64x32xf32, #tpu.memory_space<vmem>>, vector<16xf32>,
        %sub3A_679 = arith.subf %gather3A_104, %gather3A_566 : vector<16xf32>
        %sub3A_680 = arith.subf %gather3A_108, %gather3A_570 : vector<16xf32>
        %sub3A_681 = arith.subf %gather3A_112, %gather3A_574 : vector<16xf32>
        %mul3A_682 = arith.mulf %sub3A_679, %sub3A_679 : vector<16xf32>
        %mul3A_683 = arith.mulf %sub3A_680, %sub3A_680 : vector<16xf32>
        %add3A_684 = arith.addf %mul3A_682, %mul3A_683 : vector<16xf32>
        %mul3A_685 = arith.mulf %sub3A_681, %sub3A_681 : vector<16xf32>
        %add3A_686 = arith.addf %add3A_684, %mul3A_685 : vector<16xf32>
        %swap3A_687 = arith.constant 5 : i32
        %swap3A_688 = arith.index_cast %swap3A_687 : i32 to index
        %swap3A_689 = arith.index_cast %scan3A_85 : i32 to index
        %swap3A_690 = arith.constant 16 : index
        %swap3A_691 = tpu.vector_load %arg21[%swap3A_688, %swap3A_689, %swap3A_690] {strides = array<i32>} : memref<20x64x32xf32, #tpu.memory_space<vmem>>, vector<16xf32>,
        tpu.vector_store %arg21[%swap3A_688, %swap3A_689, %swap3A_690], %add3A_686 {strides = array<i32>} : memref<20x64x32xf32, #tpu.memory_space<vmem>>, vector<16xf32>,
        %sub3A_692 = arith.subf %gather3A_104, %gather3A_590 : vector<16xf32>
        %sub3A_693 = arith.subf %gather3A_108, %gather3A_594 : vector<16xf32>
        %sub3A_694 = arith.subf %gather3A_112, %gather3A_598 : vector<16xf32>
        %mul3A_695 = arith.mulf %sub3A_692, %sub3A_692 : vector<16xf32>
        %mul3A_696 = arith.mulf %sub3A_693, %sub3A_693 : vector<16xf32>
        %add3A_697 = arith.addf %mul3A_695, %mul3A_696 : vector<16xf32>
        %mul3A_698 = arith.mulf %sub3A_694, %sub3A_694 : vector<16xf32>
        %add3A_699 = arith.addf %add3A_697, %mul3A_698 : vector<16xf32>
        %swap3A_700 = arith.constant 6 : i32
        %swap3A_701 = arith.index_cast %swap3A_700 : i32 to index
        %swap3A_702 = arith.index_cast %scan3A_85 : i32 to index
        %swap3A_703 = arith.constant 16 : index
        %swap3A_704 = tpu.vector_load %arg21[%swap3A_701, %swap3A_702, %swap3A_703] {strides = array<i32>} : memref<20x64x32xf32, #tpu.memory_space<vmem>>, vector<16xf32>,
        tpu.vector_store %arg21[%swap3A_701, %swap3A_702, %swap3A_703], %add3A_699 {strides = array<i32>} : memref<20x64x32xf32, #tpu.memory_space<vmem>>, vector<16xf32>,
        %sub3A_705 = arith.subf %gather3A_116, %gather3A_566 : vector<16xf32>
        %sub3A_706 = arith.subf %gather3A_120, %gather3A_570 : vector<16xf32>
        %sub3A_707 = arith.subf %gather3A_124, %gather3A_574 : vector<16xf32>
        %mul3A_708 = arith.mulf %sub3A_705, %sub3A_705 : vector<16xf32>
        %mul3A_709 = arith.mulf %sub3A_706, %sub3A_706 : vector<16xf32>
        %add3A_710 = arith.addf %mul3A_708, %mul3A_709 : vector<16xf32>
        %mul3A_711 = arith.mulf %sub3A_707, %sub3A_707 : vector<16xf32>
        %add3A_712 = arith.addf %add3A_710, %mul3A_711 : vector<16xf32>
        %swap3A_713 = arith.constant 7 : i32
        %swap3A_714 = arith.index_cast %swap3A_713 : i32 to index
        %swap3A_715 = arith.index_cast %scan3A_85 : i32 to index
        %swap3A_716 = arith.constant 16 : index
        %swap3A_717 = tpu.vector_load %arg21[%swap3A_714, %swap3A_715, %swap3A_716] {strides = array<i32>} : memref<20x64x32xf32, #tpu.memory_space<vmem>>, vector<16xf32>,
        tpu.vector_store %arg21[%swap3A_714, %swap3A_715, %swap3A_716], %add3A_712 {strides = array<i32>} : memref<20x64x32xf32, #tpu.memory_space<vmem>>, vector<16xf32>,
        %sub3A_718 = arith.subf %gather3A_116, %gather3A_578 : vector<16xf32>
        %sub3A_719 = arith.subf %gather3A_120, %gather3A_582 : vector<16xf32>
        %sub3A_720 = arith.subf %gather3A_124, %gather3A_586 : vector<16xf32>
        %mul3A_721 = arith.mulf %sub3A_718, %sub3A_718 : vector<16xf32>
        %mul3A_722 = arith.mulf %sub3A_719, %sub3A_719 : vector<16xf32>
        %add3A_723 = arith.addf %mul3A_721, %mul3A_722 : vector<16xf32>
        %mul3A_724 = arith.mulf %sub3A_720, %sub3A_720 : vector<16xf32>
        %add3A_725 = arith.addf %add3A_723, %mul3A_724 : vector<16xf32>
        %swap3A_726 = arith.constant 8 : i32
        %swap3A_727 = arith.index_cast %swap3A_726 : i32 to index
        %swap3A_728 = arith.index_cast %scan3A_85 : i32 to index
        %swap3A_729 = arith.constant 16 : index
        %swap3A_730 = tpu.vector_load %arg21[%swap3A_727, %swap3A_728, %swap3A_729] {strides = array<i32>} : memref<20x64x32xf32, #tpu.memory_space<vmem>>, vector<16xf32>,
        tpu.vector_store %arg21[%swap3A_727, %swap3A_728, %swap3A_729], %add3A_725 {strides = array<i32>} : memref<20x64x32xf32, #tpu.memory_space<vmem>>, vector<16xf32>,
        %sub3A_731 = arith.subf %gather3A_578, %gather3A_104 : vector<16xf32>
        %sub3A_732 = arith.subf %gather3A_582, %gather3A_108 : vector<16xf32>
        %sub3A_733 = arith.subf %gather3A_586, %gather3A_112 : vector<16xf32>
        %mul3A_734 = arith.mulf %gather3A_127, %sub3A_731 : vector<16xf32>
        %mul3A_735 = arith.mulf %gather3A_130, %sub3A_732 : vector<16xf32>
        %add3A_736 = arith.addf %mul3A_734, %mul3A_735 : vector<16xf32>
        %mul3A_737 = arith.mulf %gather3A_133, %sub3A_733 : vector<16xf32>
        %add3A_738 = arith.addf %add3A_736, %mul3A_737 : vector<16xf32>
        %swap3A_739 = arith.constant 9 : i32
        %swap3A_740 = arith.index_cast %swap3A_739 : i32 to index
        %swap3A_741 = arith.index_cast %scan3A_85 : i32 to index
        %swap3A_742 = arith.constant 16 : index
        %swap3A_743 = tpu.vector_load %arg21[%swap3A_740, %swap3A_741, %swap3A_742] {strides = array<i32>} : memref<20x64x32xf32, #tpu.memory_space<vmem>>, vector<16xf32>,
        tpu.vector_store %arg21[%swap3A_740, %swap3A_741, %swap3A_742], %add3A_738 {strides = array<i32>} : memref<20x64x32xf32, #tpu.memory_space<vmem>>, vector<16xf32>,
        %mul3A_744 = arith.mulf %gather3A_136, %sub3A_731 : vector<16xf32>
        %mul3A_745 = arith.mulf %gather3A_139, %sub3A_732 : vector<16xf32>
        %add3A_746 = arith.addf %mul3A_744, %mul3A_745 : vector<16xf32>
        %mul3A_747 = arith.mulf %gather3A_142, %sub3A_733 : vector<16xf32>
        %add3A_748 = arith.addf %add3A_746, %mul3A_747 : vector<16xf32>
        %swap3A_749 = arith.constant 10 : i32
        %swap3A_750 = arith.index_cast %swap3A_749 : i32 to index
        %swap3A_751 = arith.index_cast %scan3A_85 : i32 to index
        %swap3A_752 = arith.constant 16 : index
        %swap3A_753 = tpu.vector_load %arg21[%swap3A_750, %swap3A_751, %swap3A_752] {strides = array<i32>} : memref<20x64x32xf32, #tpu.memory_space<vmem>>, vector<16xf32>,
        tpu.vector_store %arg21[%swap3A_750, %swap3A_751, %swap3A_752], %add3A_748 {strides = array<i32>} : memref<20x64x32xf32, #tpu.memory_space<vmem>>, vector<16xf32>,
        %mul3A_754 = arith.mulf %gather3A_145, %sub3A_731 : vector<16xf32>
        %mul3A_755 = arith.mulf %gather3A_148, %sub3A_732 : vector<16xf32>
        %add3A_756 = arith.addf %mul3A_754, %mul3A_755 : vector<16xf32>
        %mul3A_757 = arith.mulf %gather3A_151, %sub3A_733 : vector<16xf32>
        %add3A_758 = arith.addf %add3A_756, %mul3A_757 : vector<16xf32>
        %swap3A_759 = arith.constant 11 : i32
        %swap3A_760 = arith.index_cast %swap3A_759 : i32 to index
        %swap3A_761 = arith.index_cast %scan3A_85 : i32 to index
        %swap3A_762 = arith.constant 16 : index
        %swap3A_763 = tpu.vector_load %arg21[%swap3A_760, %swap3A_761, %swap3A_762] {strides = array<i32>} : memref<20x64x32xf32, #tpu.memory_space<vmem>>, vector<16xf32>,
        tpu.vector_store %arg21[%swap3A_760, %swap3A_761, %swap3A_762], %add3A_758 {strides = array<i32>} : memref<20x64x32xf32, #tpu.memory_space<vmem>>, vector<16xf32>,
        %mul3A_764 = arith.mulf %gather3A_133, %gather3A_604 : vector<16xf32>
        %mul3A_765 = arith.mulf %gather3A_142, %gather3A_613 : vector<16xf32>
        %add3A_766 = arith.addf %mul3A_764, %mul3A_765 : vector<16xf32>
        %mul3A_767 = arith.mulf %gather3A_151, %gather3A_622 : vector<16xf32>
        %add3A_768 = arith.addf %add3A_766, %mul3A_767 : vector<16xf32>
        %mul3A_769 = arith.mulf %gather3A_130, %gather3A_607 : vector<16xf32>
        %mul3A_770 = arith.mulf %gather3A_139, %gather3A_616 : vector<16xf32>
        %add3A_771 = arith.addf %mul3A_769, %mul3A_770 : vector<16xf32>
        %mul3A_772 = arith.mulf %gather3A_148, %gather3A_625 : vector<16xf32>
        %add3A_773 = arith.addf %add3A_771, %mul3A_772 : vector<16xf32>
        %sub3A_774 = arith.subf %add3A_768, %add3A_773 : vector<16xf32>
        %swap3A_775 = arith.constant 12 : i32
        %swap3A_776 = arith.index_cast %swap3A_775 : i32 to index
        %swap3A_777 = arith.index_cast %scan3A_85 : i32 to index
        %swap3A_778 = arith.constant 16 : index
        %swap3A_779 = tpu.vector_load %arg21[%swap3A_776, %swap3A_777, %swap3A_778] {strides = array<i32>} : memref<20x64x32xf32, #tpu.memory_space<vmem>>, vector<16xf32>,
        tpu.vector_store %arg21[%swap3A_776, %swap3A_777, %swap3A_778], %sub3A_774 {strides = array<i32>} : memref<20x64x32xf32, #tpu.memory_space<vmem>>, vector<16xf32>,
        %mul3A_780 = arith.mulf %gather3A_127, %gather3A_607 : vector<16xf32>
        %mul3A_781 = arith.mulf %gather3A_136, %gather3A_616 : vector<16xf32>
        %add3A_782 = arith.addf %mul3A_780, %mul3A_781 : vector<16xf32>
        %mul3A_783 = arith.mulf %gather3A_145, %gather3A_625 : vector<16xf32>
        %add3A_784 = arith.addf %add3A_782, %mul3A_783 : vector<16xf32>
        %mul3A_785 = arith.mulf %gather3A_133, %gather3A_601 : vector<16xf32>
        %mul3A_786 = arith.mulf %gather3A_142, %gather3A_610 : vector<16xf32>
        %add3A_787 = arith.addf %mul3A_785, %mul3A_786 : vector<16xf32>
        %mul3A_788 = arith.mulf %gather3A_151, %gather3A_619 : vector<16xf32>
        %add3A_789 = arith.addf %add3A_787, %mul3A_788 : vector<16xf32>
        %sub3A_790 = arith.subf %add3A_784, %add3A_789 : vector<16xf32>
        %swap3A_791 = arith.constant 13 : i32
        %swap3A_792 = arith.index_cast %swap3A_791 : i32 to index
        %swap3A_793 = arith.index_cast %scan3A_85 : i32 to index
        %swap3A_794 = arith.constant 16 : index
        %swap3A_795 = tpu.vector_load %arg21[%swap3A_792, %swap3A_793, %swap3A_794] {strides = array<i32>} : memref<20x64x32xf32, #tpu.memory_space<vmem>>, vector<16xf32>,
        tpu.vector_store %arg21[%swap3A_792, %swap3A_793, %swap3A_794], %sub3A_790 {strides = array<i32>} : memref<20x64x32xf32, #tpu.memory_space<vmem>>, vector<16xf32>,
        %mul3A_796 = arith.mulf %gather3A_130, %gather3A_601 : vector<16xf32>
        %mul3A_797 = arith.mulf %gather3A_139, %gather3A_610 : vector<16xf32>
        %add3A_798 = arith.addf %mul3A_796, %mul3A_797 : vector<16xf32>
        %mul3A_799 = arith.mulf %gather3A_148, %gather3A_619 : vector<16xf32>
        %add3A_800 = arith.addf %add3A_798, %mul3A_799 : vector<16xf32>
        %mul3A_801 = arith.mulf %gather3A_127, %gather3A_604 : vector<16xf32>
        %mul3A_802 = arith.mulf %gather3A_136, %gather3A_613 : vector<16xf32>
        %add3A_803 = arith.addf %mul3A_801, %mul3A_802 : vector<16xf32>
        %mul3A_804 = arith.mulf %gather3A_145, %gather3A_622 : vector<16xf32>
        %add3A_805 = arith.addf %add3A_803, %mul3A_804 : vector<16xf32>
        %sub3A_806 = arith.subf %add3A_800, %add3A_805 : vector<16xf32>
        %swap3A_807 = arith.constant 14 : i32
        %swap3A_808 = arith.index_cast %swap3A_807 : i32 to index
        %swap3A_809 = arith.index_cast %scan3A_85 : i32 to index
        %swap3A_810 = arith.constant 16 : index
        %swap3A_811 = tpu.vector_load %arg21[%swap3A_808, %swap3A_809, %swap3A_810] {strides = array<i32>} : memref<20x64x32xf32, #tpu.memory_space<vmem>>, vector<16xf32>,
        tpu.vector_store %arg21[%swap3A_808, %swap3A_809, %swap3A_810], %sub3A_806 {strides = array<i32>} : memref<20x64x32xf32, #tpu.memory_space<vmem>>, vector<16xf32>,
        %mul3A_812 = arith.mulf %gather3A_127, %gather3A_601 : vector<16xf32>
        %mul3A_813 = arith.mulf %gather3A_136, %gather3A_610 : vector<16xf32>
        %add3A_814 = arith.addf %mul3A_812, %mul3A_813 : vector<16xf32>
        %mul3A_815 = arith.mulf %gather3A_145, %gather3A_619 : vector<16xf32>
        %add3A_816 = arith.addf %add3A_814, %mul3A_815 : vector<16xf32>
        %mul3A_817 = arith.mulf %gather3A_130, %gather3A_604 : vector<16xf32>
        %mul3A_818 = arith.mulf %gather3A_139, %gather3A_613 : vector<16xf32>
        %add3A_819 = arith.addf %mul3A_817, %mul3A_818 : vector<16xf32>
        %mul3A_820 = arith.mulf %gather3A_148, %gather3A_622 : vector<16xf32>
        %add3A_821 = arith.addf %add3A_819, %mul3A_820 : vector<16xf32>
        %mul3A_822 = arith.mulf %gather3A_133, %gather3A_607 : vector<16xf32>
        %mul3A_823 = arith.mulf %gather3A_142, %gather3A_616 : vector<16xf32>
        %add3A_824 = arith.addf %mul3A_822, %mul3A_823 : vector<16xf32>
        %mul3A_825 = arith.mulf %gather3A_151, %gather3A_625 : vector<16xf32>
        %add3A_826 = arith.addf %add3A_824, %mul3A_825 : vector<16xf32>
        %add3A_827 = arith.constant 1.000000e+00 : f32
        %add3A_828 = vector.broadcast %add3A_827 : f32 to vector<16xf32>
        %add3A_829 = arith.addf %add3A_828, %add3A_816 : vector<16xf32>
        %sub3A_830 = arith.subf %add3A_829, %add3A_821 : vector<16xf32>
        %sub3A_831 = arith.subf %sub3A_830, %add3A_826 : vector<16xf32>
        %swap3A_832 = arith.constant 15 : i32
        %swap3A_833 = arith.index_cast %swap3A_832 : i32 to index
        %swap3A_834 = arith.index_cast %scan3A_85 : i32 to index
        %swap3A_835 = arith.constant 16 : index
        %swap3A_836 = tpu.vector_load %arg21[%swap3A_833, %swap3A_834, %swap3A_835] {strides = array<i32>} : memref<20x64x32xf32, #tpu.memory_space<vmem>>, vector<16xf32>,
        tpu.vector_store %arg21[%swap3A_833, %swap3A_834, %swap3A_835], %sub3A_831 {strides = array<i32>} : memref<20x64x32xf32, #tpu.memory_space<vmem>>, vector<16xf32>,
        %sub3A_837 = arith.constant 1.000000e+00 : f32
        %sub3A_838 = vector.broadcast %sub3A_837 : f32 to vector<16xf32>
        %sub3A_839 = arith.subf %sub3A_838, %add3A_816 : vector<16xf32>
        %add3A_840 = arith.addf %sub3A_839, %add3A_821 : vector<16xf32>
        %sub3A_841 = arith.subf %add3A_840, %add3A_826 : vector<16xf32>
        %swap3A_842 = arith.constant 16 : i32
        %swap3A_843 = arith.index_cast %swap3A_842 : i32 to index
        %swap3A_844 = arith.index_cast %scan3A_85 : i32 to index
        %swap3A_845 = arith.constant 16 : index
        %swap3A_846 = tpu.vector_load %arg21[%swap3A_843, %swap3A_844, %swap3A_845] {strides = array<i32>} : memref<20x64x32xf32, #tpu.memory_space<vmem>>, vector<16xf32>,
        tpu.vector_store %arg21[%swap3A_843, %swap3A_844, %swap3A_845], %sub3A_841 {strides = array<i32>} : memref<20x64x32xf32, #tpu.memory_space<vmem>>, vector<16xf32>,
        %sub3A_847 = arith.constant 1.000000e+00 : f32
        %sub3A_848 = vector.broadcast %sub3A_847 : f32 to vector<16xf32>
        %sub3A_849 = arith.subf %sub3A_848, %add3A_816 : vector<16xf32>
        %sub3A_850 = arith.subf %sub3A_849, %add3A_821 : vector<16xf32>
        %add3A_851 = arith.addf %sub3A_850, %add3A_826 : vector<16xf32>
        %swap3A_852 = arith.constant 17 : i32
        %swap3A_853 = arith.index_cast %swap3A_852 : i32 to index
        %swap3A_854 = arith.index_cast %scan3A_85 : i32 to index
        %swap3A_855 = arith.constant 16 : index
        %swap3A_856 = tpu.vector_load %arg21[%swap3A_853, %swap3A_854, %swap3A_855] {strides = array<i32>} : memref<20x64x32xf32, #tpu.memory_space<vmem>>, vector<16xf32>,
        tpu.vector_store %arg21[%swap3A_853, %swap3A_854, %swap3A_855], %add3A_851 {strides = array<i32>} : memref<20x64x32xf32, #tpu.memory_space<vmem>>, vector<16xf32>,
        %add3A_857 = arith.constant 1.000000e+00 : f32
        %add3A_858 = vector.broadcast %add3A_857 : f32 to vector<16xf32>
        %add3A_859 = arith.addf %add3A_858, %add3A_816 : vector<16xf32>
        %add3A_860 = arith.addf %add3A_859, %add3A_821 : vector<16xf32>
        %add3A_861 = arith.addf %add3A_860, %add3A_826 : vector<16xf32>
        %swap3A_862 = arith.constant 18 : i32
        %swap3A_863 = arith.index_cast %swap3A_862 : i32 to index
        %swap3A_864 = arith.index_cast %scan3A_85 : i32 to index
        %swap3A_865 = arith.constant 16 : index
        %swap3A_866 = tpu.vector_load %arg21[%swap3A_863, %swap3A_864, %swap3A_865] {strides = array<i32>} : memref<20x64x32xf32, #tpu.memory_space<vmem>>, vector<16xf32>,
        tpu.vector_store %arg21[%swap3A_863, %swap3A_864, %swap3A_865], %add3A_861 {strides = array<i32>} : memref<20x64x32xf32, #tpu.memory_space<vmem>>, vector<16xf32>,
        %sub3A_867 = arith.subi %broadcast_in_dim3A, %scan3A_225#3 : vector<16xi32>
        %add3A_868 = arith.constant 32 : i32
        %add3A_869 = vector.broadcast %add3A_868 : i32 to vector<16xi32>
        %add3A_870 = arith.addi %sub3A_867, %add3A_869 : vector<16xi32>
        %jit3A_871 = arith.constant 0 : i32
        %jit3A_872 = arith.constant 64 : i32
        %max3A_873 = vector.broadcast %jit3A_871 : i32 to vector<16xi32>
        %max3A_874 = arith.maxsi %max3A_873, %add3A_870 : vector<16xi32>
        %min3A_875 = vector.broadcast %jit3A_872 : i32 to vector<16xi32>
        %min3A_876 = arith.minsi %min3A_875, %max3A_874 : vector<16xi32>
        %eq3A_877 = arith.cmpf oeq, %gather3A_626, %gather3A_152 : vector<16xf32>
        %jit3A_878 = arith.constant 65 : i32
        %broadcast_in_dim3A_879 = vector.broadcast %jit3A_878 : i32 to vector<16xi32>
        %select_n3A_880 = arith.select %eq3A_877, %min3A_876, %broadcast_in_dim3A_879 : vector<16xi1>, vector<16xi32>
        %convert_element_type3A_881 = arith.sitofp %select_n3A_880 : vector<16xi32> to vector<16xf32>
        %swap3A_882 = arith.constant 19 : i32
        %swap3A_883 = arith.index_cast %swap3A_882 : i32 to index
        %swap3A_884 = arith.index_cast %scan3A_85 : i32 to index
        %swap3A_885 = arith.constant 16 : index
        %swap3A_886 = tpu.vector_load %arg21[%swap3A_883, %swap3A_884, %swap3A_885] {strides = array<i32>} : memref<20x64x32xf32, #tpu.memory_space<vmem>>, vector<16xf32>,
        tpu.vector_store %arg21[%swap3A_883, %swap3A_884, %swap3A_885], %convert_element_type3A_881 {strides = array<i32>} : memref<20x64x32xf32, #tpu.memory_space<vmem>>, vector<16xf32>,
      }
      %scan3A_45 = arith.constant 64 : i32
      "tpu.region"() ({
        %run_scoped3A_85 = tpu.sem_alloc : memref<!tpu.dma_semaphore, #tpu.memory_space<semaphore_mem>>
        %dma_start3A = arith.constant 0 : i32
        %dma_start3A_86 = tpu.memref_slice %arg10[%select_n3A, %add3A_40, %dma_start3A] : memref<8x1024x32xi32, #tpu.memory_space<hbm>> -> memref<1x64x32xi32, #tpu.memory_space<hbm>>
        %dma_start3A_87 = tpu.memref_squeeze %dma_start3A_86 : memref<1x64x32xi32, #tpu.memory_space<hbm>> -> memref<64x32xi32, #tpu.memory_space<hbm>>
        %dma_start3A_88 = arith.constant 0 : i32
        %dma_start3A_89 = tpu.memref_slice %arg10[%select_n3A, %add3A_40, %dma_start3A_88] : memref<8x1024x32xi32, #tpu.memory_space<hbm>> -> memref<1x64x32xi32, #tpu.memory_space<hbm>>
        %dma_start3A_90 = tpu.memref_squeeze %dma_start3A_89 : memref<1x64x32xi32, #tpu.memory_space<hbm>> -> memref<64x32xi32, #tpu.memory_space<hbm>>
        tpu.enqueue_dma source(%arg20 : memref<64x32xi32, #tpu.memory_space<vmem>>) target(%dma_start3A_90 : memref<64x32xi32, #tpu.memory_space<hbm>>) target_semaphore(%run_scoped3A_85 : memref<!tpu.dma_semaphore, #tpu.memory_space<semaphore_mem>>)
        %dma_wait3A = arith.constant 0 : i32
        %dma_wait3A_91 = tpu.memref_slice %arg10[%select_n3A, %add3A_40, %dma_wait3A] : memref<8x1024x32xi32, #tpu.memory_space<hbm>> -> memref<1x64x32xi32, #tpu.memory_space<hbm>>
        %dma_wait3A_92 = tpu.memref_squeeze %dma_wait3A_91 : memref<1x64x32xi32, #tpu.memory_space<hbm>> -> memref<64x32xi32, #tpu.memory_space<hbm>>
        %dma_wait3A_93 = arith.constant 0 : i32
        %dma_wait3A_94 = tpu.memref_slice %arg10[%select_n3A, %add3A_40, %dma_wait3A_93] : memref<8x1024x32xi32, #tpu.memory_space<hbm>> -> memref<1x64x32xi32, #tpu.memory_space<hbm>>
        %dma_wait3A_95 = tpu.memref_squeeze %dma_wait3A_94 : memref<1x64x32xi32, #tpu.memory_space<hbm>> -> memref<64x32xi32, #tpu.memory_space<hbm>>
        tpu.wait_dma2 semaphore(%run_scoped3A_85 : memref<!tpu.dma_semaphore, #tpu.memory_space<semaphore_mem>>) src(%arg20 : memref<64x32xi32, #tpu.memory_space<vmem>>) dst(%dma_wait3A_95 : memref<64x32xi32, #tpu.memory_space<hbm>>)
        tpu.yield
      }) : () -> ()
      %run_scoped3A = arith.constant 0 : i32
      %run_scoped3A_46 = arith.constant 0 : i32
      "tpu.region"() ({
        %run_scoped3A_85 = tpu.sem_alloc : memref<!tpu.dma_semaphore, #tpu.memory_space<semaphore_mem>>
        %dma_start3A = arith.constant 0 : i32
        %dma_start3A_86 = arith.constant 0 : i32
        %dma_start3A_87 = tpu.memref_slice %arg21[%run_scoped3A, %dma_start3A, %dma_start3A_86] : memref<20x64x32xf32, #tpu.memory_space<vmem>> -> memref<1x64x32xf32, #tpu.memory_space<vmem>>
        %dma_start3A_88 = tpu.memref_squeeze %dma_start3A_87 : memref<1x64x32xf32, #tpu.memory_space<vmem>> -> memref<64x32xf32, #tpu.memory_space<vmem>>
        %dma_start3A_89 = arith.constant 0 : i32
        %dma_start3A_90 = tpu.memref_slice %arg11[%run_scoped3A_46, %select_n3A, %add3A_40, %dma_start3A_89] : memref<20x8x1024x32xf32, #tpu.memory_space<hbm>> -> memref<1x1x64x32xf32, #tpu.memory_space<hbm>>
        %dma_start3A_91 = tpu.memref_squeeze %dma_start3A_90 : memref<1x1x64x32xf32, #tpu.memory_space<hbm>> -> memref<64x32xf32, #tpu.memory_space<hbm>>
        %dma_start3A_92 = arith.constant 0 : i32
        %dma_start3A_93 = tpu.memref_slice %arg11[%run_scoped3A_46, %select_n3A, %add3A_40, %dma_start3A_92] : memref<20x8x1024x32xf32, #tpu.memory_space<hbm>> -> memref<1x1x64x32xf32, #tpu.memory_space<hbm>>
        %dma_start3A_94 = tpu.memref_squeeze %dma_start3A_93 : memref<1x1x64x32xf32, #tpu.memory_space<hbm>> -> memref<64x32xf32, #tpu.memory_space<hbm>>
        %dma_start3A_95 = arith.constant 0 : i32
        %dma_start3A_96 = arith.constant 0 : i32
        %dma_start3A_97 = tpu.memref_slice %arg21[%run_scoped3A, %dma_start3A_95, %dma_start3A_96] : memref<20x64x32xf32, #tpu.memory_space<vmem>> -> memref<1x64x32xf32, #tpu.memory_space<vmem>>
        %dma_start3A_98 = tpu.memref_squeeze %dma_start3A_97 : memref<1x64x32xf32, #tpu.memory_space<vmem>> -> memref<64x32xf32, #tpu.memory_space<vmem>>
        tpu.enqueue_dma source(%dma_start3A_98 : memref<64x32xf32, #tpu.memory_space<vmem>>) target(%dma_start3A_94 : memref<64x32xf32, #tpu.memory_space<hbm>>) target_semaphore(%run_scoped3A_85 : memref<!tpu.dma_semaphore, #tpu.memory_space<semaphore_mem>>)
        %dma_wait3A = arith.constant 0 : i32
        %dma_wait3A_99 = arith.constant 0 : i32
        %dma_wait3A_100 = tpu.memref_slice %arg21[%run_scoped3A, %dma_wait3A, %dma_wait3A_99] : memref<20x64x32xf32, #tpu.memory_space<vmem>> -> memref<1x64x32xf32, #tpu.memory_space<vmem>>
        %dma_wait3A_101 = tpu.memref_squeeze %dma_wait3A_100 : memref<1x64x32xf32, #tpu.memory_space<vmem>> -> memref<64x32xf32, #tpu.memory_space<vmem>>
        %dma_wait3A_102 = arith.constant 0 : i32
        %dma_wait3A_103 = tpu.memref_slice %arg11[%run_scoped3A_46, %select_n3A, %add3A_40, %dma_wait3A_102] : memref<20x8x1024x32xf32, #tpu.memory_space<hbm>> -> memref<1x1x64x32xf32, #tpu.memory_space<hbm>>
        %dma_wait3A_104 = tpu.memref_squeeze %dma_wait3A_103 : memref<1x1x64x32xf32, #tpu.memory_space<hbm>> -> memref<64x32xf32, #tpu.memory_space<hbm>>
        %dma_wait3A_105 = arith.constant 0 : i32
        %dma_wait3A_106 = tpu.memref_slice %arg11[%run_scoped3A_46, %select_n3A, %add3A_40, %dma_wait3A_105] : memref<20x8x1024x32xf32, #tpu.memory_space<hbm>> -> memref<1x1x64x32xf32, #tpu.memory_space<hbm>>
        %dma_wait3A_107 = tpu.memref_squeeze %dma_wait3A_106 : memref<1x1x64x32xf32, #tpu.memory_space<hbm>> -> memref<64x32xf32, #tpu.memory_space<hbm>>
        %dma_wait3A_108 = arith.constant 0 : i32
        %dma_wait3A_109 = arith.constant 0 : i32
        %dma_wait3A_110 = tpu.memref_slice %arg21[%run_scoped3A, %dma_wait3A_108, %dma_wait3A_109] : memref<20x64x32xf32, #tpu.memory_space<vmem>> -> memref<1x64x32xf32, #tpu.memory_space<vmem>>
        %dma_wait3A_111 = tpu.memref_squeeze %dma_wait3A_110 : memref<1x64x32xf32, #tpu.memory_space<vmem>> -> memref<64x32xf32, #tpu.memory_space<vmem>>
        tpu.wait_dma2 semaphore(%run_scoped3A_85 : memref<!tpu.dma_semaphore, #tpu.memory_space<semaphore_mem>>) src(%dma_wait3A_111 : memref<64x32xf32, #tpu.memory_space<vmem>>) dst(%dma_wait3A_107 : memref<64x32xf32, #tpu.memory_space<hbm>>)
        tpu.yield
      }) : () -> ()
      %run_scoped3A_47 = arith.constant 1 : i32
      %run_scoped3A_48 = arith.constant 1 : i32
      "tpu.region"() ({
        %run_scoped3A_85 = tpu.sem_alloc : memref<!tpu.dma_semaphore, #tpu.memory_space<semaphore_mem>>
        %dma_start3A = arith.constant 0 : i32
        %dma_start3A_86 = arith.constant 0 : i32
        %dma_start3A_87 = tpu.memref_slice %arg21[%run_scoped3A_47, %dma_start3A, %dma_start3A_86] : memref<20x64x32xf32, #tpu.memory_space<vmem>> -> memref<1x64x32xf32, #tpu.memory_space<vmem>>
        %dma_start3A_88 = tpu.memref_squeeze %dma_start3A_87 : memref<1x64x32xf32, #tpu.memory_space<vmem>> -> memref<64x32xf32, #tpu.memory_space<vmem>>
        %dma_start3A_89 = arith.constant 0 : i32
        %dma_start3A_90 = tpu.memref_slice %arg11[%run_scoped3A_48, %select_n3A, %add3A_40, %dma_start3A_89] : memref<20x8x1024x32xf32, #tpu.memory_space<hbm>> -> memref<1x1x64x32xf32, #tpu.memory_space<hbm>>
        %dma_start3A_91 = tpu.memref_squeeze %dma_start3A_90 : memref<1x1x64x32xf32, #tpu.memory_space<hbm>> -> memref<64x32xf32, #tpu.memory_space<hbm>>
        %dma_start3A_92 = arith.constant 0 : i32
        %dma_start3A_93 = tpu.memref_slice %arg11[%run_scoped3A_48, %select_n3A, %add3A_40, %dma_start3A_92] : memref<20x8x1024x32xf32, #tpu.memory_space<hbm>> -> memref<1x1x64x32xf32, #tpu.memory_space<hbm>>
        %dma_start3A_94 = tpu.memref_squeeze %dma_start3A_93 : memref<1x1x64x32xf32, #tpu.memory_space<hbm>> -> memref<64x32xf32, #tpu.memory_space<hbm>>
        %dma_start3A_95 = arith.constant 0 : i32
        %dma_start3A_96 = arith.constant 0 : i32
        %dma_start3A_97 = tpu.memref_slice %arg21[%run_scoped3A_47, %dma_start3A_95, %dma_start3A_96] : memref<20x64x32xf32, #tpu.memory_space<vmem>> -> memref<1x64x32xf32, #tpu.memory_space<vmem>>
        %dma_start3A_98 = tpu.memref_squeeze %dma_start3A_97 : memref<1x64x32xf32, #tpu.memory_space<vmem>> -> memref<64x32xf32, #tpu.memory_space<vmem>>
        tpu.enqueue_dma source(%dma_start3A_98 : memref<64x32xf32, #tpu.memory_space<vmem>>) target(%dma_start3A_94 : memref<64x32xf32, #tpu.memory_space<hbm>>) target_semaphore(%run_scoped3A_85 : memref<!tpu.dma_semaphore, #tpu.memory_space<semaphore_mem>>)
        %dma_wait3A = arith.constant 0 : i32
        %dma_wait3A_99 = arith.constant 0 : i32
        %dma_wait3A_100 = tpu.memref_slice %arg21[%run_scoped3A_47, %dma_wait3A, %dma_wait3A_99] : memref<20x64x32xf32, #tpu.memory_space<vmem>> -> memref<1x64x32xf32, #tpu.memory_space<vmem>>
        %dma_wait3A_101 = tpu.memref_squeeze %dma_wait3A_100 : memref<1x64x32xf32, #tpu.memory_space<vmem>> -> memref<64x32xf32, #tpu.memory_space<vmem>>
        %dma_wait3A_102 = arith.constant 0 : i32
        %dma_wait3A_103 = tpu.memref_slice %arg11[%run_scoped3A_48, %select_n3A, %add3A_40, %dma_wait3A_102] : memref<20x8x1024x32xf32, #tpu.memory_space<hbm>> -> memref<1x1x64x32xf32, #tpu.memory_space<hbm>>
        %dma_wait3A_104 = tpu.memref_squeeze %dma_wait3A_103 : memref<1x1x64x32xf32, #tpu.memory_space<hbm>> -> memref<64x32xf32, #tpu.memory_space<hbm>>
        %dma_wait3A_105 = arith.constant 0 : i32
        %dma_wait3A_106 = tpu.memref_slice %arg11[%run_scoped3A_48, %select_n3A, %add3A_40, %dma_wait3A_105] : memref<20x8x1024x32xf32, #tpu.memory_space<hbm>> -> memref<1x1x64x32xf32, #tpu.memory_space<hbm>>
        %dma_wait3A_107 = tpu.memref_squeeze %dma_wait3A_106 : memref<1x1x64x32xf32, #tpu.memory_space<hbm>> -> memref<64x32xf32, #tpu.memory_space<hbm>>
        %dma_wait3A_108 = arith.constant 0 : i32
        %dma_wait3A_109 = arith.constant 0 : i32
        %dma_wait3A_110 = tpu.memref_slice %arg21[%run_scoped3A_47, %dma_wait3A_108, %dma_wait3A_109] : memref<20x64x32xf32, #tpu.memory_space<vmem>> -> memref<1x64x32xf32, #tpu.memory_space<vmem>>
        %dma_wait3A_111 = tpu.memref_squeeze %dma_wait3A_110 : memref<1x64x32xf32, #tpu.memory_space<vmem>> -> memref<64x32xf32, #tpu.memory_space<vmem>>
        tpu.wait_dma2 semaphore(%run_scoped3A_85 : memref<!tpu.dma_semaphore, #tpu.memory_space<semaphore_mem>>) src(%dma_wait3A_111 : memref<64x32xf32, #tpu.memory_space<vmem>>) dst(%dma_wait3A_107 : memref<64x32xf32, #tpu.memory_space<hbm>>)
        tpu.yield
      }) : () -> ()
      %run_scoped3A_49 = arith.constant 2 : i32
      %run_scoped3A_50 = arith.constant 2 : i32
      "tpu.region"() ({
        %run_scoped3A_85 = tpu.sem_alloc : memref<!tpu.dma_semaphore, #tpu.memory_space<semaphore_mem>>
        %dma_start3A = arith.constant 0 : i32
        %dma_start3A_86 = arith.constant 0 : i32
        %dma_start3A_87 = tpu.memref_slice %arg21[%run_scoped3A_49, %dma_start3A, %dma_start3A_86] : memref<20x64x32xf32, #tpu.memory_space<vmem>> -> memref<1x64x32xf32, #tpu.memory_space<vmem>>
        %dma_start3A_88 = tpu.memref_squeeze %dma_start3A_87 : memref<1x64x32xf32, #tpu.memory_space<vmem>> -> memref<64x32xf32, #tpu.memory_space<vmem>>
        %dma_start3A_89 = arith.constant 0 : i32
        %dma_start3A_90 = tpu.memref_slice %arg11[%run_scoped3A_50, %select_n3A, %add3A_40, %dma_start3A_89] : memref<20x8x1024x32xf32, #tpu.memory_space<hbm>> -> memref<1x1x64x32xf32, #tpu.memory_space<hbm>>
        %dma_start3A_91 = tpu.memref_squeeze %dma_start3A_90 : memref<1x1x64x32xf32, #tpu.memory_space<hbm>> -> memref<64x32xf32, #tpu.memory_space<hbm>>
        %dma_start3A_92 = arith.constant 0 : i32
        %dma_start3A_93 = tpu.memref_slice %arg11[%run_scoped3A_50, %select_n3A, %add3A_40, %dma_start3A_92] : memref<20x8x1024x32xf32, #tpu.memory_space<hbm>> -> memref<1x1x64x32xf32, #tpu.memory_space<hbm>>
        %dma_start3A_94 = tpu.memref_squeeze %dma_start3A_93 : memref<1x1x64x32xf32, #tpu.memory_space<hbm>> -> memref<64x32xf32, #tpu.memory_space<hbm>>
        %dma_start3A_95 = arith.constant 0 : i32
        %dma_start3A_96 = arith.constant 0 : i32
        %dma_start3A_97 = tpu.memref_slice %arg21[%run_scoped3A_49, %dma_start3A_95, %dma_start3A_96] : memref<20x64x32xf32, #tpu.memory_space<vmem>> -> memref<1x64x32xf32, #tpu.memory_space<vmem>>
        %dma_start3A_98 = tpu.memref_squeeze %dma_start3A_97 : memref<1x64x32xf32, #tpu.memory_space<vmem>> -> memref<64x32xf32, #tpu.memory_space<vmem>>
        tpu.enqueue_dma source(%dma_start3A_98 : memref<64x32xf32, #tpu.memory_space<vmem>>) target(%dma_start3A_94 : memref<64x32xf32, #tpu.memory_space<hbm>>) target_semaphore(%run_scoped3A_85 : memref<!tpu.dma_semaphore, #tpu.memory_space<semaphore_mem>>)
        %dma_wait3A = arith.constant 0 : i32
        %dma_wait3A_99 = arith.constant 0 : i32
        %dma_wait3A_100 = tpu.memref_slice %arg21[%run_scoped3A_49, %dma_wait3A, %dma_wait3A_99] : memref<20x64x32xf32, #tpu.memory_space<vmem>> -> memref<1x64x32xf32, #tpu.memory_space<vmem>>
        %dma_wait3A_101 = tpu.memref_squeeze %dma_wait3A_100 : memref<1x64x32xf32, #tpu.memory_space<vmem>> -> memref<64x32xf32, #tpu.memory_space<vmem>>
        %dma_wait3A_102 = arith.constant 0 : i32
        %dma_wait3A_103 = tpu.memref_slice %arg11[%run_scoped3A_50, %select_n3A, %add3A_40, %dma_wait3A_102] : memref<20x8x1024x32xf32, #tpu.memory_space<hbm>> -> memref<1x1x64x32xf32, #tpu.memory_space<hbm>>
        %dma_wait3A_104 = tpu.memref_squeeze %dma_wait3A_103 : memref<1x1x64x32xf32, #tpu.memory_space<hbm>> -> memref<64x32xf32, #tpu.memory_space<hbm>>
        %dma_wait3A_105 = arith.constant 0 : i32
        %dma_wait3A_106 = tpu.memref_slice %arg11[%run_scoped3A_50, %select_n3A, %add3A_40, %dma_wait3A_105] : memref<20x8x1024x32xf32, #tpu.memory_space<hbm>> -> memref<1x1x64x32xf32, #tpu.memory_space<hbm>>
        %dma_wait3A_107 = tpu.memref_squeeze %dma_wait3A_106 : memref<1x1x64x32xf32, #tpu.memory_space<hbm>> -> memref<64x32xf32, #tpu.memory_space<hbm>>
        %dma_wait3A_108 = arith.constant 0 : i32
        %dma_wait3A_109 = arith.constant 0 : i32
        %dma_wait3A_110 = tpu.memref_slice %arg21[%run_scoped3A_49, %dma_wait3A_108, %dma_wait3A_109] : memref<20x64x32xf32, #tpu.memory_space<vmem>> -> memref<1x64x32xf32, #tpu.memory_space<vmem>>
        %dma_wait3A_111 = tpu.memref_squeeze %dma_wait3A_110 : memref<1x64x32xf32, #tpu.memory_space<vmem>> -> memref<64x32xf32, #tpu.memory_space<vmem>>
        tpu.wait_dma2 semaphore(%run_scoped3A_85 : memref<!tpu.dma_semaphore, #tpu.memory_space<semaphore_mem>>) src(%dma_wait3A_111 : memref<64x32xf32, #tpu.memory_space<vmem>>) dst(%dma_wait3A_107 : memref<64x32xf32, #tpu.memory_space<hbm>>)
        tpu.yield
      }) : () -> ()
      %run_scoped3A_51 = arith.constant 3 : i32
      %run_scoped3A_52 = arith.constant 3 : i32
      "tpu.region"() ({
        %run_scoped3A_85 = tpu.sem_alloc : memref<!tpu.dma_semaphore, #tpu.memory_space<semaphore_mem>>
        %dma_start3A = arith.constant 0 : i32
        %dma_start3A_86 = arith.constant 0 : i32
        %dma_start3A_87 = tpu.memref_slice %arg21[%run_scoped3A_51, %dma_start3A, %dma_start3A_86] : memref<20x64x32xf32, #tpu.memory_space<vmem>> -> memref<1x64x32xf32, #tpu.memory_space<vmem>>
        %dma_start3A_88 = tpu.memref_squeeze %dma_start3A_87 : memref<1x64x32xf32, #tpu.memory_space<vmem>> -> memref<64x32xf32, #tpu.memory_space<vmem>>
        %dma_start3A_89 = arith.constant 0 : i32
        %dma_start3A_90 = tpu.memref_slice %arg11[%run_scoped3A_52, %select_n3A, %add3A_40, %dma_start3A_89] : memref<20x8x1024x32xf32, #tpu.memory_space<hbm>> -> memref<1x1x64x32xf32, #tpu.memory_space<hbm>>
        %dma_start3A_91 = tpu.memref_squeeze %dma_start3A_90 : memref<1x1x64x32xf32, #tpu.memory_space<hbm>> -> memref<64x32xf32, #tpu.memory_space<hbm>>
        %dma_start3A_92 = arith.constant 0 : i32
        %dma_start3A_93 = tpu.memref_slice %arg11[%run_scoped3A_52, %select_n3A, %add3A_40, %dma_start3A_92] : memref<20x8x1024x32xf32, #tpu.memory_space<hbm>> -> memref<1x1x64x32xf32, #tpu.memory_space<hbm>>
        %dma_start3A_94 = tpu.memref_squeeze %dma_start3A_93 : memref<1x1x64x32xf32, #tpu.memory_space<hbm>> -> memref<64x32xf32, #tpu.memory_space<hbm>>
        %dma_start3A_95 = arith.constant 0 : i32
        %dma_start3A_96 = arith.constant 0 : i32
        %dma_start3A_97 = tpu.memref_slice %arg21[%run_scoped3A_51, %dma_start3A_95, %dma_start3A_96] : memref<20x64x32xf32, #tpu.memory_space<vmem>> -> memref<1x64x32xf32, #tpu.memory_space<vmem>>
        %dma_start3A_98 = tpu.memref_squeeze %dma_start3A_97 : memref<1x64x32xf32, #tpu.memory_space<vmem>> -> memref<64x32xf32, #tpu.memory_space<vmem>>
        tpu.enqueue_dma source(%dma_start3A_98 : memref<64x32xf32, #tpu.memory_space<vmem>>) target(%dma_start3A_94 : memref<64x32xf32, #tpu.memory_space<hbm>>) target_semaphore(%run_scoped3A_85 : memref<!tpu.dma_semaphore, #tpu.memory_space<semaphore_mem>>)
        %dma_wait3A = arith.constant 0 : i32
        %dma_wait3A_99 = arith.constant 0 : i32
        %dma_wait3A_100 = tpu.memref_slice %arg21[%run_scoped3A_51, %dma_wait3A, %dma_wait3A_99] : memref<20x64x32xf32, #tpu.memory_space<vmem>> -> memref<1x64x32xf32, #tpu.memory_space<vmem>>
        %dma_wait3A_101 = tpu.memref_squeeze %dma_wait3A_100 : memref<1x64x32xf32, #tpu.memory_space<vmem>> -> memref<64x32xf32, #tpu.memory_space<vmem>>
        %dma_wait3A_102 = arith.constant 0 : i32
        %dma_wait3A_103 = tpu.memref_slice %arg11[%run_scoped3A_52, %select_n3A, %add3A_40, %dma_wait3A_102] : memref<20x8x1024x32xf32, #tpu.memory_space<hbm>> -> memref<1x1x64x32xf32, #tpu.memory_space<hbm>>
        %dma_wait3A_104 = tpu.memref_squeeze %dma_wait3A_103 : memref<1x1x64x32xf32, #tpu.memory_space<hbm>> -> memref<64x32xf32, #tpu.memory_space<hbm>>
        %dma_wait3A_105 = arith.constant 0 : i32
        %dma_wait3A_106 = tpu.memref_slice %arg11[%run_scoped3A_52, %select_n3A, %add3A_40, %dma_wait3A_105] : memref<20x8x1024x32xf32, #tpu.memory_space<hbm>> -> memref<1x1x64x32xf32, #tpu.memory_space<hbm>>
        %dma_wait3A_107 = tpu.memref_squeeze %dma_wait3A_106 : memref<1x1x64x32xf32, #tpu.memory_space<hbm>> -> memref<64x32xf32, #tpu.memory_space<hbm>>
        %dma_wait3A_108 = arith.constant 0 : i32
        %dma_wait3A_109 = arith.constant 0 : i32
        %dma_wait3A_110 = tpu.memref_slice %arg21[%run_scoped3A_51, %dma_wait3A_108, %dma_wait3A_109] : memref<20x64x32xf32, #tpu.memory_space<vmem>> -> memref<1x64x32xf32, #tpu.memory_space<vmem>>
        %dma_wait3A_111 = tpu.memref_squeeze %dma_wait3A_110 : memref<1x64x32xf32, #tpu.memory_space<vmem>> -> memref<64x32xf32, #tpu.memory_space<vmem>>
        tpu.wait_dma2 semaphore(%run_scoped3A_85 : memref<!tpu.dma_semaphore, #tpu.memory_space<semaphore_mem>>) src(%dma_wait3A_111 : memref<64x32xf32, #tpu.memory_space<vmem>>) dst(%dma_wait3A_107 : memref<64x32xf32, #tpu.memory_space<hbm>>)
        tpu.yield
      }) : () -> ()
      %run_scoped3A_53 = arith.constant 4 : i32
      %run_scoped3A_54 = arith.constant 4 : i32
      "tpu.region"() ({
        %run_scoped3A_85 = tpu.sem_alloc : memref<!tpu.dma_semaphore, #tpu.memory_space<semaphore_mem>>
        %dma_start3A = arith.constant 0 : i32
        %dma_start3A_86 = arith.constant 0 : i32
        %dma_start3A_87 = tpu.memref_slice %arg21[%run_scoped3A_53, %dma_start3A, %dma_start3A_86] : memref<20x64x32xf32, #tpu.memory_space<vmem>> -> memref<1x64x32xf32, #tpu.memory_space<vmem>>
        %dma_start3A_88 = tpu.memref_squeeze %dma_start3A_87 : memref<1x64x32xf32, #tpu.memory_space<vmem>> -> memref<64x32xf32, #tpu.memory_space<vmem>>
        %dma_start3A_89 = arith.constant 0 : i32
        %dma_start3A_90 = tpu.memref_slice %arg11[%run_scoped3A_54, %select_n3A, %add3A_40, %dma_start3A_89] : memref<20x8x1024x32xf32, #tpu.memory_space<hbm>> -> memref<1x1x64x32xf32, #tpu.memory_space<hbm>>
        %dma_start3A_91 = tpu.memref_squeeze %dma_start3A_90 : memref<1x1x64x32xf32, #tpu.memory_space<hbm>> -> memref<64x32xf32, #tpu.memory_space<hbm>>
        %dma_start3A_92 = arith.constant 0 : i32
        %dma_start3A_93 = tpu.memref_slice %arg11[%run_scoped3A_54, %select_n3A, %add3A_40, %dma_start3A_92] : memref<20x8x1024x32xf32, #tpu.memory_space<hbm>> -> memref<1x1x64x32xf32, #tpu.memory_space<hbm>>
        %dma_start3A_94 = tpu.memref_squeeze %dma_start3A_93 : memref<1x1x64x32xf32, #tpu.memory_space<hbm>> -> memref<64x32xf32, #tpu.memory_space<hbm>>
        %dma_start3A_95 = arith.constant 0 : i32
        %dma_start3A_96 = arith.constant 0 : i32
        %dma_start3A_97 = tpu.memref_slice %arg21[%run_scoped3A_53, %dma_start3A_95, %dma_start3A_96] : memref<20x64x32xf32, #tpu.memory_space<vmem>> -> memref<1x64x32xf32, #tpu.memory_space<vmem>>
        %dma_start3A_98 = tpu.memref_squeeze %dma_start3A_97 : memref<1x64x32xf32, #tpu.memory_space<vmem>> -> memref<64x32xf32, #tpu.memory_space<vmem>>
        tpu.enqueue_dma source(%dma_start3A_98 : memref<64x32xf32, #tpu.memory_space<vmem>>) target(%dma_start3A_94 : memref<64x32xf32, #tpu.memory_space<hbm>>) target_semaphore(%run_scoped3A_85 : memref<!tpu.dma_semaphore, #tpu.memory_space<semaphore_mem>>)
        %dma_wait3A = arith.constant 0 : i32
        %dma_wait3A_99 = arith.constant 0 : i32
        %dma_wait3A_100 = tpu.memref_slice %arg21[%run_scoped3A_53, %dma_wait3A, %dma_wait3A_99] : memref<20x64x32xf32, #tpu.memory_space<vmem>> -> memref<1x64x32xf32, #tpu.memory_space<vmem>>
        %dma_wait3A_101 = tpu.memref_squeeze %dma_wait3A_100 : memref<1x64x32xf32, #tpu.memory_space<vmem>> -> memref<64x32xf32, #tpu.memory_space<vmem>>
        %dma_wait3A_102 = arith.constant 0 : i32
        %dma_wait3A_103 = tpu.memref_slice %arg11[%run_scoped3A_54, %select_n3A, %add3A_40, %dma_wait3A_102] : memref<20x8x1024x32xf32, #tpu.memory_space<hbm>> -> memref<1x1x64x32xf32, #tpu.memory_space<hbm>>
        %dma_wait3A_104 = tpu.memref_squeeze %dma_wait3A_103 : memref<1x1x64x32xf32, #tpu.memory_space<hbm>> -> memref<64x32xf32, #tpu.memory_space<hbm>>
        %dma_wait3A_105 = arith.constant 0 : i32
        %dma_wait3A_106 = tpu.memref_slice %arg11[%run_scoped3A_54, %select_n3A, %add3A_40, %dma_wait3A_105] : memref<20x8x1024x32xf32, #tpu.memory_space<hbm>> -> memref<1x1x64x32xf32, #tpu.memory_space<hbm>>
        %dma_wait3A_107 = tpu.memref_squeeze %dma_wait3A_106 : memref<1x1x64x32xf32, #tpu.memory_space<hbm>> -> memref<64x32xf32, #tpu.memory_space<hbm>>
        %dma_wait3A_108 = arith.constant 0 : i32
        %dma_wait3A_109 = arith.constant 0 : i32
        %dma_wait3A_110 = tpu.memref_slice %arg21[%run_scoped3A_53, %dma_wait3A_108, %dma_wait3A_109] : memref<20x64x32xf32, #tpu.memory_space<vmem>> -> memref<1x64x32xf32, #tpu.memory_space<vmem>>
        %dma_wait3A_111 = tpu.memref_squeeze %dma_wait3A_110 : memref<1x64x32xf32, #tpu.memory_space<vmem>> -> memref<64x32xf32, #tpu.memory_space<vmem>>
        tpu.wait_dma2 semaphore(%run_scoped3A_85 : memref<!tpu.dma_semaphore, #tpu.memory_space<semaphore_mem>>) src(%dma_wait3A_111 : memref<64x32xf32, #tpu.memory_space<vmem>>) dst(%dma_wait3A_107 : memref<64x32xf32, #tpu.memory_space<hbm>>)
        tpu.yield
      }) : () -> ()
      %run_scoped3A_55 = arith.constant 5 : i32
      %run_scoped3A_56 = arith.constant 5 : i32
      "tpu.region"() ({
        %run_scoped3A_85 = tpu.sem_alloc : memref<!tpu.dma_semaphore, #tpu.memory_space<semaphore_mem>>
        %dma_start3A = arith.constant 0 : i32
        %dma_start3A_86 = arith.constant 0 : i32
        %dma_start3A_87 = tpu.memref_slice %arg21[%run_scoped3A_55, %dma_start3A, %dma_start3A_86] : memref<20x64x32xf32, #tpu.memory_space<vmem>> -> memref<1x64x32xf32, #tpu.memory_space<vmem>>
        %dma_start3A_88 = tpu.memref_squeeze %dma_start3A_87 : memref<1x64x32xf32, #tpu.memory_space<vmem>> -> memref<64x32xf32, #tpu.memory_space<vmem>>
        %dma_start3A_89 = arith.constant 0 : i32
        %dma_start3A_90 = tpu.memref_slice %arg11[%run_scoped3A_56, %select_n3A, %add3A_40, %dma_start3A_89] : memref<20x8x1024x32xf32, #tpu.memory_space<hbm>> -> memref<1x1x64x32xf32, #tpu.memory_space<hbm>>
        %dma_start3A_91 = tpu.memref_squeeze %dma_start3A_90 : memref<1x1x64x32xf32, #tpu.memory_space<hbm>> -> memref<64x32xf32, #tpu.memory_space<hbm>>
        %dma_start3A_92 = arith.constant 0 : i32
        %dma_start3A_93 = tpu.memref_slice %arg11[%run_scoped3A_56, %select_n3A, %add3A_40, %dma_start3A_92] : memref<20x8x1024x32xf32, #tpu.memory_space<hbm>> -> memref<1x1x64x32xf32, #tpu.memory_space<hbm>>
        %dma_start3A_94 = tpu.memref_squeeze %dma_start3A_93 : memref<1x1x64x32xf32, #tpu.memory_space<hbm>> -> memref<64x32xf32, #tpu.memory_space<hbm>>
        %dma_start3A_95 = arith.constant 0 : i32
        %dma_start3A_96 = arith.constant 0 : i32
        %dma_start3A_97 = tpu.memref_slice %arg21[%run_scoped3A_55, %dma_start3A_95, %dma_start3A_96] : memref<20x64x32xf32, #tpu.memory_space<vmem>> -> memref<1x64x32xf32, #tpu.memory_space<vmem>>
        %dma_start3A_98 = tpu.memref_squeeze %dma_start3A_97 : memref<1x64x32xf32, #tpu.memory_space<vmem>> -> memref<64x32xf32, #tpu.memory_space<vmem>>
        tpu.enqueue_dma source(%dma_start3A_98 : memref<64x32xf32, #tpu.memory_space<vmem>>) target(%dma_start3A_94 : memref<64x32xf32, #tpu.memory_space<hbm>>) target_semaphore(%run_scoped3A_85 : memref<!tpu.dma_semaphore, #tpu.memory_space<semaphore_mem>>)
        %dma_wait3A = arith.constant 0 : i32
        %dma_wait3A_99 = arith.constant 0 : i32
        %dma_wait3A_100 = tpu.memref_slice %arg21[%run_scoped3A_55, %dma_wait3A, %dma_wait3A_99] : memref<20x64x32xf32, #tpu.memory_space<vmem>> -> memref<1x64x32xf32, #tpu.memory_space<vmem>>
        %dma_wait3A_101 = tpu.memref_squeeze %dma_wait3A_100 : memref<1x64x32xf32, #tpu.memory_space<vmem>> -> memref<64x32xf32, #tpu.memory_space<vmem>>
        %dma_wait3A_102 = arith.constant 0 : i32
        %dma_wait3A_103 = tpu.memref_slice %arg11[%run_scoped3A_56, %select_n3A, %add3A_40, %dma_wait3A_102] : memref<20x8x1024x32xf32, #tpu.memory_space<hbm>> -> memref<1x1x64x32xf32, #tpu.memory_space<hbm>>
        %dma_wait3A_104 = tpu.memref_squeeze %dma_wait3A_103 : memref<1x1x64x32xf32, #tpu.memory_space<hbm>> -> memref<64x32xf32, #tpu.memory_space<hbm>>
        %dma_wait3A_105 = arith.constant 0 : i32
        %dma_wait3A_106 = tpu.memref_slice %arg11[%run_scoped3A_56, %select_n3A, %add3A_40, %dma_wait3A_105] : memref<20x8x1024x32xf32, #tpu.memory_space<hbm>> -> memref<1x1x64x32xf32, #tpu.memory_space<hbm>>
        %dma_wait3A_107 = tpu.memref_squeeze %dma_wait3A_106 : memref<1x1x64x32xf32, #tpu.memory_space<hbm>> -> memref<64x32xf32, #tpu.memory_space<hbm>>
        %dma_wait3A_108 = arith.constant 0 : i32
        %dma_wait3A_109 = arith.constant 0 : i32
        %dma_wait3A_110 = tpu.memref_slice %arg21[%run_scoped3A_55, %dma_wait3A_108, %dma_wait3A_109] : memref<20x64x32xf32, #tpu.memory_space<vmem>> -> memref<1x64x32xf32, #tpu.memory_space<vmem>>
        %dma_wait3A_111 = tpu.memref_squeeze %dma_wait3A_110 : memref<1x64x32xf32, #tpu.memory_space<vmem>> -> memref<64x32xf32, #tpu.memory_space<vmem>>
        tpu.wait_dma2 semaphore(%run_scoped3A_85 : memref<!tpu.dma_semaphore, #tpu.memory_space<semaphore_mem>>) src(%dma_wait3A_111 : memref<64x32xf32, #tpu.memory_space<vmem>>) dst(%dma_wait3A_107 : memref<64x32xf32, #tpu.memory_space<hbm>>)
        tpu.yield
      }) : () -> ()
      %run_scoped3A_57 = arith.constant 6 : i32
      %run_scoped3A_58 = arith.constant 6 : i32
      "tpu.region"() ({
        %run_scoped3A_85 = tpu.sem_alloc : memref<!tpu.dma_semaphore, #tpu.memory_space<semaphore_mem>>
        %dma_start3A = arith.constant 0 : i32
        %dma_start3A_86 = arith.constant 0 : i32
        %dma_start3A_87 = tpu.memref_slice %arg21[%run_scoped3A_57, %dma_start3A, %dma_start3A_86] : memref<20x64x32xf32, #tpu.memory_space<vmem>> -> memref<1x64x32xf32, #tpu.memory_space<vmem>>
        %dma_start3A_88 = tpu.memref_squeeze %dma_start3A_87 : memref<1x64x32xf32, #tpu.memory_space<vmem>> -> memref<64x32xf32, #tpu.memory_space<vmem>>
        %dma_start3A_89 = arith.constant 0 : i32
        %dma_start3A_90 = tpu.memref_slice %arg11[%run_scoped3A_58, %select_n3A, %add3A_40, %dma_start3A_89] : memref<20x8x1024x32xf32, #tpu.memory_space<hbm>> -> memref<1x1x64x32xf32, #tpu.memory_space<hbm>>
        %dma_start3A_91 = tpu.memref_squeeze %dma_start3A_90 : memref<1x1x64x32xf32, #tpu.memory_space<hbm>> -> memref<64x32xf32, #tpu.memory_space<hbm>>
        %dma_start3A_92 = arith.constant 0 : i32
        %dma_start3A_93 = tpu.memref_slice %arg11[%run_scoped3A_58, %select_n3A, %add3A_40, %dma_start3A_92] : memref<20x8x1024x32xf32, #tpu.memory_space<hbm>> -> memref<1x1x64x32xf32, #tpu.memory_space<hbm>>
        %dma_start3A_94 = tpu.memref_squeeze %dma_start3A_93 : memref<1x1x64x32xf32, #tpu.memory_space<hbm>> -> memref<64x32xf32, #tpu.memory_space<hbm>>
        %dma_start3A_95 = arith.constant 0 : i32
        %dma_start3A_96 = arith.constant 0 : i32
        %dma_start3A_97 = tpu.memref_slice %arg21[%run_scoped3A_57, %dma_start3A_95, %dma_start3A_96] : memref<20x64x32xf32, #tpu.memory_space<vmem>> -> memref<1x64x32xf32, #tpu.memory_space<vmem>>
        %dma_start3A_98 = tpu.memref_squeeze %dma_start3A_97 : memref<1x64x32xf32, #tpu.memory_space<vmem>> -> memref<64x32xf32, #tpu.memory_space<vmem>>
        tpu.enqueue_dma source(%dma_start3A_98 : memref<64x32xf32, #tpu.memory_space<vmem>>) target(%dma_start3A_94 : memref<64x32xf32, #tpu.memory_space<hbm>>) target_semaphore(%run_scoped3A_85 : memref<!tpu.dma_semaphore, #tpu.memory_space<semaphore_mem>>)
        %dma_wait3A = arith.constant 0 : i32
        %dma_wait3A_99 = arith.constant 0 : i32
        %dma_wait3A_100 = tpu.memref_slice %arg21[%run_scoped3A_57, %dma_wait3A, %dma_wait3A_99] : memref<20x64x32xf32, #tpu.memory_space<vmem>> -> memref<1x64x32xf32, #tpu.memory_space<vmem>>
        %dma_wait3A_101 = tpu.memref_squeeze %dma_wait3A_100 : memref<1x64x32xf32, #tpu.memory_space<vmem>> -> memref<64x32xf32, #tpu.memory_space<vmem>>
        %dma_wait3A_102 = arith.constant 0 : i32
        %dma_wait3A_103 = tpu.memref_slice %arg11[%run_scoped3A_58, %select_n3A, %add3A_40, %dma_wait3A_102] : memref<20x8x1024x32xf32, #tpu.memory_space<hbm>> -> memref<1x1x64x32xf32, #tpu.memory_space<hbm>>
        %dma_wait3A_104 = tpu.memref_squeeze %dma_wait3A_103 : memref<1x1x64x32xf32, #tpu.memory_space<hbm>> -> memref<64x32xf32, #tpu.memory_space<hbm>>
        %dma_wait3A_105 = arith.constant 0 : i32
        %dma_wait3A_106 = tpu.memref_slice %arg11[%run_scoped3A_58, %select_n3A, %add3A_40, %dma_wait3A_105] : memref<20x8x1024x32xf32, #tpu.memory_space<hbm>> -> memref<1x1x64x32xf32, #tpu.memory_space<hbm>>
        %dma_wait3A_107 = tpu.memref_squeeze %dma_wait3A_106 : memref<1x1x64x32xf32, #tpu.memory_space<hbm>> -> memref<64x32xf32, #tpu.memory_space<hbm>>
        %dma_wait3A_108 = arith.constant 0 : i32
        %dma_wait3A_109 = arith.constant 0 : i32
        %dma_wait3A_110 = tpu.memref_slice %arg21[%run_scoped3A_57, %dma_wait3A_108, %dma_wait3A_109] : memref<20x64x32xf32, #tpu.memory_space<vmem>> -> memref<1x64x32xf32, #tpu.memory_space<vmem>>
        %dma_wait3A_111 = tpu.memref_squeeze %dma_wait3A_110 : memref<1x64x32xf32, #tpu.memory_space<vmem>> -> memref<64x32xf32, #tpu.memory_space<vmem>>
        tpu.wait_dma2 semaphore(%run_scoped3A_85 : memref<!tpu.dma_semaphore, #tpu.memory_space<semaphore_mem>>) src(%dma_wait3A_111 : memref<64x32xf32, #tpu.memory_space<vmem>>) dst(%dma_wait3A_107 : memref<64x32xf32, #tpu.memory_space<hbm>>)
        tpu.yield
      }) : () -> ()
      %run_scoped3A_59 = arith.constant 7 : i32
      %run_scoped3A_60 = arith.constant 7 : i32
      "tpu.region"() ({
        %run_scoped3A_85 = tpu.sem_alloc : memref<!tpu.dma_semaphore, #tpu.memory_space<semaphore_mem>>
        %dma_start3A = arith.constant 0 : i32
        %dma_start3A_86 = arith.constant 0 : i32
        %dma_start3A_87 = tpu.memref_slice %arg21[%run_scoped3A_59, %dma_start3A, %dma_start3A_86] : memref<20x64x32xf32, #tpu.memory_space<vmem>> -> memref<1x64x32xf32, #tpu.memory_space<vmem>>
        %dma_start3A_88 = tpu.memref_squeeze %dma_start3A_87 : memref<1x64x32xf32, #tpu.memory_space<vmem>> -> memref<64x32xf32, #tpu.memory_space<vmem>>
        %dma_start3A_89 = arith.constant 0 : i32
        %dma_start3A_90 = tpu.memref_slice %arg11[%run_scoped3A_60, %select_n3A, %add3A_40, %dma_start3A_89] : memref<20x8x1024x32xf32, #tpu.memory_space<hbm>> -> memref<1x1x64x32xf32, #tpu.memory_space<hbm>>
        %dma_start3A_91 = tpu.memref_squeeze %dma_start3A_90 : memref<1x1x64x32xf32, #tpu.memory_space<hbm>> -> memref<64x32xf32, #tpu.memory_space<hbm>>
        %dma_start3A_92 = arith.constant 0 : i32
        %dma_start3A_93 = tpu.memref_slice %arg11[%run_scoped3A_60, %select_n3A, %add3A_40, %dma_start3A_92] : memref<20x8x1024x32xf32, #tpu.memory_space<hbm>> -> memref<1x1x64x32xf32, #tpu.memory_space<hbm>>
        %dma_start3A_94 = tpu.memref_squeeze %dma_start3A_93 : memref<1x1x64x32xf32, #tpu.memory_space<hbm>> -> memref<64x32xf32, #tpu.memory_space<hbm>>
        %dma_start3A_95 = arith.constant 0 : i32
        %dma_start3A_96 = arith.constant 0 : i32
        %dma_start3A_97 = tpu.memref_slice %arg21[%run_scoped3A_59, %dma_start3A_95, %dma_start3A_96] : memref<20x64x32xf32, #tpu.memory_space<vmem>> -> memref<1x64x32xf32, #tpu.memory_space<vmem>>
        %dma_start3A_98 = tpu.memref_squeeze %dma_start3A_97 : memref<1x64x32xf32, #tpu.memory_space<vmem>> -> memref<64x32xf32, #tpu.memory_space<vmem>>
        tpu.enqueue_dma source(%dma_start3A_98 : memref<64x32xf32, #tpu.memory_space<vmem>>) target(%dma_start3A_94 : memref<64x32xf32, #tpu.memory_space<hbm>>) target_semaphore(%run_scoped3A_85 : memref<!tpu.dma_semaphore, #tpu.memory_space<semaphore_mem>>)
        %dma_wait3A = arith.constant 0 : i32
        %dma_wait3A_99 = arith.constant 0 : i32
        %dma_wait3A_100 = tpu.memref_slice %arg21[%run_scoped3A_59, %dma_wait3A, %dma_wait3A_99] : memref<20x64x32xf32, #tpu.memory_space<vmem>> -> memref<1x64x32xf32, #tpu.memory_space<vmem>>
        %dma_wait3A_101 = tpu.memref_squeeze %dma_wait3A_100 : memref<1x64x32xf32, #tpu.memory_space<vmem>> -> memref<64x32xf32, #tpu.memory_space<vmem>>
        %dma_wait3A_102 = arith.constant 0 : i32
        %dma_wait3A_103 = tpu.memref_slice %arg11[%run_scoped3A_60, %select_n3A, %add3A_40, %dma_wait3A_102] : memref<20x8x1024x32xf32, #tpu.memory_space<hbm>> -> memref<1x1x64x32xf32, #tpu.memory_space<hbm>>
        %dma_wait3A_104 = tpu.memref_squeeze %dma_wait3A_103 : memref<1x1x64x32xf32, #tpu.memory_space<hbm>> -> memref<64x32xf32, #tpu.memory_space<hbm>>
        %dma_wait3A_105 = arith.constant 0 : i32
        %dma_wait3A_106 = tpu.memref_slice %arg11[%run_scoped3A_60, %select_n3A, %add3A_40, %dma_wait3A_105] : memref<20x8x1024x32xf32, #tpu.memory_space<hbm>> -> memref<1x1x64x32xf32, #tpu.memory_space<hbm>>
        %dma_wait3A_107 = tpu.memref_squeeze %dma_wait3A_106 : memref<1x1x64x32xf32, #tpu.memory_space<hbm>> -> memref<64x32xf32, #tpu.memory_space<hbm>>
        %dma_wait3A_108 = arith.constant 0 : i32
        %dma_wait3A_109 = arith.constant 0 : i32
        %dma_wait3A_110 = tpu.memref_slice %arg21[%run_scoped3A_59, %dma_wait3A_108, %dma_wait3A_109] : memref<20x64x32xf32, #tpu.memory_space<vmem>> -> memref<1x64x32xf32, #tpu.memory_space<vmem>>
        %dma_wait3A_111 = tpu.memref_squeeze %dma_wait3A_110 : memref<1x64x32xf32, #tpu.memory_space<vmem>> -> memref<64x32xf32, #tpu.memory_space<vmem>>
        tpu.wait_dma2 semaphore(%run_scoped3A_85 : memref<!tpu.dma_semaphore, #tpu.memory_space<semaphore_mem>>) src(%dma_wait3A_111 : memref<64x32xf32, #tpu.memory_space<vmem>>) dst(%dma_wait3A_107 : memref<64x32xf32, #tpu.memory_space<hbm>>)
        tpu.yield
      }) : () -> ()
      %run_scoped3A_61 = arith.constant 8 : i32
      %run_scoped3A_62 = arith.constant 8 : i32
      "tpu.region"() ({
        %run_scoped3A_85 = tpu.sem_alloc : memref<!tpu.dma_semaphore, #tpu.memory_space<semaphore_mem>>
        %dma_start3A = arith.constant 0 : i32
        %dma_start3A_86 = arith.constant 0 : i32
        %dma_start3A_87 = tpu.memref_slice %arg21[%run_scoped3A_61, %dma_start3A, %dma_start3A_86] : memref<20x64x32xf32, #tpu.memory_space<vmem>> -> memref<1x64x32xf32, #tpu.memory_space<vmem>>
        %dma_start3A_88 = tpu.memref_squeeze %dma_start3A_87 : memref<1x64x32xf32, #tpu.memory_space<vmem>> -> memref<64x32xf32, #tpu.memory_space<vmem>>
        %dma_start3A_89 = arith.constant 0 : i32
        %dma_start3A_90 = tpu.memref_slice %arg11[%run_scoped3A_62, %select_n3A, %add3A_40, %dma_start3A_89] : memref<20x8x1024x32xf32, #tpu.memory_space<hbm>> -> memref<1x1x64x32xf32, #tpu.memory_space<hbm>>
        %dma_start3A_91 = tpu.memref_squeeze %dma_start3A_90 : memref<1x1x64x32xf32, #tpu.memory_space<hbm>> -> memref<64x32xf32, #tpu.memory_space<hbm>>
        %dma_start3A_92 = arith.constant 0 : i32
        %dma_start3A_93 = tpu.memref_slice %arg11[%run_scoped3A_62, %select_n3A, %add3A_40, %dma_start3A_92] : memref<20x8x1024x32xf32, #tpu.memory_space<hbm>> -> memref<1x1x64x32xf32, #tpu.memory_space<hbm>>
        %dma_start3A_94 = tpu.memref_squeeze %dma_start3A_93 : memref<1x1x64x32xf32, #tpu.memory_space<hbm>> -> memref<64x32xf32, #tpu.memory_space<hbm>>
        %dma_start3A_95 = arith.constant 0 : i32
        %dma_start3A_96 = arith.constant 0 : i32
        %dma_start3A_97 = tpu.memref_slice %arg21[%run_scoped3A_61, %dma_start3A_95, %dma_start3A_96] : memref<20x64x32xf32, #tpu.memory_space<vmem>> -> memref<1x64x32xf32, #tpu.memory_space<vmem>>
        %dma_start3A_98 = tpu.memref_squeeze %dma_start3A_97 : memref<1x64x32xf32, #tpu.memory_space<vmem>> -> memref<64x32xf32, #tpu.memory_space<vmem>>
        tpu.enqueue_dma source(%dma_start3A_98 : memref<64x32xf32, #tpu.memory_space<vmem>>) target(%dma_start3A_94 : memref<64x32xf32, #tpu.memory_space<hbm>>) target_semaphore(%run_scoped3A_85 : memref<!tpu.dma_semaphore, #tpu.memory_space<semaphore_mem>>)
        %dma_wait3A = arith.constant 0 : i32
        %dma_wait3A_99 = arith.constant 0 : i32
        %dma_wait3A_100 = tpu.memref_slice %arg21[%run_scoped3A_61, %dma_wait3A, %dma_wait3A_99] : memref<20x64x32xf32, #tpu.memory_space<vmem>> -> memref<1x64x32xf32, #tpu.memory_space<vmem>>
        %dma_wait3A_101 = tpu.memref_squeeze %dma_wait3A_100 : memref<1x64x32xf32, #tpu.memory_space<vmem>> -> memref<64x32xf32, #tpu.memory_space<vmem>>
        %dma_wait3A_102 = arith.constant 0 : i32
        %dma_wait3A_103 = tpu.memref_slice %arg11[%run_scoped3A_62, %select_n3A, %add3A_40, %dma_wait3A_102] : memref<20x8x1024x32xf32, #tpu.memory_space<hbm>> -> memref<1x1x64x32xf32, #tpu.memory_space<hbm>>
        %dma_wait3A_104 = tpu.memref_squeeze %dma_wait3A_103 : memref<1x1x64x32xf32, #tpu.memory_space<hbm>> -> memref<64x32xf32, #tpu.memory_space<hbm>>
        %dma_wait3A_105 = arith.constant 0 : i32
        %dma_wait3A_106 = tpu.memref_slice %arg11[%run_scoped3A_62, %select_n3A, %add3A_40, %dma_wait3A_105] : memref<20x8x1024x32xf32, #tpu.memory_space<hbm>> -> memref<1x1x64x32xf32, #tpu.memory_space<hbm>>
        %dma_wait3A_107 = tpu.memref_squeeze %dma_wait3A_106 : memref<1x1x64x32xf32, #tpu.memory_space<hbm>> -> memref<64x32xf32, #tpu.memory_space<hbm>>
        %dma_wait3A_108 = arith.constant 0 : i32
        %dma_wait3A_109 = arith.constant 0 : i32
        %dma_wait3A_110 = tpu.memref_slice %arg21[%run_scoped3A_61, %dma_wait3A_108, %dma_wait3A_109] : memref<20x64x32xf32, #tpu.memory_space<vmem>> -> memref<1x64x32xf32, #tpu.memory_space<vmem>>
        %dma_wait3A_111 = tpu.memref_squeeze %dma_wait3A_110 : memref<1x64x32xf32, #tpu.memory_space<vmem>> -> memref<64x32xf32, #tpu.memory_space<vmem>>
        tpu.wait_dma2 semaphore(%run_scoped3A_85 : memref<!tpu.dma_semaphore, #tpu.memory_space<semaphore_mem>>) src(%dma_wait3A_111 : memref<64x32xf32, #tpu.memory_space<vmem>>) dst(%dma_wait3A_107 : memref<64x32xf32, #tpu.memory_space<hbm>>)
        tpu.yield
      }) : () -> ()
      %run_scoped3A_63 = arith.constant 9 : i32
      %run_scoped3A_64 = arith.constant 9 : i32
      "tpu.region"() ({
        %run_scoped3A_85 = tpu.sem_alloc : memref<!tpu.dma_semaphore, #tpu.memory_space<semaphore_mem>>
        %dma_start3A = arith.constant 0 : i32
        %dma_start3A_86 = arith.constant 0 : i32
        %dma_start3A_87 = tpu.memref_slice %arg21[%run_scoped3A_63, %dma_start3A, %dma_start3A_86] : memref<20x64x32xf32, #tpu.memory_space<vmem>> -> memref<1x64x32xf32, #tpu.memory_space<vmem>>
        %dma_start3A_88 = tpu.memref_squeeze %dma_start3A_87 : memref<1x64x32xf32, #tpu.memory_space<vmem>> -> memref<64x32xf32, #tpu.memory_space<vmem>>
        %dma_start3A_89 = arith.constant 0 : i32
        %dma_start3A_90 = tpu.memref_slice %arg11[%run_scoped3A_64, %select_n3A, %add3A_40, %dma_start3A_89] : memref<20x8x1024x32xf32, #tpu.memory_space<hbm>> -> memref<1x1x64x32xf32, #tpu.memory_space<hbm>>
        %dma_start3A_91 = tpu.memref_squeeze %dma_start3A_90 : memref<1x1x64x32xf32, #tpu.memory_space<hbm>> -> memref<64x32xf32, #tpu.memory_space<hbm>>
        %dma_start3A_92 = arith.constant 0 : i32
        %dma_start3A_93 = tpu.memref_slice %arg11[%run_scoped3A_64, %select_n3A, %add3A_40, %dma_start3A_92] : memref<20x8x1024x32xf32, #tpu.memory_space<hbm>> -> memref<1x1x64x32xf32, #tpu.memory_space<hbm>>
        %dma_start3A_94 = tpu.memref_squeeze %dma_start3A_93 : memref<1x1x64x32xf32, #tpu.memory_space<hbm>> -> memref<64x32xf32, #tpu.memory_space<hbm>>
        %dma_start3A_95 = arith.constant 0 : i32
        %dma_start3A_96 = arith.constant 0 : i32
        %dma_start3A_97 = tpu.memref_slice %arg21[%run_scoped3A_63, %dma_start3A_95, %dma_start3A_96] : memref<20x64x32xf32, #tpu.memory_space<vmem>> -> memref<1x64x32xf32, #tpu.memory_space<vmem>>
        %dma_start3A_98 = tpu.memref_squeeze %dma_start3A_97 : memref<1x64x32xf32, #tpu.memory_space<vmem>> -> memref<64x32xf32, #tpu.memory_space<vmem>>
        tpu.enqueue_dma source(%dma_start3A_98 : memref<64x32xf32, #tpu.memory_space<vmem>>) target(%dma_start3A_94 : memref<64x32xf32, #tpu.memory_space<hbm>>) target_semaphore(%run_scoped3A_85 : memref<!tpu.dma_semaphore, #tpu.memory_space<semaphore_mem>>)
        %dma_wait3A = arith.constant 0 : i32
        %dma_wait3A_99 = arith.constant 0 : i32
        %dma_wait3A_100 = tpu.memref_slice %arg21[%run_scoped3A_63, %dma_wait3A, %dma_wait3A_99] : memref<20x64x32xf32, #tpu.memory_space<vmem>> -> memref<1x64x32xf32, #tpu.memory_space<vmem>>
        %dma_wait3A_101 = tpu.memref_squeeze %dma_wait3A_100 : memref<1x64x32xf32, #tpu.memory_space<vmem>> -> memref<64x32xf32, #tpu.memory_space<vmem>>
        %dma_wait3A_102 = arith.constant 0 : i32
        %dma_wait3A_103 = tpu.memref_slice %arg11[%run_scoped3A_64, %select_n3A, %add3A_40, %dma_wait3A_102] : memref<20x8x1024x32xf32, #tpu.memory_space<hbm>> -> memref<1x1x64x32xf32, #tpu.memory_space<hbm>>
        %dma_wait3A_104 = tpu.memref_squeeze %dma_wait3A_103 : memref<1x1x64x32xf32, #tpu.memory_space<hbm>> -> memref<64x32xf32, #tpu.memory_space<hbm>>
        %dma_wait3A_105 = arith.constant 0 : i32
        %dma_wait3A_106 = tpu.memref_slice %arg11[%run_scoped3A_64, %select_n3A, %add3A_40, %dma_wait3A_105] : memref<20x8x1024x32xf32, #tpu.memory_space<hbm>> -> memref<1x1x64x32xf32, #tpu.memory_space<hbm>>
        %dma_wait3A_107 = tpu.memref_squeeze %dma_wait3A_106 : memref<1x1x64x32xf32, #tpu.memory_space<hbm>> -> memref<64x32xf32, #tpu.memory_space<hbm>>
        %dma_wait3A_108 = arith.constant 0 : i32
        %dma_wait3A_109 = arith.constant 0 : i32
        %dma_wait3A_110 = tpu.memref_slice %arg21[%run_scoped3A_63, %dma_wait3A_108, %dma_wait3A_109] : memref<20x64x32xf32, #tpu.memory_space<vmem>> -> memref<1x64x32xf32, #tpu.memory_space<vmem>>
        %dma_wait3A_111 = tpu.memref_squeeze %dma_wait3A_110 : memref<1x64x32xf32, #tpu.memory_space<vmem>> -> memref<64x32xf32, #tpu.memory_space<vmem>>
        tpu.wait_dma2 semaphore(%run_scoped3A_85 : memref<!tpu.dma_semaphore, #tpu.memory_space<semaphore_mem>>) src(%dma_wait3A_111 : memref<64x32xf32, #tpu.memory_space<vmem>>) dst(%dma_wait3A_107 : memref<64x32xf32, #tpu.memory_space<hbm>>)
        tpu.yield
      }) : () -> ()
      %run_scoped3A_65 = arith.constant 10 : i32
      %run_scoped3A_66 = arith.constant 10 : i32
      "tpu.region"() ({
        %run_scoped3A_85 = tpu.sem_alloc : memref<!tpu.dma_semaphore, #tpu.memory_space<semaphore_mem>>
        %dma_start3A = arith.constant 0 : i32
        %dma_start3A_86 = arith.constant 0 : i32
        %dma_start3A_87 = tpu.memref_slice %arg21[%run_scoped3A_65, %dma_start3A, %dma_start3A_86] : memref<20x64x32xf32, #tpu.memory_space<vmem>> -> memref<1x64x32xf32, #tpu.memory_space<vmem>>
        %dma_start3A_88 = tpu.memref_squeeze %dma_start3A_87 : memref<1x64x32xf32, #tpu.memory_space<vmem>> -> memref<64x32xf32, #tpu.memory_space<vmem>>
        %dma_start3A_89 = arith.constant 0 : i32
        %dma_start3A_90 = tpu.memref_slice %arg11[%run_scoped3A_66, %select_n3A, %add3A_40, %dma_start3A_89] : memref<20x8x1024x32xf32, #tpu.memory_space<hbm>> -> memref<1x1x64x32xf32, #tpu.memory_space<hbm>>
        %dma_start3A_91 = tpu.memref_squeeze %dma_start3A_90 : memref<1x1x64x32xf32, #tpu.memory_space<hbm>> -> memref<64x32xf32, #tpu.memory_space<hbm>>
        %dma_start3A_92 = arith.constant 0 : i32
        %dma_start3A_93 = tpu.memref_slice %arg11[%run_scoped3A_66, %select_n3A, %add3A_40, %dma_start3A_92] : memref<20x8x1024x32xf32, #tpu.memory_space<hbm>> -> memref<1x1x64x32xf32, #tpu.memory_space<hbm>>
        %dma_start3A_94 = tpu.memref_squeeze %dma_start3A_93 : memref<1x1x64x32xf32, #tpu.memory_space<hbm>> -> memref<64x32xf32, #tpu.memory_space<hbm>>
        %dma_start3A_95 = arith.constant 0 : i32
        %dma_start3A_96 = arith.constant 0 : i32
        %dma_start3A_97 = tpu.memref_slice %arg21[%run_scoped3A_65, %dma_start3A_95, %dma_start3A_96] : memref<20x64x32xf32, #tpu.memory_space<vmem>> -> memref<1x64x32xf32, #tpu.memory_space<vmem>>
        %dma_start3A_98 = tpu.memref_squeeze %dma_start3A_97 : memref<1x64x32xf32, #tpu.memory_space<vmem>> -> memref<64x32xf32, #tpu.memory_space<vmem>>
        tpu.enqueue_dma source(%dma_start3A_98 : memref<64x32xf32, #tpu.memory_space<vmem>>) target(%dma_start3A_94 : memref<64x32xf32, #tpu.memory_space<hbm>>) target_semaphore(%run_scoped3A_85 : memref<!tpu.dma_semaphore, #tpu.memory_space<semaphore_mem>>)
        %dma_wait3A = arith.constant 0 : i32
        %dma_wait3A_99 = arith.constant 0 : i32
        %dma_wait3A_100 = tpu.memref_slice %arg21[%run_scoped3A_65, %dma_wait3A, %dma_wait3A_99] : memref<20x64x32xf32, #tpu.memory_space<vmem>> -> memref<1x64x32xf32, #tpu.memory_space<vmem>>
        %dma_wait3A_101 = tpu.memref_squeeze %dma_wait3A_100 : memref<1x64x32xf32, #tpu.memory_space<vmem>> -> memref<64x32xf32, #tpu.memory_space<vmem>>
        %dma_wait3A_102 = arith.constant 0 : i32
        %dma_wait3A_103 = tpu.memref_slice %arg11[%run_scoped3A_66, %select_n3A, %add3A_40, %dma_wait3A_102] : memref<20x8x1024x32xf32, #tpu.memory_space<hbm>> -> memref<1x1x64x32xf32, #tpu.memory_space<hbm>>
        %dma_wait3A_104 = tpu.memref_squeeze %dma_wait3A_103 : memref<1x1x64x32xf32, #tpu.memory_space<hbm>> -> memref<64x32xf32, #tpu.memory_space<hbm>>
        %dma_wait3A_105 = arith.constant 0 : i32
        %dma_wait3A_106 = tpu.memref_slice %arg11[%run_scoped3A_66, %select_n3A, %add3A_40, %dma_wait3A_105] : memref<20x8x1024x32xf32, #tpu.memory_space<hbm>> -> memref<1x1x64x32xf32, #tpu.memory_space<hbm>>
        %dma_wait3A_107 = tpu.memref_squeeze %dma_wait3A_106 : memref<1x1x64x32xf32, #tpu.memory_space<hbm>> -> memref<64x32xf32, #tpu.memory_space<hbm>>
        %dma_wait3A_108 = arith.constant 0 : i32
        %dma_wait3A_109 = arith.constant 0 : i32
        %dma_wait3A_110 = tpu.memref_slice %arg21[%run_scoped3A_65, %dma_wait3A_108, %dma_wait3A_109] : memref<20x64x32xf32, #tpu.memory_space<vmem>> -> memref<1x64x32xf32, #tpu.memory_space<vmem>>
        %dma_wait3A_111 = tpu.memref_squeeze %dma_wait3A_110 : memref<1x64x32xf32, #tpu.memory_space<vmem>> -> memref<64x32xf32, #tpu.memory_space<vmem>>
        tpu.wait_dma2 semaphore(%run_scoped3A_85 : memref<!tpu.dma_semaphore, #tpu.memory_space<semaphore_mem>>) src(%dma_wait3A_111 : memref<64x32xf32, #tpu.memory_space<vmem>>) dst(%dma_wait3A_107 : memref<64x32xf32, #tpu.memory_space<hbm>>)
        tpu.yield
      }) : () -> ()
      %run_scoped3A_67 = arith.constant 11 : i32
      %run_scoped3A_68 = arith.constant 11 : i32
      "tpu.region"() ({
        %run_scoped3A_85 = tpu.sem_alloc : memref<!tpu.dma_semaphore, #tpu.memory_space<semaphore_mem>>
        %dma_start3A = arith.constant 0 : i32
        %dma_start3A_86 = arith.constant 0 : i32
        %dma_start3A_87 = tpu.memref_slice %arg21[%run_scoped3A_67, %dma_start3A, %dma_start3A_86] : memref<20x64x32xf32, #tpu.memory_space<vmem>> -> memref<1x64x32xf32, #tpu.memory_space<vmem>>
        %dma_start3A_88 = tpu.memref_squeeze %dma_start3A_87 : memref<1x64x32xf32, #tpu.memory_space<vmem>> -> memref<64x32xf32, #tpu.memory_space<vmem>>
        %dma_start3A_89 = arith.constant 0 : i32
        %dma_start3A_90 = tpu.memref_slice %arg11[%run_scoped3A_68, %select_n3A, %add3A_40, %dma_start3A_89] : memref<20x8x1024x32xf32, #tpu.memory_space<hbm>> -> memref<1x1x64x32xf32, #tpu.memory_space<hbm>>
        %dma_start3A_91 = tpu.memref_squeeze %dma_start3A_90 : memref<1x1x64x32xf32, #tpu.memory_space<hbm>> -> memref<64x32xf32, #tpu.memory_space<hbm>>
        %dma_start3A_92 = arith.constant 0 : i32
        %dma_start3A_93 = tpu.memref_slice %arg11[%run_scoped3A_68, %select_n3A, %add3A_40, %dma_start3A_92] : memref<20x8x1024x32xf32, #tpu.memory_space<hbm>> -> memref<1x1x64x32xf32, #tpu.memory_space<hbm>>
        %dma_start3A_94 = tpu.memref_squeeze %dma_start3A_93 : memref<1x1x64x32xf32, #tpu.memory_space<hbm>> -> memref<64x32xf32, #tpu.memory_space<hbm>>
        %dma_start3A_95 = arith.constant 0 : i32
        %dma_start3A_96 = arith.constant 0 : i32
        %dma_start3A_97 = tpu.memref_slice %arg21[%run_scoped3A_67, %dma_start3A_95, %dma_start3A_96] : memref<20x64x32xf32, #tpu.memory_space<vmem>> -> memref<1x64x32xf32, #tpu.memory_space<vmem>>
        %dma_start3A_98 = tpu.memref_squeeze %dma_start3A_97 : memref<1x64x32xf32, #tpu.memory_space<vmem>> -> memref<64x32xf32, #tpu.memory_space<vmem>>
        tpu.enqueue_dma source(%dma_start3A_98 : memref<64x32xf32, #tpu.memory_space<vmem>>) target(%dma_start3A_94 : memref<64x32xf32, #tpu.memory_space<hbm>>) target_semaphore(%run_scoped3A_85 : memref<!tpu.dma_semaphore, #tpu.memory_space<semaphore_mem>>)
        %dma_wait3A = arith.constant 0 : i32
        %dma_wait3A_99 = arith.constant 0 : i32
        %dma_wait3A_100 = tpu.memref_slice %arg21[%run_scoped3A_67, %dma_wait3A, %dma_wait3A_99] : memref<20x64x32xf32, #tpu.memory_space<vmem>> -> memref<1x64x32xf32, #tpu.memory_space<vmem>>
        %dma_wait3A_101 = tpu.memref_squeeze %dma_wait3A_100 : memref<1x64x32xf32, #tpu.memory_space<vmem>> -> memref<64x32xf32, #tpu.memory_space<vmem>>
        %dma_wait3A_102 = arith.constant 0 : i32
        %dma_wait3A_103 = tpu.memref_slice %arg11[%run_scoped3A_68, %select_n3A, %add3A_40, %dma_wait3A_102] : memref<20x8x1024x32xf32, #tpu.memory_space<hbm>> -> memref<1x1x64x32xf32, #tpu.memory_space<hbm>>
        %dma_wait3A_104 = tpu.memref_squeeze %dma_wait3A_103 : memref<1x1x64x32xf32, #tpu.memory_space<hbm>> -> memref<64x32xf32, #tpu.memory_space<hbm>>
        %dma_wait3A_105 = arith.constant 0 : i32
        %dma_wait3A_106 = tpu.memref_slice %arg11[%run_scoped3A_68, %select_n3A, %add3A_40, %dma_wait3A_105] : memref<20x8x1024x32xf32, #tpu.memory_space<hbm>> -> memref<1x1x64x32xf32, #tpu.memory_space<hbm>>
        %dma_wait3A_107 = tpu.memref_squeeze %dma_wait3A_106 : memref<1x1x64x32xf32, #tpu.memory_space<hbm>> -> memref<64x32xf32, #tpu.memory_space<hbm>>
        %dma_wait3A_108 = arith.constant 0 : i32
        %dma_wait3A_109 = arith.constant 0 : i32
        %dma_wait3A_110 = tpu.memref_slice %arg21[%run_scoped3A_67, %dma_wait3A_108, %dma_wait3A_109] : memref<20x64x32xf32, #tpu.memory_space<vmem>> -> memref<1x64x32xf32, #tpu.memory_space<vmem>>
        %dma_wait3A_111 = tpu.memref_squeeze %dma_wait3A_110 : memref<1x64x32xf32, #tpu.memory_space<vmem>> -> memref<64x32xf32, #tpu.memory_space<vmem>>
        tpu.wait_dma2 semaphore(%run_scoped3A_85 : memref<!tpu.dma_semaphore, #tpu.memory_space<semaphore_mem>>) src(%dma_wait3A_111 : memref<64x32xf32, #tpu.memory_space<vmem>>) dst(%dma_wait3A_107 : memref<64x32xf32, #tpu.memory_space<hbm>>)
        tpu.yield
      }) : () -> ()
      %run_scoped3A_69 = arith.constant 12 : i32
      %run_scoped3A_70 = arith.constant 12 : i32
      "tpu.region"() ({
        %run_scoped3A_85 = tpu.sem_alloc : memref<!tpu.dma_semaphore, #tpu.memory_space<semaphore_mem>>
        %dma_start3A = arith.constant 0 : i32
        %dma_start3A_86 = arith.constant 0 : i32
        %dma_start3A_87 = tpu.memref_slice %arg21[%run_scoped3A_69, %dma_start3A, %dma_start3A_86] : memref<20x64x32xf32, #tpu.memory_space<vmem>> -> memref<1x64x32xf32, #tpu.memory_space<vmem>>
        %dma_start3A_88 = tpu.memref_squeeze %dma_start3A_87 : memref<1x64x32xf32, #tpu.memory_space<vmem>> -> memref<64x32xf32, #tpu.memory_space<vmem>>
        %dma_start3A_89 = arith.constant 0 : i32
        %dma_start3A_90 = tpu.memref_slice %arg11[%run_scoped3A_70, %select_n3A, %add3A_40, %dma_start3A_89] : memref<20x8x1024x32xf32, #tpu.memory_space<hbm>> -> memref<1x1x64x32xf32, #tpu.memory_space<hbm>>
        %dma_start3A_91 = tpu.memref_squeeze %dma_start3A_90 : memref<1x1x64x32xf32, #tpu.memory_space<hbm>> -> memref<64x32xf32, #tpu.memory_space<hbm>>
        %dma_start3A_92 = arith.constant 0 : i32
        %dma_start3A_93 = tpu.memref_slice %arg11[%run_scoped3A_70, %select_n3A, %add3A_40, %dma_start3A_92] : memref<20x8x1024x32xf32, #tpu.memory_space<hbm>> -> memref<1x1x64x32xf32, #tpu.memory_space<hbm>>
        %dma_start3A_94 = tpu.memref_squeeze %dma_start3A_93 : memref<1x1x64x32xf32, #tpu.memory_space<hbm>> -> memref<64x32xf32, #tpu.memory_space<hbm>>
        %dma_start3A_95 = arith.constant 0 : i32
        %dma_start3A_96 = arith.constant 0 : i32
        %dma_start3A_97 = tpu.memref_slice %arg21[%run_scoped3A_69, %dma_start3A_95, %dma_start3A_96] : memref<20x64x32xf32, #tpu.memory_space<vmem>> -> memref<1x64x32xf32, #tpu.memory_space<vmem>>
        %dma_start3A_98 = tpu.memref_squeeze %dma_start3A_97 : memref<1x64x32xf32, #tpu.memory_space<vmem>> -> memref<64x32xf32, #tpu.memory_space<vmem>>
        tpu.enqueue_dma source(%dma_start3A_98 : memref<64x32xf32, #tpu.memory_space<vmem>>) target(%dma_start3A_94 : memref<64x32xf32, #tpu.memory_space<hbm>>) target_semaphore(%run_scoped3A_85 : memref<!tpu.dma_semaphore, #tpu.memory_space<semaphore_mem>>)
        %dma_wait3A = arith.constant 0 : i32
        %dma_wait3A_99 = arith.constant 0 : i32
        %dma_wait3A_100 = tpu.memref_slice %arg21[%run_scoped3A_69, %dma_wait3A, %dma_wait3A_99] : memref<20x64x32xf32, #tpu.memory_space<vmem>> -> memref<1x64x32xf32, #tpu.memory_space<vmem>>
        %dma_wait3A_101 = tpu.memref_squeeze %dma_wait3A_100 : memref<1x64x32xf32, #tpu.memory_space<vmem>> -> memref<64x32xf32, #tpu.memory_space<vmem>>
        %dma_wait3A_102 = arith.constant 0 : i32
        %dma_wait3A_103 = tpu.memref_slice %arg11[%run_scoped3A_70, %select_n3A, %add3A_40, %dma_wait3A_102] : memref<20x8x1024x32xf32, #tpu.memory_space<hbm>> -> memref<1x1x64x32xf32, #tpu.memory_space<hbm>>
        %dma_wait3A_104 = tpu.memref_squeeze %dma_wait3A_103 : memref<1x1x64x32xf32, #tpu.memory_space<hbm>> -> memref<64x32xf32, #tpu.memory_space<hbm>>
        %dma_wait3A_105 = arith.constant 0 : i32
        %dma_wait3A_106 = tpu.memref_slice %arg11[%run_scoped3A_70, %select_n3A, %add3A_40, %dma_wait3A_105] : memref<20x8x1024x32xf32, #tpu.memory_space<hbm>> -> memref<1x1x64x32xf32, #tpu.memory_space<hbm>>
        %dma_wait3A_107 = tpu.memref_squeeze %dma_wait3A_106 : memref<1x1x64x32xf32, #tpu.memory_space<hbm>> -> memref<64x32xf32, #tpu.memory_space<hbm>>
        %dma_wait3A_108 = arith.constant 0 : i32
        %dma_wait3A_109 = arith.constant 0 : i32
        %dma_wait3A_110 = tpu.memref_slice %arg21[%run_scoped3A_69, %dma_wait3A_108, %dma_wait3A_109] : memref<20x64x32xf32, #tpu.memory_space<vmem>> -> memref<1x64x32xf32, #tpu.memory_space<vmem>>
        %dma_wait3A_111 = tpu.memref_squeeze %dma_wait3A_110 : memref<1x64x32xf32, #tpu.memory_space<vmem>> -> memref<64x32xf32, #tpu.memory_space<vmem>>
        tpu.wait_dma2 semaphore(%run_scoped3A_85 : memref<!tpu.dma_semaphore, #tpu.memory_space<semaphore_mem>>) src(%dma_wait3A_111 : memref<64x32xf32, #tpu.memory_space<vmem>>) dst(%dma_wait3A_107 : memref<64x32xf32, #tpu.memory_space<hbm>>)
        tpu.yield
      }) : () -> ()
      %run_scoped3A_71 = arith.constant 13 : i32
      %run_scoped3A_72 = arith.constant 13 : i32
      "tpu.region"() ({
        %run_scoped3A_85 = tpu.sem_alloc : memref<!tpu.dma_semaphore, #tpu.memory_space<semaphore_mem>>
        %dma_start3A = arith.constant 0 : i32
        %dma_start3A_86 = arith.constant 0 : i32
        %dma_start3A_87 = tpu.memref_slice %arg21[%run_scoped3A_71, %dma_start3A, %dma_start3A_86] : memref<20x64x32xf32, #tpu.memory_space<vmem>> -> memref<1x64x32xf32, #tpu.memory_space<vmem>>
        %dma_start3A_88 = tpu.memref_squeeze %dma_start3A_87 : memref<1x64x32xf32, #tpu.memory_space<vmem>> -> memref<64x32xf32, #tpu.memory_space<vmem>>
        %dma_start3A_89 = arith.constant 0 : i32
        %dma_start3A_90 = tpu.memref_slice %arg11[%run_scoped3A_72, %select_n3A, %add3A_40, %dma_start3A_89] : memref<20x8x1024x32xf32, #tpu.memory_space<hbm>> -> memref<1x1x64x32xf32, #tpu.memory_space<hbm>>
        %dma_start3A_91 = tpu.memref_squeeze %dma_start3A_90 : memref<1x1x64x32xf32, #tpu.memory_space<hbm>> -> memref<64x32xf32, #tpu.memory_space<hbm>>
        %dma_start3A_92 = arith.constant 0 : i32
        %dma_start3A_93 = tpu.memref_slice %arg11[%run_scoped3A_72, %select_n3A, %add3A_40, %dma_start3A_92] : memref<20x8x1024x32xf32, #tpu.memory_space<hbm>> -> memref<1x1x64x32xf32, #tpu.memory_space<hbm>>
        %dma_start3A_94 = tpu.memref_squeeze %dma_start3A_93 : memref<1x1x64x32xf32, #tpu.memory_space<hbm>> -> memref<64x32xf32, #tpu.memory_space<hbm>>
        %dma_start3A_95 = arith.constant 0 : i32
        %dma_start3A_96 = arith.constant 0 : i32
        %dma_start3A_97 = tpu.memref_slice %arg21[%run_scoped3A_71, %dma_start3A_95, %dma_start3A_96] : memref<20x64x32xf32, #tpu.memory_space<vmem>> -> memref<1x64x32xf32, #tpu.memory_space<vmem>>
        %dma_start3A_98 = tpu.memref_squeeze %dma_start3A_97 : memref<1x64x32xf32, #tpu.memory_space<vmem>> -> memref<64x32xf32, #tpu.memory_space<vmem>>
        tpu.enqueue_dma source(%dma_start3A_98 : memref<64x32xf32, #tpu.memory_space<vmem>>) target(%dma_start3A_94 : memref<64x32xf32, #tpu.memory_space<hbm>>) target_semaphore(%run_scoped3A_85 : memref<!tpu.dma_semaphore, #tpu.memory_space<semaphore_mem>>)
        %dma_wait3A = arith.constant 0 : i32
        %dma_wait3A_99 = arith.constant 0 : i32
        %dma_wait3A_100 = tpu.memref_slice %arg21[%run_scoped3A_71, %dma_wait3A, %dma_wait3A_99] : memref<20x64x32xf32, #tpu.memory_space<vmem>> -> memref<1x64x32xf32, #tpu.memory_space<vmem>>
        %dma_wait3A_101 = tpu.memref_squeeze %dma_wait3A_100 : memref<1x64x32xf32, #tpu.memory_space<vmem>> -> memref<64x32xf32, #tpu.memory_space<vmem>>
        %dma_wait3A_102 = arith.constant 0 : i32
        %dma_wait3A_103 = tpu.memref_slice %arg11[%run_scoped3A_72, %select_n3A, %add3A_40, %dma_wait3A_102] : memref<20x8x1024x32xf32, #tpu.memory_space<hbm>> -> memref<1x1x64x32xf32, #tpu.memory_space<hbm>>
        %dma_wait3A_104 = tpu.memref_squeeze %dma_wait3A_103 : memref<1x1x64x32xf32, #tpu.memory_space<hbm>> -> memref<64x32xf32, #tpu.memory_space<hbm>>
        %dma_wait3A_105 = arith.constant 0 : i32
        %dma_wait3A_106 = tpu.memref_slice %arg11[%run_scoped3A_72, %select_n3A, %add3A_40, %dma_wait3A_105] : memref<20x8x1024x32xf32, #tpu.memory_space<hbm>> -> memref<1x1x64x32xf32, #tpu.memory_space<hbm>>
        %dma_wait3A_107 = tpu.memref_squeeze %dma_wait3A_106 : memref<1x1x64x32xf32, #tpu.memory_space<hbm>> -> memref<64x32xf32, #tpu.memory_space<hbm>>
        %dma_wait3A_108 = arith.constant 0 : i32
        %dma_wait3A_109 = arith.constant 0 : i32
        %dma_wait3A_110 = tpu.memref_slice %arg21[%run_scoped3A_71, %dma_wait3A_108, %dma_wait3A_109] : memref<20x64x32xf32, #tpu.memory_space<vmem>> -> memref<1x64x32xf32, #tpu.memory_space<vmem>>
        %dma_wait3A_111 = tpu.memref_squeeze %dma_wait3A_110 : memref<1x64x32xf32, #tpu.memory_space<vmem>> -> memref<64x32xf32, #tpu.memory_space<vmem>>
        tpu.wait_dma2 semaphore(%run_scoped3A_85 : memref<!tpu.dma_semaphore, #tpu.memory_space<semaphore_mem>>) src(%dma_wait3A_111 : memref<64x32xf32, #tpu.memory_space<vmem>>) dst(%dma_wait3A_107 : memref<64x32xf32, #tpu.memory_space<hbm>>)
        tpu.yield
      }) : () -> ()
      %run_scoped3A_73 = arith.constant 14 : i32
      %run_scoped3A_74 = arith.constant 14 : i32
      "tpu.region"() ({
        %run_scoped3A_85 = tpu.sem_alloc : memref<!tpu.dma_semaphore, #tpu.memory_space<semaphore_mem>>
        %dma_start3A = arith.constant 0 : i32
        %dma_start3A_86 = arith.constant 0 : i32
        %dma_start3A_87 = tpu.memref_slice %arg21[%run_scoped3A_73, %dma_start3A, %dma_start3A_86] : memref<20x64x32xf32, #tpu.memory_space<vmem>> -> memref<1x64x32xf32, #tpu.memory_space<vmem>>
        %dma_start3A_88 = tpu.memref_squeeze %dma_start3A_87 : memref<1x64x32xf32, #tpu.memory_space<vmem>> -> memref<64x32xf32, #tpu.memory_space<vmem>>
        %dma_start3A_89 = arith.constant 0 : i32
        %dma_start3A_90 = tpu.memref_slice %arg11[%run_scoped3A_74, %select_n3A, %add3A_40, %dma_start3A_89] : memref<20x8x1024x32xf32, #tpu.memory_space<hbm>> -> memref<1x1x64x32xf32, #tpu.memory_space<hbm>>
        %dma_start3A_91 = tpu.memref_squeeze %dma_start3A_90 : memref<1x1x64x32xf32, #tpu.memory_space<hbm>> -> memref<64x32xf32, #tpu.memory_space<hbm>>
        %dma_start3A_92 = arith.constant 0 : i32
        %dma_start3A_93 = tpu.memref_slice %arg11[%run_scoped3A_74, %select_n3A, %add3A_40, %dma_start3A_92] : memref<20x8x1024x32xf32, #tpu.memory_space<hbm>> -> memref<1x1x64x32xf32, #tpu.memory_space<hbm>>
        %dma_start3A_94 = tpu.memref_squeeze %dma_start3A_93 : memref<1x1x64x32xf32, #tpu.memory_space<hbm>> -> memref<64x32xf32, #tpu.memory_space<hbm>>
        %dma_start3A_95 = arith.constant 0 : i32
        %dma_start3A_96 = arith.constant 0 : i32
        %dma_start3A_97 = tpu.memref_slice %arg21[%run_scoped3A_73, %dma_start3A_95, %dma_start3A_96] : memref<20x64x32xf32, #tpu.memory_space<vmem>> -> memref<1x64x32xf32, #tpu.memory_space<vmem>>
        %dma_start3A_98 = tpu.memref_squeeze %dma_start3A_97 : memref<1x64x32xf32, #tpu.memory_space<vmem>> -> memref<64x32xf32, #tpu.memory_space<vmem>>
        tpu.enqueue_dma source(%dma_start3A_98 : memref<64x32xf32, #tpu.memory_space<vmem>>) target(%dma_start3A_94 : memref<64x32xf32, #tpu.memory_space<hbm>>) target_semaphore(%run_scoped3A_85 : memref<!tpu.dma_semaphore, #tpu.memory_space<semaphore_mem>>)
        %dma_wait3A = arith.constant 0 : i32
        %dma_wait3A_99 = arith.constant 0 : i32
        %dma_wait3A_100 = tpu.memref_slice %arg21[%run_scoped3A_73, %dma_wait3A, %dma_wait3A_99] : memref<20x64x32xf32, #tpu.memory_space<vmem>> -> memref<1x64x32xf32, #tpu.memory_space<vmem>>
        %dma_wait3A_101 = tpu.memref_squeeze %dma_wait3A_100 : memref<1x64x32xf32, #tpu.memory_space<vmem>> -> memref<64x32xf32, #tpu.memory_space<vmem>>
        %dma_wait3A_102 = arith.constant 0 : i32
        %dma_wait3A_103 = tpu.memref_slice %arg11[%run_scoped3A_74, %select_n3A, %add3A_40, %dma_wait3A_102] : memref<20x8x1024x32xf32, #tpu.memory_space<hbm>> -> memref<1x1x64x32xf32, #tpu.memory_space<hbm>>
        %dma_wait3A_104 = tpu.memref_squeeze %dma_wait3A_103 : memref<1x1x64x32xf32, #tpu.memory_space<hbm>> -> memref<64x32xf32, #tpu.memory_space<hbm>>
        %dma_wait3A_105 = arith.constant 0 : i32
        %dma_wait3A_106 = tpu.memref_slice %arg11[%run_scoped3A_74, %select_n3A, %add3A_40, %dma_wait3A_105] : memref<20x8x1024x32xf32, #tpu.memory_space<hbm>> -> memref<1x1x64x32xf32, #tpu.memory_space<hbm>>
        %dma_wait3A_107 = tpu.memref_squeeze %dma_wait3A_106 : memref<1x1x64x32xf32, #tpu.memory_space<hbm>> -> memref<64x32xf32, #tpu.memory_space<hbm>>
        %dma_wait3A_108 = arith.constant 0 : i32
        %dma_wait3A_109 = arith.constant 0 : i32
        %dma_wait3A_110 = tpu.memref_slice %arg21[%run_scoped3A_73, %dma_wait3A_108, %dma_wait3A_109] : memref<20x64x32xf32, #tpu.memory_space<vmem>> -> memref<1x64x32xf32, #tpu.memory_space<vmem>>
        %dma_wait3A_111 = tpu.memref_squeeze %dma_wait3A_110 : memref<1x64x32xf32, #tpu.memory_space<vmem>> -> memref<64x32xf32, #tpu.memory_space<vmem>>
        tpu.wait_dma2 semaphore(%run_scoped3A_85 : memref<!tpu.dma_semaphore, #tpu.memory_space<semaphore_mem>>) src(%dma_wait3A_111 : memref<64x32xf32, #tpu.memory_space<vmem>>) dst(%dma_wait3A_107 : memref<64x32xf32, #tpu.memory_space<hbm>>)
        tpu.yield
      }) : () -> ()
      %run_scoped3A_75 = arith.constant 15 : i32
      %run_scoped3A_76 = arith.constant 15 : i32
      "tpu.region"() ({
        %run_scoped3A_85 = tpu.sem_alloc : memref<!tpu.dma_semaphore, #tpu.memory_space<semaphore_mem>>
        %dma_start3A = arith.constant 0 : i32
        %dma_start3A_86 = arith.constant 0 : i32
        %dma_start3A_87 = tpu.memref_slice %arg21[%run_scoped3A_75, %dma_start3A, %dma_start3A_86] : memref<20x64x32xf32, #tpu.memory_space<vmem>> -> memref<1x64x32xf32, #tpu.memory_space<vmem>>
        %dma_start3A_88 = tpu.memref_squeeze %dma_start3A_87 : memref<1x64x32xf32, #tpu.memory_space<vmem>> -> memref<64x32xf32, #tpu.memory_space<vmem>>
        %dma_start3A_89 = arith.constant 0 : i32
        %dma_start3A_90 = tpu.memref_slice %arg11[%run_scoped3A_76, %select_n3A, %add3A_40, %dma_start3A_89] : memref<20x8x1024x32xf32, #tpu.memory_space<hbm>> -> memref<1x1x64x32xf32, #tpu.memory_space<hbm>>
        %dma_start3A_91 = tpu.memref_squeeze %dma_start3A_90 : memref<1x1x64x32xf32, #tpu.memory_space<hbm>> -> memref<64x32xf32, #tpu.memory_space<hbm>>
        %dma_start3A_92 = arith.constant 0 : i32
        %dma_start3A_93 = tpu.memref_slice %arg11[%run_scoped3A_76, %select_n3A, %add3A_40, %dma_start3A_92] : memref<20x8x1024x32xf32, #tpu.memory_space<hbm>> -> memref<1x1x64x32xf32, #tpu.memory_space<hbm>>
        %dma_start3A_94 = tpu.memref_squeeze %dma_start3A_93 : memref<1x1x64x32xf32, #tpu.memory_space<hbm>> -> memref<64x32xf32, #tpu.memory_space<hbm>>
        %dma_start3A_95 = arith.constant 0 : i32
        %dma_start3A_96 = arith.constant 0 : i32
        %dma_start3A_97 = tpu.memref_slice %arg21[%run_scoped3A_75, %dma_start3A_95, %dma_start3A_96] : memref<20x64x32xf32, #tpu.memory_space<vmem>> -> memref<1x64x32xf32, #tpu.memory_space<vmem>>
        %dma_start3A_98 = tpu.memref_squeeze %dma_start3A_97 : memref<1x64x32xf32, #tpu.memory_space<vmem>> -> memref<64x32xf32, #tpu.memory_space<vmem>>
        tpu.enqueue_dma source(%dma_start3A_98 : memref<64x32xf32, #tpu.memory_space<vmem>>) target(%dma_start3A_94 : memref<64x32xf32, #tpu.memory_space<hbm>>) target_semaphore(%run_scoped3A_85 : memref<!tpu.dma_semaphore, #tpu.memory_space<semaphore_mem>>)
        %dma_wait3A = arith.constant 0 : i32
        %dma_wait3A_99 = arith.constant 0 : i32
        %dma_wait3A_100 = tpu.memref_slice %arg21[%run_scoped3A_75, %dma_wait3A, %dma_wait3A_99] : memref<20x64x32xf32, #tpu.memory_space<vmem>> -> memref<1x64x32xf32, #tpu.memory_space<vmem>>
        %dma_wait3A_101 = tpu.memref_squeeze %dma_wait3A_100 : memref<1x64x32xf32, #tpu.memory_space<vmem>> -> memref<64x32xf32, #tpu.memory_space<vmem>>
        %dma_wait3A_102 = arith.constant 0 : i32
        %dma_wait3A_103 = tpu.memref_slice %arg11[%run_scoped3A_76, %select_n3A, %add3A_40, %dma_wait3A_102] : memref<20x8x1024x32xf32, #tpu.memory_space<hbm>> -> memref<1x1x64x32xf32, #tpu.memory_space<hbm>>
        %dma_wait3A_104 = tpu.memref_squeeze %dma_wait3A_103 : memref<1x1x64x32xf32, #tpu.memory_space<hbm>> -> memref<64x32xf32, #tpu.memory_space<hbm>>
        %dma_wait3A_105 = arith.constant 0 : i32
        %dma_wait3A_106 = tpu.memref_slice %arg11[%run_scoped3A_76, %select_n3A, %add3A_40, %dma_wait3A_105] : memref<20x8x1024x32xf32, #tpu.memory_space<hbm>> -> memref<1x1x64x32xf32, #tpu.memory_space<hbm>>
        %dma_wait3A_107 = tpu.memref_squeeze %dma_wait3A_106 : memref<1x1x64x32xf32, #tpu.memory_space<hbm>> -> memref<64x32xf32, #tpu.memory_space<hbm>>
        %dma_wait3A_108 = arith.constant 0 : i32
        %dma_wait3A_109 = arith.constant 0 : i32
        %dma_wait3A_110 = tpu.memref_slice %arg21[%run_scoped3A_75, %dma_wait3A_108, %dma_wait3A_109] : memref<20x64x32xf32, #tpu.memory_space<vmem>> -> memref<1x64x32xf32, #tpu.memory_space<vmem>>
        %dma_wait3A_111 = tpu.memref_squeeze %dma_wait3A_110 : memref<1x64x32xf32, #tpu.memory_space<vmem>> -> memref<64x32xf32, #tpu.memory_space<vmem>>
        tpu.wait_dma2 semaphore(%run_scoped3A_85 : memref<!tpu.dma_semaphore, #tpu.memory_space<semaphore_mem>>) src(%dma_wait3A_111 : memref<64x32xf32, #tpu.memory_space<vmem>>) dst(%dma_wait3A_107 : memref<64x32xf32, #tpu.memory_space<hbm>>)
        tpu.yield
      }) : () -> ()
      %run_scoped3A_77 = arith.constant 16 : i32
      %run_scoped3A_78 = arith.constant 16 : i32
      "tpu.region"() ({
        %run_scoped3A_85 = tpu.sem_alloc : memref<!tpu.dma_semaphore, #tpu.memory_space<semaphore_mem>>
        %dma_start3A = arith.constant 0 : i32
        %dma_start3A_86 = arith.constant 0 : i32
        %dma_start3A_87 = tpu.memref_slice %arg21[%run_scoped3A_77, %dma_start3A, %dma_start3A_86] : memref<20x64x32xf32, #tpu.memory_space<vmem>> -> memref<1x64x32xf32, #tpu.memory_space<vmem>>
        %dma_start3A_88 = tpu.memref_squeeze %dma_start3A_87 : memref<1x64x32xf32, #tpu.memory_space<vmem>> -> memref<64x32xf32, #tpu.memory_space<vmem>>
        %dma_start3A_89 = arith.constant 0 : i32
        %dma_start3A_90 = tpu.memref_slice %arg11[%run_scoped3A_78, %select_n3A, %add3A_40, %dma_start3A_89] : memref<20x8x1024x32xf32, #tpu.memory_space<hbm>> -> memref<1x1x64x32xf32, #tpu.memory_space<hbm>>
        %dma_start3A_91 = tpu.memref_squeeze %dma_start3A_90 : memref<1x1x64x32xf32, #tpu.memory_space<hbm>> -> memref<64x32xf32, #tpu.memory_space<hbm>>
        %dma_start3A_92 = arith.constant 0 : i32
        %dma_start3A_93 = tpu.memref_slice %arg11[%run_scoped3A_78, %select_n3A, %add3A_40, %dma_start3A_92] : memref<20x8x1024x32xf32, #tpu.memory_space<hbm>> -> memref<1x1x64x32xf32, #tpu.memory_space<hbm>>
        %dma_start3A_94 = tpu.memref_squeeze %dma_start3A_93 : memref<1x1x64x32xf32, #tpu.memory_space<hbm>> -> memref<64x32xf32, #tpu.memory_space<hbm>>
        %dma_start3A_95 = arith.constant 0 : i32
        %dma_start3A_96 = arith.constant 0 : i32
        %dma_start3A_97 = tpu.memref_slice %arg21[%run_scoped3A_77, %dma_start3A_95, %dma_start3A_96] : memref<20x64x32xf32, #tpu.memory_space<vmem>> -> memref<1x64x32xf32, #tpu.memory_space<vmem>>
        %dma_start3A_98 = tpu.memref_squeeze %dma_start3A_97 : memref<1x64x32xf32, #tpu.memory_space<vmem>> -> memref<64x32xf32, #tpu.memory_space<vmem>>
        tpu.enqueue_dma source(%dma_start3A_98 : memref<64x32xf32, #tpu.memory_space<vmem>>) target(%dma_start3A_94 : memref<64x32xf32, #tpu.memory_space<hbm>>) target_semaphore(%run_scoped3A_85 : memref<!tpu.dma_semaphore, #tpu.memory_space<semaphore_mem>>)
        %dma_wait3A = arith.constant 0 : i32
        %dma_wait3A_99 = arith.constant 0 : i32
        %dma_wait3A_100 = tpu.memref_slice %arg21[%run_scoped3A_77, %dma_wait3A, %dma_wait3A_99] : memref<20x64x32xf32, #tpu.memory_space<vmem>> -> memref<1x64x32xf32, #tpu.memory_space<vmem>>
        %dma_wait3A_101 = tpu.memref_squeeze %dma_wait3A_100 : memref<1x64x32xf32, #tpu.memory_space<vmem>> -> memref<64x32xf32, #tpu.memory_space<vmem>>
        %dma_wait3A_102 = arith.constant 0 : i32
        %dma_wait3A_103 = tpu.memref_slice %arg11[%run_scoped3A_78, %select_n3A, %add3A_40, %dma_wait3A_102] : memref<20x8x1024x32xf32, #tpu.memory_space<hbm>> -> memref<1x1x64x32xf32, #tpu.memory_space<hbm>>
        %dma_wait3A_104 = tpu.memref_squeeze %dma_wait3A_103 : memref<1x1x64x32xf32, #tpu.memory_space<hbm>> -> memref<64x32xf32, #tpu.memory_space<hbm>>
        %dma_wait3A_105 = arith.constant 0 : i32
        %dma_wait3A_106 = tpu.memref_slice %arg11[%run_scoped3A_78, %select_n3A, %add3A_40, %dma_wait3A_105] : memref<20x8x1024x32xf32, #tpu.memory_space<hbm>> -> memref<1x1x64x32xf32, #tpu.memory_space<hbm>>
        %dma_wait3A_107 = tpu.memref_squeeze %dma_wait3A_106 : memref<1x1x64x32xf32, #tpu.memory_space<hbm>> -> memref<64x32xf32, #tpu.memory_space<hbm>>
        %dma_wait3A_108 = arith.constant 0 : i32
        %dma_wait3A_109 = arith.constant 0 : i32
        %dma_wait3A_110 = tpu.memref_slice %arg21[%run_scoped3A_77, %dma_wait3A_108, %dma_wait3A_109] : memref<20x64x32xf32, #tpu.memory_space<vmem>> -> memref<1x64x32xf32, #tpu.memory_space<vmem>>
        %dma_wait3A_111 = tpu.memref_squeeze %dma_wait3A_110 : memref<1x64x32xf32, #tpu.memory_space<vmem>> -> memref<64x32xf32, #tpu.memory_space<vmem>>
        tpu.wait_dma2 semaphore(%run_scoped3A_85 : memref<!tpu.dma_semaphore, #tpu.memory_space<semaphore_mem>>) src(%dma_wait3A_111 : memref<64x32xf32, #tpu.memory_space<vmem>>) dst(%dma_wait3A_107 : memref<64x32xf32, #tpu.memory_space<hbm>>)
        tpu.yield
      }) : () -> ()
      %run_scoped3A_79 = arith.constant 17 : i32
      %run_scoped3A_80 = arith.constant 17 : i32
      "tpu.region"() ({
        %run_scoped3A_85 = tpu.sem_alloc : memref<!tpu.dma_semaphore, #tpu.memory_space<semaphore_mem>>
        %dma_start3A = arith.constant 0 : i32
        %dma_start3A_86 = arith.constant 0 : i32
        %dma_start3A_87 = tpu.memref_slice %arg21[%run_scoped3A_79, %dma_start3A, %dma_start3A_86] : memref<20x64x32xf32, #tpu.memory_space<vmem>> -> memref<1x64x32xf32, #tpu.memory_space<vmem>>
        %dma_start3A_88 = tpu.memref_squeeze %dma_start3A_87 : memref<1x64x32xf32, #tpu.memory_space<vmem>> -> memref<64x32xf32, #tpu.memory_space<vmem>>
        %dma_start3A_89 = arith.constant 0 : i32
        %dma_start3A_90 = tpu.memref_slice %arg11[%run_scoped3A_80, %select_n3A, %add3A_40, %dma_start3A_89] : memref<20x8x1024x32xf32, #tpu.memory_space<hbm>> -> memref<1x1x64x32xf32, #tpu.memory_space<hbm>>
        %dma_start3A_91 = tpu.memref_squeeze %dma_start3A_90 : memref<1x1x64x32xf32, #tpu.memory_space<hbm>> -> memref<64x32xf32, #tpu.memory_space<hbm>>
        %dma_start3A_92 = arith.constant 0 : i32
        %dma_start3A_93 = tpu.memref_slice %arg11[%run_scoped3A_80, %select_n3A, %add3A_40, %dma_start3A_92] : memref<20x8x1024x32xf32, #tpu.memory_space<hbm>> -> memref<1x1x64x32xf32, #tpu.memory_space<hbm>>
        %dma_start3A_94 = tpu.memref_squeeze %dma_start3A_93 : memref<1x1x64x32xf32, #tpu.memory_space<hbm>> -> memref<64x32xf32, #tpu.memory_space<hbm>>
        %dma_start3A_95 = arith.constant 0 : i32
        %dma_start3A_96 = arith.constant 0 : i32
        %dma_start3A_97 = tpu.memref_slice %arg21[%run_scoped3A_79, %dma_start3A_95, %dma_start3A_96] : memref<20x64x32xf32, #tpu.memory_space<vmem>> -> memref<1x64x32xf32, #tpu.memory_space<vmem>>
        %dma_start3A_98 = tpu.memref_squeeze %dma_start3A_97 : memref<1x64x32xf32, #tpu.memory_space<vmem>> -> memref<64x32xf32, #tpu.memory_space<vmem>>
        tpu.enqueue_dma source(%dma_start3A_98 : memref<64x32xf32, #tpu.memory_space<vmem>>) target(%dma_start3A_94 : memref<64x32xf32, #tpu.memory_space<hbm>>) target_semaphore(%run_scoped3A_85 : memref<!tpu.dma_semaphore, #tpu.memory_space<semaphore_mem>>)
        %dma_wait3A = arith.constant 0 : i32
        %dma_wait3A_99 = arith.constant 0 : i32
        %dma_wait3A_100 = tpu.memref_slice %arg21[%run_scoped3A_79, %dma_wait3A, %dma_wait3A_99] : memref<20x64x32xf32, #tpu.memory_space<vmem>> -> memref<1x64x32xf32, #tpu.memory_space<vmem>>
        %dma_wait3A_101 = tpu.memref_squeeze %dma_wait3A_100 : memref<1x64x32xf32, #tpu.memory_space<vmem>> -> memref<64x32xf32, #tpu.memory_space<vmem>>
        %dma_wait3A_102 = arith.constant 0 : i32
        %dma_wait3A_103 = tpu.memref_slice %arg11[%run_scoped3A_80, %select_n3A, %add3A_40, %dma_wait3A_102] : memref<20x8x1024x32xf32, #tpu.memory_space<hbm>> -> memref<1x1x64x32xf32, #tpu.memory_space<hbm>>
        %dma_wait3A_104 = tpu.memref_squeeze %dma_wait3A_103 : memref<1x1x64x32xf32, #tpu.memory_space<hbm>> -> memref<64x32xf32, #tpu.memory_space<hbm>>
        %dma_wait3A_105 = arith.constant 0 : i32
        %dma_wait3A_106 = tpu.memref_slice %arg11[%run_scoped3A_80, %select_n3A, %add3A_40, %dma_wait3A_105] : memref<20x8x1024x32xf32, #tpu.memory_space<hbm>> -> memref<1x1x64x32xf32, #tpu.memory_space<hbm>>
        %dma_wait3A_107 = tpu.memref_squeeze %dma_wait3A_106 : memref<1x1x64x32xf32, #tpu.memory_space<hbm>> -> memref<64x32xf32, #tpu.memory_space<hbm>>
        %dma_wait3A_108 = arith.constant 0 : i32
        %dma_wait3A_109 = arith.constant 0 : i32
        %dma_wait3A_110 = tpu.memref_slice %arg21[%run_scoped3A_79, %dma_wait3A_108, %dma_wait3A_109] : memref<20x64x32xf32, #tpu.memory_space<vmem>> -> memref<1x64x32xf32, #tpu.memory_space<vmem>>
        %dma_wait3A_111 = tpu.memref_squeeze %dma_wait3A_110 : memref<1x64x32xf32, #tpu.memory_space<vmem>> -> memref<64x32xf32, #tpu.memory_space<vmem>>
        tpu.wait_dma2 semaphore(%run_scoped3A_85 : memref<!tpu.dma_semaphore, #tpu.memory_space<semaphore_mem>>) src(%dma_wait3A_111 : memref<64x32xf32, #tpu.memory_space<vmem>>) dst(%dma_wait3A_107 : memref<64x32xf32, #tpu.memory_space<hbm>>)
        tpu.yield
      }) : () -> ()
      %run_scoped3A_81 = arith.constant 18 : i32
      %run_scoped3A_82 = arith.constant 18 : i32
      "tpu.region"() ({
        %run_scoped3A_85 = tpu.sem_alloc : memref<!tpu.dma_semaphore, #tpu.memory_space<semaphore_mem>>
        %dma_start3A = arith.constant 0 : i32
        %dma_start3A_86 = arith.constant 0 : i32
        %dma_start3A_87 = tpu.memref_slice %arg21[%run_scoped3A_81, %dma_start3A, %dma_start3A_86] : memref<20x64x32xf32, #tpu.memory_space<vmem>> -> memref<1x64x32xf32, #tpu.memory_space<vmem>>
        %dma_start3A_88 = tpu.memref_squeeze %dma_start3A_87 : memref<1x64x32xf32, #tpu.memory_space<vmem>> -> memref<64x32xf32, #tpu.memory_space<vmem>>
        %dma_start3A_89 = arith.constant 0 : i32
        %dma_start3A_90 = tpu.memref_slice %arg11[%run_scoped3A_82, %select_n3A, %add3A_40, %dma_start3A_89] : memref<20x8x1024x32xf32, #tpu.memory_space<hbm>> -> memref<1x1x64x32xf32, #tpu.memory_space<hbm>>
        %dma_start3A_91 = tpu.memref_squeeze %dma_start3A_90 : memref<1x1x64x32xf32, #tpu.memory_space<hbm>> -> memref<64x32xf32, #tpu.memory_space<hbm>>
        %dma_start3A_92 = arith.constant 0 : i32
        %dma_start3A_93 = tpu.memref_slice %arg11[%run_scoped3A_82, %select_n3A, %add3A_40, %dma_start3A_92] : memref<20x8x1024x32xf32, #tpu.memory_space<hbm>> -> memref<1x1x64x32xf32, #tpu.memory_space<hbm>>
        %dma_start3A_94 = tpu.memref_squeeze %dma_start3A_93 : memref<1x1x64x32xf32, #tpu.memory_space<hbm>> -> memref<64x32xf32, #tpu.memory_space<hbm>>
        %dma_start3A_95 = arith.constant 0 : i32
        %dma_start3A_96 = arith.constant 0 : i32
        %dma_start3A_97 = tpu.memref_slice %arg21[%run_scoped3A_81, %dma_start3A_95, %dma_start3A_96] : memref<20x64x32xf32, #tpu.memory_space<vmem>> -> memref<1x64x32xf32, #tpu.memory_space<vmem>>
        %dma_start3A_98 = tpu.memref_squeeze %dma_start3A_97 : memref<1x64x32xf32, #tpu.memory_space<vmem>> -> memref<64x32xf32, #tpu.memory_space<vmem>>
        tpu.enqueue_dma source(%dma_start3A_98 : memref<64x32xf32, #tpu.memory_space<vmem>>) target(%dma_start3A_94 : memref<64x32xf32, #tpu.memory_space<hbm>>) target_semaphore(%run_scoped3A_85 : memref<!tpu.dma_semaphore, #tpu.memory_space<semaphore_mem>>)
        %dma_wait3A = arith.constant 0 : i32
        %dma_wait3A_99 = arith.constant 0 : i32
        %dma_wait3A_100 = tpu.memref_slice %arg21[%run_scoped3A_81, %dma_wait3A, %dma_wait3A_99] : memref<20x64x32xf32, #tpu.memory_space<vmem>> -> memref<1x64x32xf32, #tpu.memory_space<vmem>>
        %dma_wait3A_101 = tpu.memref_squeeze %dma_wait3A_100 : memref<1x64x32xf32, #tpu.memory_space<vmem>> -> memref<64x32xf32, #tpu.memory_space<vmem>>
        %dma_wait3A_102 = arith.constant 0 : i32
        %dma_wait3A_103 = tpu.memref_slice %arg11[%run_scoped3A_82, %select_n3A, %add3A_40, %dma_wait3A_102] : memref<20x8x1024x32xf32, #tpu.memory_space<hbm>> -> memref<1x1x64x32xf32, #tpu.memory_space<hbm>>
        %dma_wait3A_104 = tpu.memref_squeeze %dma_wait3A_103 : memref<1x1x64x32xf32, #tpu.memory_space<hbm>> -> memref<64x32xf32, #tpu.memory_space<hbm>>
        %dma_wait3A_105 = arith.constant 0 : i32
        %dma_wait3A_106 = tpu.memref_slice %arg11[%run_scoped3A_82, %select_n3A, %add3A_40, %dma_wait3A_105] : memref<20x8x1024x32xf32, #tpu.memory_space<hbm>> -> memref<1x1x64x32xf32, #tpu.memory_space<hbm>>
        %dma_wait3A_107 = tpu.memref_squeeze %dma_wait3A_106 : memref<1x1x64x32xf32, #tpu.memory_space<hbm>> -> memref<64x32xf32, #tpu.memory_space<hbm>>
        %dma_wait3A_108 = arith.constant 0 : i32
        %dma_wait3A_109 = arith.constant 0 : i32
        %dma_wait3A_110 = tpu.memref_slice %arg21[%run_scoped3A_81, %dma_wait3A_108, %dma_wait3A_109] : memref<20x64x32xf32, #tpu.memory_space<vmem>> -> memref<1x64x32xf32, #tpu.memory_space<vmem>>
        %dma_wait3A_111 = tpu.memref_squeeze %dma_wait3A_110 : memref<1x64x32xf32, #tpu.memory_space<vmem>> -> memref<64x32xf32, #tpu.memory_space<vmem>>
        tpu.wait_dma2 semaphore(%run_scoped3A_85 : memref<!tpu.dma_semaphore, #tpu.memory_space<semaphore_mem>>) src(%dma_wait3A_111 : memref<64x32xf32, #tpu.memory_space<vmem>>) dst(%dma_wait3A_107 : memref<64x32xf32, #tpu.memory_space<hbm>>)
        tpu.yield
      }) : () -> ()
      %run_scoped3A_83 = arith.constant 19 : i32
      %run_scoped3A_84 = arith.constant 19 : i32
      "tpu.region"() ({
        %run_scoped3A_85 = tpu.sem_alloc : memref<!tpu.dma_semaphore, #tpu.memory_space<semaphore_mem>>
        %dma_start3A = arith.constant 0 : i32
        %dma_start3A_86 = arith.constant 0 : i32
        %dma_start3A_87 = tpu.memref_slice %arg21[%run_scoped3A_83, %dma_start3A, %dma_start3A_86] : memref<20x64x32xf32, #tpu.memory_space<vmem>> -> memref<1x64x32xf32, #tpu.memory_space<vmem>>
        %dma_start3A_88 = tpu.memref_squeeze %dma_start3A_87 : memref<1x64x32xf32, #tpu.memory_space<vmem>> -> memref<64x32xf32, #tpu.memory_space<vmem>>
        %dma_start3A_89 = arith.constant 0 : i32
        %dma_start3A_90 = tpu.memref_slice %arg11[%run_scoped3A_84, %select_n3A, %add3A_40, %dma_start3A_89] : memref<20x8x1024x32xf32, #tpu.memory_space<hbm>> -> memref<1x1x64x32xf32, #tpu.memory_space<hbm>>
        %dma_start3A_91 = tpu.memref_squeeze %dma_start3A_90 : memref<1x1x64x32xf32, #tpu.memory_space<hbm>> -> memref<64x32xf32, #tpu.memory_space<hbm>>
        %dma_start3A_92 = arith.constant 0 : i32
        %dma_start3A_93 = tpu.memref_slice %arg11[%run_scoped3A_84, %select_n3A, %add3A_40, %dma_start3A_92] : memref<20x8x1024x32xf32, #tpu.memory_space<hbm>> -> memref<1x1x64x32xf32, #tpu.memory_space<hbm>>
        %dma_start3A_94 = tpu.memref_squeeze %dma_start3A_93 : memref<1x1x64x32xf32, #tpu.memory_space<hbm>> -> memref<64x32xf32, #tpu.memory_space<hbm>>
        %dma_start3A_95 = arith.constant 0 : i32
        %dma_start3A_96 = arith.constant 0 : i32
        %dma_start3A_97 = tpu.memref_slice %arg21[%run_scoped3A_83, %dma_start3A_95, %dma_start3A_96] : memref<20x64x32xf32, #tpu.memory_space<vmem>> -> memref<1x64x32xf32, #tpu.memory_space<vmem>>
        %dma_start3A_98 = tpu.memref_squeeze %dma_start3A_97 : memref<1x64x32xf32, #tpu.memory_space<vmem>> -> memref<64x32xf32, #tpu.memory_space<vmem>>
        tpu.enqueue_dma source(%dma_start3A_98 : memref<64x32xf32, #tpu.memory_space<vmem>>) target(%dma_start3A_94 : memref<64x32xf32, #tpu.memory_space<hbm>>) target_semaphore(%run_scoped3A_85 : memref<!tpu.dma_semaphore, #tpu.memory_space<semaphore_mem>>)
        %dma_wait3A = arith.constant 0 : i32
        %dma_wait3A_99 = arith.constant 0 : i32
        %dma_wait3A_100 = tpu.memref_slice %arg21[%run_scoped3A_83, %dma_wait3A, %dma_wait3A_99] : memref<20x64x32xf32, #tpu.memory_space<vmem>> -> memref<1x64x32xf32, #tpu.memory_space<vmem>>
        %dma_wait3A_101 = tpu.memref_squeeze %dma_wait3A_100 : memref<1x64x32xf32, #tpu.memory_space<vmem>> -> memref<64x32xf32, #tpu.memory_space<vmem>>
        %dma_wait3A_102 = arith.constant 0 : i32
        %dma_wait3A_103 = tpu.memref_slice %arg11[%run_scoped3A_84, %select_n3A, %add3A_40, %dma_wait3A_102] : memref<20x8x1024x32xf32, #tpu.memory_space<hbm>> -> memref<1x1x64x32xf32, #tpu.memory_space<hbm>>
        %dma_wait3A_104 = tpu.memref_squeeze %dma_wait3A_103 : memref<1x1x64x32xf32, #tpu.memory_space<hbm>> -> memref<64x32xf32, #tpu.memory_space<hbm>>
        %dma_wait3A_105 = arith.constant 0 : i32
        %dma_wait3A_106 = tpu.memref_slice %arg11[%run_scoped3A_84, %select_n3A, %add3A_40, %dma_wait3A_105] : memref<20x8x1024x32xf32, #tpu.memory_space<hbm>> -> memref<1x1x64x32xf32, #tpu.memory_space<hbm>>
        %dma_wait3A_107 = tpu.memref_squeeze %dma_wait3A_106 : memref<1x1x64x32xf32, #tpu.memory_space<hbm>> -> memref<64x32xf32, #tpu.memory_space<hbm>>
        %dma_wait3A_108 = arith.constant 0 : i32
        %dma_wait3A_109 = arith.constant 0 : i32
        %dma_wait3A_110 = tpu.memref_slice %arg21[%run_scoped3A_83, %dma_wait3A_108, %dma_wait3A_109] : memref<20x64x32xf32, #tpu.memory_space<vmem>> -> memref<1x64x32xf32, #tpu.memory_space<vmem>>
        %dma_wait3A_111 = tpu.memref_squeeze %dma_wait3A_110 : memref<1x64x32xf32, #tpu.memory_space<vmem>> -> memref<64x32xf32, #tpu.memory_space<vmem>>
        tpu.wait_dma2 semaphore(%run_scoped3A_85 : memref<!tpu.dma_semaphore, #tpu.memory_space<semaphore_mem>>) src(%dma_wait3A_111 : memref<64x32xf32, #tpu.memory_space<vmem>>) dst(%dma_wait3A_107 : memref<64x32xf32, #tpu.memory_space<hbm>>)
        tpu.yield
      }) : () -> ()
    }
    %scan3A_36 = arith.constant 4 : i32
    return
  }
}

module attributes {stable_mosaic.version = 14 : i64} {
  func.func @_prep_body(%arg0: i32, %arg1: memref<1x1024x3xf32, #tpu.memory_space<vmem>>, %arg2: memref<1x1024x16xf32, #tpu.memory_space<vmem>>) attributes {dimension_semantics = [#tpu.dimension_semantics<arbitrary>], iteration_bounds = array<i64: 8>, scalar_prefetch = 0 : i64, scratch_operands = 0 : i64, tpu.core_type = #tpu.core_type<tc>, window_params = [{transform_indices = @transform_0, window_bounds = array<i64: 1, 1024, 3>}, {transform_indices = @transform_1, window_bounds = array<i64: 1, 1024, 16>}]} {
    %get3A = arith.constant 0 : index
    %get3A_0 = arith.constant 0 : index
    %get3A_1 = arith.constant 0 : index
    %get3A_2 = vector.load %arg1[%get3A, %get3A_0, %get3A_1] : memref<1x1024x3xf32, #tpu.memory_space<vmem>>, vector<1x1024x3xf32>
    %get3A_3 = vector.shape_cast %get3A_2 : vector<1x1024x3xf32> to vector<1024x3xf32>
    %slice3A = vector.extract_strided_slice %get3A_3 {offsets = [1, 0], sizes = [1023, 3], strides = [1, 1]} : vector<1024x3xf32> to vector<1023x3xf32>
    %slice3A_4 = vector.extract_strided_slice %get3A_3 {offsets = [0, 0], sizes = [1023, 3], strides = [1, 1]} : vector<1024x3xf32> to vector<1023x3xf32>
    %sub3A = arith.subf %slice3A, %slice3A_4 : vector<1023x3xf32>
    %broadcast_in_dim3A = arith.constant 0.000000e+00 : f32
    %broadcast_in_dim3A_5 = vector.broadcast %broadcast_in_dim3A : f32 to vector<1x3xf32>
    %concatenate3A = tpu.concatenate %sub3A, %broadcast_in_dim3A_5 in 0 : vector<1023x3xf32>, vector<1x3xf32> -> vector<1024x3xf32>
    %mul3A = arith.mulf %concatenate3A, %concatenate3A : vector<1024x3xf32>
    %reduce_sum3A = arith.constant dense<0.000000e+00> : vector<1024xf32>
    %reduce_sum3A_6 = vector.multi_reduction <add>, %mul3A, %reduce_sum3A [1] : vector<1024x3xf32> to vector<1024xf32>
    %broadcast_in_dim3A_7 = vector.shape_cast %reduce_sum3A_6 : vector<1024xf32> to vector<1024x1xf32>
    %sqrt3A = math.sqrt %broadcast_in_dim3A_7 : vector<1024x1xf32>
    %gt3A = arith.constant 3.600000e+00 : f32
    %gt3A_8 = vector.broadcast %gt3A : f32 to vector<1024x1xf32>
    %gt3A_9 = arith.cmpf ogt, %sqrt3A, %gt3A_8 : vector<1024x1xf32>
    %lt3A = arith.constant 4.000000e+00 : f32
    %lt3A_10 = vector.broadcast %lt3A : f32 to vector<1024x1xf32>
    %lt3A_11 = arith.cmpf olt, %sqrt3A, %lt3A_10 : vector<1024x1xf32>
    %and3A = arith.andi %gt3A_9, %lt3A_11 : vector<1024x1xi1>
    %convert_element_type3A = arith.extui %and3A : vector<1024x1xi1> to vector<1024x1xi32>
    %convert_element_type3A_12 = arith.sitofp %convert_element_type3A : vector<1024x1xi32> to vector<1024x1xf32>
    %mul3A_13 = vector.broadcast %convert_element_type3A_12 : vector<1024x1xf32> to vector<1024x3xf32>
    %mul3A_14 = arith.mulf %concatenate3A, %mul3A_13 : vector<1024x3xf32>
    %mul3A_15 = arith.mulf %sqrt3A, %convert_element_type3A_12 : vector<1024x1xf32>
    %max3A = arith.constant 9.99999996E-13 : f32
    %max3A_16 = vector.broadcast %max3A : f32 to vector<1024x1xf32>
    %max3A_17 = arith.maximumf %mul3A_15, %max3A_16 : vector<1024x1xf32>
    %div3A = vector.broadcast %max3A_17 : vector<1024x1xf32> to vector<1024x3xf32>
    %div3A_18 = arith.divf %mul3A_14, %div3A : vector<1024x3xf32>
    %broadcast_in_dim3A_19 = arith.constant 0.000000e+00 : f32
    %broadcast_in_dim3A_20 = vector.broadcast %broadcast_in_dim3A_19 : f32 to vector<1x3xf32>
    %slice3A_21 = vector.extract_strided_slice %div3A_18 {offsets = [0, 0], sizes = [1023, 3], strides = [1, 1]} : vector<1024x3xf32> to vector<1023x3xf32>
    %concatenate3A_22 = tpu.concatenate %broadcast_in_dim3A_20, %slice3A_21 in 0 : vector<1x3xf32>, vector<1023x3xf32> -> vector<1024x3xf32>
    %sub3A_23 = arith.subf %concatenate3A_22, %div3A_18 : vector<1024x3xf32>
    %mul3A_24 = arith.mulf %sub3A_23, %sub3A_23 : vector<1024x3xf32>
    %reduce_sum3A_25 = arith.constant dense<0.000000e+00> : vector<1024xf32>
    %reduce_sum3A_26 = vector.multi_reduction <add>, %mul3A_24, %reduce_sum3A_25 [1] : vector<1024x3xf32> to vector<1024xf32>
    %broadcast_in_dim3A_27 = vector.shape_cast %reduce_sum3A_26 : vector<1024xf32> to vector<1024x1xf32>
    %sqrt3A_28 = math.sqrt %broadcast_in_dim3A_27 : vector<1024x1xf32>
    %max3A_29 = arith.constant 9.99999996E-13 : f32
    %max3A_30 = vector.broadcast %max3A_29 : f32 to vector<1024x1xf32>
    %max3A_31 = arith.maximumf %sqrt3A_28, %max3A_30 : vector<1024x1xf32>
    %div3A_32 = vector.broadcast %max3A_31 : vector<1024x1xf32> to vector<1024x3xf32>
    %div3A_33 = arith.divf %sub3A_23, %div3A_32 : vector<1024x3xf32>
    %slice3A_34 = vector.extract_strided_slice %concatenate3A_22 {offsets = [0, 0], sizes = [1024, 1], strides = [1, 1]} : vector<1024x3xf32> to vector<1024x1xf32>
    %slice3A_35 = vector.extract_strided_slice %concatenate3A_22 {offsets = [0, 1], sizes = [1024, 1], strides = [1, 1]} : vector<1024x3xf32> to vector<1024x1xf32>
    %slice3A_36 = vector.extract_strided_slice %concatenate3A_22 {offsets = [0, 2], sizes = [1024, 1], strides = [1, 1]} : vector<1024x3xf32> to vector<1024x1xf32>
    %slice3A_37 = vector.extract_strided_slice %div3A_18 {offsets = [0, 0], sizes = [1024, 1], strides = [1, 1]} : vector<1024x3xf32> to vector<1024x1xf32>
    %slice3A_38 = vector.extract_strided_slice %div3A_18 {offsets = [0, 1], sizes = [1024, 1], strides = [1, 1]} : vector<1024x3xf32> to vector<1024x1xf32>
    %slice3A_39 = vector.extract_strided_slice %div3A_18 {offsets = [0, 2], sizes = [1024, 1], strides = [1, 1]} : vector<1024x3xf32> to vector<1024x1xf32>
    %mul3A_40 = arith.mulf %slice3A_35, %slice3A_39 : vector<1024x1xf32>
    %mul3A_41 = arith.mulf %slice3A_36, %slice3A_38 : vector<1024x1xf32>
    %sub3A_42 = arith.subf %mul3A_40, %mul3A_41 : vector<1024x1xf32>
    %mul3A_43 = arith.mulf %slice3A_36, %slice3A_37 : vector<1024x1xf32>
    %mul3A_44 = arith.mulf %slice3A_34, %slice3A_39 : vector<1024x1xf32>
    %sub3A_45 = arith.subf %mul3A_43, %mul3A_44 : vector<1024x1xf32>
    %mul3A_46 = arith.mulf %slice3A_34, %slice3A_38 : vector<1024x1xf32>
    %mul3A_47 = arith.mulf %slice3A_35, %slice3A_37 : vector<1024x1xf32>
    %sub3A_48 = arith.subf %mul3A_46, %mul3A_47 : vector<1024x1xf32>
    %concatenate3A_49 = tpu.concatenate %sub3A_42, %sub3A_45, %sub3A_48 in 1 : vector<1024x1xf32>, vector<1024x1xf32>, vector<1024x1xf32> -> vector<1024x3xf32>
    %mul3A_50 = arith.mulf %concatenate3A_49, %concatenate3A_49 : vector<1024x3xf32>
    %reduce_sum3A_51 = arith.constant dense<0.000000e+00> : vector<1024xf32>
    %reduce_sum3A_52 = vector.multi_reduction <add>, %mul3A_50, %reduce_sum3A_51 [1] : vector<1024x3xf32> to vector<1024xf32>
    %broadcast_in_dim3A_53 = vector.shape_cast %reduce_sum3A_52 : vector<1024xf32> to vector<1024x1xf32>
    %sqrt3A_54 = math.sqrt %broadcast_in_dim3A_53 : vector<1024x1xf32>
    %max3A_55 = arith.constant 9.99999996E-13 : f32
    %max3A_56 = vector.broadcast %max3A_55 : f32 to vector<1024x1xf32>
    %max3A_57 = arith.maximumf %sqrt3A_54, %max3A_56 : vector<1024x1xf32>
    %div3A_58 = vector.broadcast %max3A_57 : vector<1024x1xf32> to vector<1024x3xf32>
    %div3A_59 = arith.divf %concatenate3A_49, %div3A_58 : vector<1024x3xf32>
    %slice3A_60 = vector.extract_strided_slice %div3A_33 {offsets = [0, 0], sizes = [1024, 1], strides = [1, 1]} : vector<1024x3xf32> to vector<1024x1xf32>
    %slice3A_61 = vector.extract_strided_slice %div3A_33 {offsets = [0, 1], sizes = [1024, 1], strides = [1, 1]} : vector<1024x3xf32> to vector<1024x1xf32>
    %slice3A_62 = vector.extract_strided_slice %div3A_33 {offsets = [0, 2], sizes = [1024, 1], strides = [1, 1]} : vector<1024x3xf32> to vector<1024x1xf32>
    %slice3A_63 = vector.extract_strided_slice %div3A_59 {offsets = [0, 0], sizes = [1024, 1], strides = [1, 1]} : vector<1024x3xf32> to vector<1024x1xf32>
    %slice3A_64 = vector.extract_strided_slice %div3A_59 {offsets = [0, 1], sizes = [1024, 1], strides = [1, 1]} : vector<1024x3xf32> to vector<1024x1xf32>
    %slice3A_65 = vector.extract_strided_slice %div3A_59 {offsets = [0, 2], sizes = [1024, 1], strides = [1, 1]} : vector<1024x3xf32> to vector<1024x1xf32>
    %mul3A_66 = arith.mulf %slice3A_61, %slice3A_65 : vector<1024x1xf32>
    %mul3A_67 = arith.mulf %slice3A_62, %slice3A_64 : vector<1024x1xf32>
    %sub3A_68 = arith.subf %mul3A_66, %mul3A_67 : vector<1024x1xf32>
    %mul3A_69 = arith.mulf %slice3A_62, %slice3A_63 : vector<1024x1xf32>
    %mul3A_70 = arith.mulf %slice3A_60, %slice3A_65 : vector<1024x1xf32>
    %sub3A_71 = arith.subf %mul3A_69, %mul3A_70 : vector<1024x1xf32>
    %mul3A_72 = arith.mulf %slice3A_60, %slice3A_64 : vector<1024x1xf32>
    %mul3A_73 = arith.mulf %slice3A_61, %slice3A_63 : vector<1024x1xf32>
    %sub3A_74 = arith.subf %mul3A_72, %mul3A_73 : vector<1024x1xf32>
    %concatenate3A_75 = tpu.concatenate %sub3A_68, %sub3A_71, %sub3A_74 in 1 : vector<1024x1xf32>, vector<1024x1xf32>, vector<1024x1xf32> -> vector<1024x3xf32>
    %iota3A = tpu.iota {dimensions = array<i32: 0>} : vector<1024x1xi32>
    %ge3A = arith.constant 1 : i32
    %ge3A_76 = vector.broadcast %ge3A : i32 to vector<1024x1xi32>
    %ge3A_77 = arith.cmpi sge, %iota3A, %ge3A_76 : vector<1024x1xi32>
    %le3A = arith.constant 1021 : i32
    %le3A_78 = vector.broadcast %le3A : i32 to vector<1024x1xi32>
    %le3A_79 = arith.cmpi sle, %iota3A, %le3A_78 : vector<1024x1xi32>
    %and3A_80 = arith.andi %ge3A_77, %le3A_79 : vector<1024x1xi1>
    %convert_element_type3A_81 = arith.extui %and3A_80 : vector<1024x1xi1> to vector<1024x1xi32>
    %convert_element_type3A_82 = arith.sitofp %convert_element_type3A_81 : vector<1024x1xi32> to vector<1024x1xf32>
    %broadcast_in_dim3A_83 = arith.constant 0.000000e+00 : f32
    %broadcast_in_dim3A_84 = vector.broadcast %broadcast_in_dim3A_83 : f32 to vector<1024x7xf32>
    %concatenate3A_85 = tpu.concatenate %div3A_33, %div3A_59, %concatenate3A_75, %broadcast_in_dim3A_84 in 1 : vector<1024x3xf32>, vector<1024x3xf32>, vector<1024x3xf32>, vector<1024x7xf32> -> vector<1024x16xf32>
    %mul3A_86 = vector.broadcast %convert_element_type3A_82 : vector<1024x1xf32> to vector<1024x16xf32>
    %mul3A_87 = arith.mulf %concatenate3A_85, %mul3A_86 : vector<1024x16xf32>
    %swap3A = arith.constant 0 : index
    %swap3A_88 = arith.constant 0 : index
    %swap3A_89 = arith.constant 0 : index
    %swap3A_90 = vector.load %arg2[%swap3A, %swap3A_88, %swap3A_89] : memref<1x1024x16xf32, #tpu.memory_space<vmem>>, vector<1x1024x16xf32>
    %swap3A_91 = vector.shape_cast %swap3A_90 : vector<1x1024x16xf32> to vector<1024x16xf32>
    %swap3A_92 = vector.shape_cast %mul3A_87 : vector<1024x16xf32> to vector<1x1024x16xf32>
    tpu.vector_store %arg2[%swap3A, %swap3A_88, %swap3A_89], %swap3A_92 {strides = array<i32>} : memref<1x1024x16xf32, #tpu.memory_space<vmem>>, vector<1x1024x16xf32>,
    return
  }
  func.func @transform_0(%arg0: i32) -> (i32, i32, i32) {
    %c0_i32 = arith.constant 0 : i32
    %c0_i32_0 = arith.constant 0 : i32
    %c0_i32_1 = arith.constant 0 : i32
    return %arg0, %c0_i32, %c0_i32_0 : i32, i32, i32
  }
  func.func @transform_1(%arg0: i32) -> (i32, i32, i32) {
    %c0_i32 = arith.constant 0 : i32
    %c0_i32_0 = arith.constant 0 : i32
    %c0_i32_1 = arith.constant 0 : i32
    return %arg0, %c0_i32, %c0_i32_0 : i32, i32, i32
  }
}

module attributes {stable_mosaic.version = 14 : i64} {
  func.func @_features_body(%arg0: i32, %arg1: memref<20x8192xf32, #tpu.memory_space<vmem>>, %arg2: memref<66x128xf32, #tpu.memory_space<vmem>>, %arg3: memref<144x128xf32, #tpu.memory_space<vmem>>, %arg4: memref<8x128xf32, #tpu.memory_space<vmem>>, %arg5: memref<8x128xf32, #tpu.memory_space<vmem>>, %arg6: memref<8192x128xf32, #tpu.memory_space<vmem>>) attributes {dimension_semantics = [#tpu.dimension_semantics<arbitrary>], iteration_bounds = array<i64: 32>, scalar_prefetch = 0 : i64, scratch_operands = 0 : i64, tpu.core_type = #tpu.core_type<tc>, window_params = [{transform_indices = @transform_0, window_bounds = array<i64: 20, 8192>}, {pipeline_mode = #tpu.pipeline_mode<synchronous>, transform_indices = @transform_1, window_bounds = array<i64: 66, 128>}, {pipeline_mode = #tpu.pipeline_mode<synchronous>, transform_indices = @transform_2, window_bounds = array<i64: 144, 128>}, {pipeline_mode = #tpu.pipeline_mode<synchronous>, transform_indices = @transform_3, window_bounds = array<i64: 8, 128>}, {pipeline_mode = #tpu.pipeline_mode<synchronous>, transform_indices = @transform_4, window_bounds = array<i64: 8, 128>}, {transform_indices = @transform_5, window_bounds = array<i64: 8192, 128>}]} {
    %get3A = arith.constant 0 : index
    %get3A_0 = arith.constant 0 : index
    %get3A_1 = vector.load %arg1[%get3A, %get3A_0] : memref<20x8192xf32, #tpu.memory_space<vmem>>, vector<20x8192xf32>
    %slice3A = vector.extract_strided_slice %get3A_1 {offsets = [19, 0], sizes = [1, 8192], strides = [1, 1]} : vector<20x8192xf32> to vector<1x8192xf32>
    %iota3A = tpu.iota {dimensions = array<i32: 0>} : vector<66x8192xi32>
    %convert_element_type3A = arith.sitofp %iota3A : vector<66x8192xi32> to vector<66x8192xf32>
    %eq3A = vector.broadcast %slice3A : vector<1x8192xf32> to vector<66x8192xf32>
    %eq3A_2 = arith.cmpf oeq, %convert_element_type3A, %eq3A : vector<66x8192xf32>
    %convert_element_type3A_3 = arith.extui %eq3A_2 : vector<66x8192xi1> to vector<66x8192xi32>
    %convert_element_type3A_4 = arith.sitofp %convert_element_type3A_3 : vector<66x8192xi32> to vector<66x8192xf32>
    %get3A_5 = arith.constant 0 : index
    %get3A_6 = arith.constant 0 : index
    %get3A_7 = vector.load %arg2[%get3A_5, %get3A_6] : memref<66x128xf32, #tpu.memory_space<vmem>>, vector<66x128xf32>
    %dot_general3A = arith.constant dense<0.000000e+00> : vector<8192x128xf32>
    %dot_general3A_8 = tpu.matmul %convert_element_type3A_4, %get3A_7, %dot_general3A {dimension_numbers = #tpu.dot_dimension_numbers<[0], [0], [1], [1], [0, 1, 1, 1], [], []>, transpose_lhs_hint = false} : vector<66x8192xf32>, vector<66x128xf32>, vector<8192x128xf32> -> vector<8192x128xf32>
    %iota3A_9 = tpu.iota {dimensions = array<i32: 0>} : vector<9x144xi32>
    %iota3A_10 = tpu.iota {dimensions = array<i32: 1>} : vector<9x144xi32>
    %shift_right_arithmetic3A = arith.constant 4 : i32
    %shift_right_arithmetic3A_11 = vector.broadcast %shift_right_arithmetic3A : i32 to vector<9x144xi32>
    %shift_right_arithmetic3A_12 = arith.shrsi %iota3A_10, %shift_right_arithmetic3A_11 : vector<9x144xi32>
    %eq3A_13 = arith.cmpi eq, %iota3A_9, %shift_right_arithmetic3A_12 : vector<9x144xi32>
    %convert_element_type3A_14 = arith.extui %eq3A_13 : vector<9x144xi1> to vector<9x144xi32>
    %convert_element_type3A_15 = arith.sitofp %convert_element_type3A_14 : vector<9x144xi32> to vector<9x144xf32>
    %slice3A_16 = vector.extract_strided_slice %get3A_1 {offsets = [0, 0], sizes = [9, 8192], strides = [1, 1]} : vector<20x8192xf32> to vector<9x8192xf32>
    %dot_general3A_17 = arith.constant dense<0.000000e+00> : vector<144x8192xf32>
    %dot_general3A_18 = tpu.matmul %convert_element_type3A_15, %slice3A_16, %dot_general3A_17 {dimension_numbers = #tpu.dot_dimension_numbers<[0], [0], [1], [1], [0, 1, 1, 1], [], []>, transpose_lhs_hint = false} : vector<9x144xf32>, vector<9x8192xf32>, vector<144x8192xf32> -> vector<144x8192xf32>
    %iota3A_19 = tpu.iota {dimensions = array<i32: 0>} : vector<144x1xi32>
    %and3A = arith.constant 15 : i32
    %and3A_20 = vector.broadcast %and3A : i32 to vector<144x1xi32>
    %and3A_21 = arith.andi %iota3A_19, %and3A_20 : vector<144x1xi32>
    %convert_element_type3A_22 = arith.sitofp %and3A_21 : vector<144x1xi32> to vector<144x1xf32>
    %mul3A = arith.constant 1.33333337 : f32
    %mul3A_23 = vector.broadcast %mul3A : f32 to vector<144x1xf32>
    %mul3A_24 = arith.mulf %convert_element_type3A_22, %mul3A_23 : vector<144x1xf32>
    %add3A = arith.constant 2.000000e+00 : f32
    %add3A_25 = vector.broadcast %add3A : f32 to vector<144x1xf32>
    %add3A_26 = arith.addf %add3A_25, %mul3A_24 : vector<144x1xf32>
    %add3A_27 = arith.constant 9.99999997E-7 : f32
    %add3A_28 = vector.broadcast %add3A_27 : f32 to vector<144x8192xf32>
    %add3A_29 = arith.addf %dot_general3A_18, %add3A_28 : vector<144x8192xf32>
    %sqrt3A = math.sqrt %add3A_29 : vector<144x8192xf32>
    %sub3A = vector.broadcast %add3A_26 : vector<144x1xf32> to vector<144x8192xf32>
    %sub3A_30 = arith.subf %sqrt3A, %sub3A : vector<144x8192xf32>
    %mul3A_31 = arith.constant 8.000000e-01 : f32
    %mul3A_32 = vector.broadcast %mul3A_31 : f32 to vector<144x8192xf32>
    %mul3A_33 = arith.mulf %sub3A_30, %mul3A_32 : vector<144x8192xf32>
    %mul3A_34 = arith.mulf %mul3A_33, %mul3A_33 : vector<144x8192xf32>
    %neg3A = arith.constant 0.000000e+00 : f32
    %neg3A_35 = vector.broadcast %neg3A : f32 to vector<144x8192xf32>
    %neg3A_36 = arith.subf %neg3A_35, %mul3A_34 : vector<144x8192xf32>
    %exp3A = math.exp %neg3A_36 : vector<144x8192xf32>
    %get3A_37 = arith.constant 0 : index
    %get3A_38 = arith.constant 0 : index
    %get3A_39 = vector.load %arg3[%get3A_37, %get3A_38] : memref<144x128xf32, #tpu.memory_space<vmem>>, vector<144x128xf32>
    %dot_general3A_40 = arith.constant dense<0.000000e+00> : vector<8192x128xf32>
    %dot_general3A_41 = tpu.matmul %exp3A, %get3A_39, %dot_general3A_40 {dimension_numbers = #tpu.dot_dimension_numbers<[0], [0], [1], [1], [0, 1, 1, 1], [], []>, transpose_lhs_hint = false} : vector<144x8192xf32>, vector<144x128xf32>, vector<8192x128xf32> -> vector<8192x128xf32>
    %add3A_42 = arith.addf %dot_general3A_8, %dot_general3A_41 : vector<8192x128xf32>
    %slice3A_43 = vector.extract_strided_slice %get3A_1 {offsets = [9, 0], sizes = [3, 8192], strides = [1, 1]} : vector<20x8192xf32> to vector<3x8192xf32>
    %mul3A_44 = arith.mulf %slice3A_43, %slice3A_43 : vector<3x8192xf32>
    %reduce_sum3A = arith.constant dense<0.000000e+00> : vector<8192xf32>
    %reduce_sum3A_45 = vector.multi_reduction <add>, %mul3A_44, %reduce_sum3A [0] : vector<3x8192xf32> to vector<8192xf32>
    %broadcast_in_dim3A = vector.shape_cast %reduce_sum3A_45 : vector<8192xf32> to vector<1x8192xf32>
    %sqrt3A_46 = math.sqrt %broadcast_in_dim3A : vector<1x8192xf32>
    %max3A = arith.constant 9.99999996E-13 : f32
    %max3A_47 = vector.broadcast %max3A : f32 to vector<1x8192xf32>
    %max3A_48 = arith.maximumf %sqrt3A_46, %max3A_47 : vector<1x8192xf32>
    %div3A = vector.broadcast %max3A_48 : vector<1x8192xf32> to vector<3x8192xf32>
    %div3A_49 = arith.divf %slice3A_43, %div3A : vector<3x8192xf32>
    %slice3A_50 = vector.extract_strided_slice %get3A_1 {offsets = [12, 0], sizes = [3, 8192], strides = [1, 1]} : vector<20x8192xf32> to vector<3x8192xf32>
    %sign3A = tpu.bitcast %slice3A_50 : vector<3x8192xf32> -> vector<3x8192xi32>
    %sign3A_51 = arith.constant -2147483648 : i32
    %sign3A_52 = vector.broadcast %sign3A_51 : i32 to vector<3x8192xi32>
    %sign3A_53 = arith.andi %sign3A, %sign3A_52 : vector<3x8192xi32>
    %sign3A_54 = arith.constant 1065353216 : i32
    %sign3A_55 = vector.broadcast %sign3A_54 : i32 to vector<3x8192xi32>
    %sign3A_56 = arith.ori %sign3A_55, %sign3A_53 : vector<3x8192xi32>
    %sign3A_57 = tpu.bitcast %sign3A_56 : vector<3x8192xi32> -> vector<3x8192xf32>
    %sign3A_58 = math.absf %slice3A_50 : vector<3x8192xf32>
    %sign3A_59 = arith.constant 0.000000e+00 : f32
    %sign3A_60 = vector.broadcast %sign3A_59 : f32 to vector<3x8192xf32>
    %sign3A_61 = arith.cmpf ogt, %sign3A_58, %sign3A_60 : vector<3x8192xf32>
    %sign3A_62 = arith.select %sign3A_61, %sign3A_57, %slice3A_50 : vector<3x8192xi1>, vector<3x8192xf32>
    %slice3A_63 = vector.extract_strided_slice %get3A_1 {offsets = [15, 0], sizes = [3, 8192], strides = [1, 1]} : vector<20x8192xf32> to vector<3x8192xf32>
    %abs3A = math.absf %slice3A_63 : vector<3x8192xf32>
    %sqrt3A_64 = math.sqrt %abs3A : vector<3x8192xf32>
    %mul3A_65 = arith.constant 5.000000e-01 : f32
    %mul3A_66 = vector.broadcast %mul3A_65 : f32 to vector<3x8192xf32>
    %mul3A_67 = arith.mulf %mul3A_66, %sqrt3A_64 : vector<3x8192xf32>
    %mul3A_68 = arith.mulf %sign3A_62, %mul3A_67 : vector<3x8192xf32>
    %slice3A_69 = vector.extract_strided_slice %get3A_1 {offsets = [18, 0], sizes = [1, 8192], strides = [1, 1]} : vector<20x8192xf32> to vector<1x8192xf32>
    %max3A_70 = arith.constant 0.000000e+00 : f32
    %max3A_71 = vector.broadcast %max3A_70 : f32 to vector<1x8192xf32>
    %max3A_72 = arith.maximumf %slice3A_69, %max3A_71 : vector<1x8192xf32>
    %sqrt3A_73 = math.sqrt %max3A_72 : vector<1x8192xf32>
    %mul3A_74 = arith.constant 5.000000e-01 : f32
    %mul3A_75 = vector.broadcast %mul3A_74 : f32 to vector<1x8192xf32>
    %mul3A_76 = arith.mulf %mul3A_75, %sqrt3A_73 : vector<1x8192xf32>
    %concatenate3A = tpu.concatenate %mul3A_68, %mul3A_76 in 0 : vector<3x8192xf32>, vector<1x8192xf32> -> vector<4x8192xf32>
    %mul3A_77 = arith.mulf %concatenate3A, %concatenate3A : vector<4x8192xf32>
    %reduce_sum3A_78 = arith.constant dense<0.000000e+00> : vector<8192xf32>
    %reduce_sum3A_79 = vector.multi_reduction <add>, %mul3A_77, %reduce_sum3A_78 [0] : vector<4x8192xf32> to vector<8192xf32>
    %broadcast_in_dim3A_80 = vector.shape_cast %reduce_sum3A_79 : vector<8192xf32> to vector<1x8192xf32>
    %sqrt3A_81 = math.sqrt %broadcast_in_dim3A_80 : vector<1x8192xf32>
    %max3A_82 = arith.constant 9.99999996E-13 : f32
    %max3A_83 = vector.broadcast %max3A_82 : f32 to vector<1x8192xf32>
    %max3A_84 = arith.maximumf %sqrt3A_81, %max3A_83 : vector<1x8192xf32>
    %div3A_85 = vector.broadcast %max3A_84 : vector<1x8192xf32> to vector<4x8192xf32>
    %div3A_86 = arith.divf %concatenate3A, %div3A_85 : vector<4x8192xf32>
    %broadcast_in_dim3A_87 = arith.constant 0.000000e+00 : f32
    %broadcast_in_dim3A_88 = vector.broadcast %broadcast_in_dim3A_87 : f32 to vector<1x8192xf32>
    %concatenate3A_89 = tpu.concatenate %div3A_49, %div3A_86, %broadcast_in_dim3A_88 in 0 : vector<3x8192xf32>, vector<4x8192xf32>, vector<1x8192xf32> -> vector<8x8192xf32>
    %get3A_90 = arith.constant 0 : index
    %get3A_91 = arith.constant 0 : index
    %get3A_92 = vector.load %arg4[%get3A_90, %get3A_91] : memref<8x128xf32, #tpu.memory_space<vmem>>, vector<8x128xf32>
    %dot_general3A_93 = arith.constant dense<0.000000e+00> : vector<8192x128xf32>
    %dot_general3A_94 = tpu.matmul %concatenate3A_89, %get3A_92, %dot_general3A_93 {dimension_numbers = #tpu.dot_dimension_numbers<[0], [0], [1], [1], [0, 1, 1, 1], [], []>, transpose_lhs_hint = false} : vector<8x8192xf32>, vector<8x128xf32>, vector<8192x128xf32> -> vector<8192x128xf32>
    %add3A_95 = arith.addf %add3A_42, %dot_general3A_94 : vector<8192x128xf32>
    %get3A_96 = arith.constant 2 : index
    %get3A_97 = arith.constant 0 : index
    %get3A_98 = vector.load %arg5[%get3A_96, %get3A_97] : memref<8x128xf32, #tpu.memory_space<vmem>>, vector<1x128xf32>
    %add3A_99 = vector.broadcast %get3A_98 : vector<1x128xf32> to vector<8192x128xf32>
    %add3A_100 = arith.addf %add3A_95, %add3A_99 : vector<8192x128xf32>
    %reduce_sum3A_101 = arith.constant dense<0.000000e+00> : vector<8192xf32>
    %reduce_sum3A_102 = vector.multi_reduction <add>, %add3A_100, %reduce_sum3A_101 [1] : vector<8192x128xf32> to vector<8192xf32>
    %broadcast_in_dim3A_103 = vector.shape_cast %reduce_sum3A_102 : vector<8192xf32> to vector<8192x1xf32>
    %div3A_104 = arith.constant 1.280000e+02 : f32
    %div3A_105 = vector.broadcast %div3A_104 : f32 to vector<8192x1xf32>
    %div3A_106 = arith.divf %broadcast_in_dim3A_103, %div3A_105 : vector<8192x1xf32>
    %sub3A_107 = vector.broadcast %div3A_106 : vector<8192x1xf32> to vector<8192x128xf32>
    %sub3A_108 = arith.subf %add3A_100, %sub3A_107 : vector<8192x128xf32>
    %mul3A_109 = arith.mulf %sub3A_108, %sub3A_108 : vector<8192x128xf32>
    %reduce_sum3A_110 = arith.constant dense<0.000000e+00> : vector<8192xf32>
    %reduce_sum3A_111 = vector.multi_reduction <add>, %mul3A_109, %reduce_sum3A_110 [1] : vector<8192x128xf32> to vector<8192xf32>
    %broadcast_in_dim3A_112 = vector.shape_cast %reduce_sum3A_111 : vector<8192xf32> to vector<8192x1xf32>
    %div3A_113 = arith.constant 1.280000e+02 : f32
    %div3A_114 = vector.broadcast %div3A_113 : f32 to vector<8192x1xf32>
    %div3A_115 = arith.divf %broadcast_in_dim3A_112, %div3A_114 : vector<8192x1xf32>
    %add3A_116 = arith.constant 9.99999974E-6 : f32
    %add3A_117 = vector.broadcast %add3A_116 : f32 to vector<8192x1xf32>
    %add3A_118 = arith.addf %div3A_115, %add3A_117 : vector<8192x1xf32>
    %sqrt3A_119 = math.sqrt %add3A_118 : vector<8192x1xf32>
    %div3A_120 = vector.broadcast %sqrt3A_119 : vector<8192x1xf32> to vector<8192x128xf32>
    %div3A_121 = arith.divf %sub3A_108, %div3A_120 : vector<8192x128xf32>
    %get3A_122 = arith.constant 0 : index
    %get3A_123 = arith.constant 0 : index
    %get3A_124 = vector.load %arg5[%get3A_122, %get3A_123] : memref<8x128xf32, #tpu.memory_space<vmem>>, vector<1x128xf32>
    %mul3A_125 = vector.broadcast %get3A_124 : vector<1x128xf32> to vector<8192x128xf32>
    %mul3A_126 = arith.mulf %div3A_121, %mul3A_125 : vector<8192x128xf32>
    %get3A_127 = arith.constant 1 : index
    %get3A_128 = arith.constant 0 : index
    %get3A_129 = vector.load %arg5[%get3A_127, %get3A_128] : memref<8x128xf32, #tpu.memory_space<vmem>>, vector<1x128xf32>
    %add3A_130 = vector.broadcast %get3A_129 : vector<1x128xf32> to vector<8192x128xf32>
    %add3A_131 = arith.addf %mul3A_126, %add3A_130 : vector<8192x128xf32>
    %swap3A = arith.constant 0 : index
    %swap3A_132 = arith.constant 0 : index
    %swap3A_133 = vector.load %arg6[%swap3A, %swap3A_132] : memref<8192x128xf32, #tpu.memory_space<vmem>>, vector<8192x128xf32>
    tpu.vector_store %arg6[%swap3A, %swap3A_132], %add3A_131 {strides = array<i32>} : memref<8192x128xf32, #tpu.memory_space<vmem>>, vector<8192x128xf32>,
    return
  }
  func.func @transform_0(%arg0: i32) -> (i32, i32) {
    %c0_i32 = arith.constant 0 : i32
    %c0_i32_0 = arith.constant 0 : i32
    return %c0_i32, %arg0 : i32, i32
  }
  func.func @transform_1(%arg0: i32) -> (i32, i32) {
    %c0_i32 = arith.constant 0 : i32
    %c0_i32_0 = arith.constant 0 : i32
    %c0_i32_1 = arith.constant 0 : i32
    return %c0_i32, %c0_i32_0 : i32, i32
  }
  func.func @transform_2(%arg0: i32) -> (i32, i32) {
    %c0_i32 = arith.constant 0 : i32
    %c0_i32_0 = arith.constant 0 : i32
    %c0_i32_1 = arith.constant 0 : i32
    return %c0_i32, %c0_i32_0 : i32, i32
  }
  func.func @transform_3(%arg0: i32) -> (i32, i32) {
    %c0_i32 = arith.constant 0 : i32
    %c0_i32_0 = arith.constant 0 : i32
    %c0_i32_1 = arith.constant 0 : i32
    return %c0_i32, %c0_i32_0 : i32, i32
  }
  func.func @transform_4(%arg0: i32) -> (i32, i32) {
    %c0_i32 = arith.constant 0 : i32
    %c0_i32_0 = arith.constant 0 : i32
    %c0_i32_1 = arith.constant 0 : i32
    return %c0_i32, %c0_i32_0 : i32, i32
  }
  func.func @transform_5(%arg0: i32) -> (i32, i32) {
    %c0_i32 = arith.constant 0 : i32
    %c0_i32_0 = arith.constant 0 : i32
    return %arg0, %c0_i32 : i32, i32
  }
}

</mosaic_0001>

<sc_bundles>
// kernel: kernel.5.cloned.1.call-start
scs
__scs_entry_jumppad:
0x0: {  	(pc) =	sbr.rel $0x88, $3  }
0x1: {  	(tag) =	ssettag $0x0;
	lr =	simm.s32 $0x1  }
0x2: {  	[smem:$0x3F9A] =	sst lr;
	_ =	strace $0xD0000000  }
0x3: {  	_ = 	snop  }
0x4: {  	_ = 	snop  }
0x5: {  	_ = 	snop  }
0x6: {  	_ = 	snop  }
0x7: {  	_ = 	snop  }
__scs_overlays_trampoline_lowered:
0x8: {  	[smem:$0x3FA9] =	sst s0  }
0x9: {  	[smem:$0x3FAA] =	sst s1  }
0xa: {  	[smem:$0x3FAB] =	sst s2  }
0xb: {  	[smem:$0x3FAC] =	sst s3  }
0xc: {  	[smem:$0x3FAD] =	sst s4  }
0xd: {  	[smem:$0x3FAE] =	sst s5  }
0xe: {  	[smem:$0x3FAF] =	sst s6  }
0xf: {  	[smem:$0x3FB0] =	sst s7  }
0x10: {  	[smem:$0x3FB1] =	sst s8  }
0x11: {  	[smem:$0x3FB2] =	sst s9;
	s0 =	simm.s32 @!p0 $0x0  }
0x12: {  	s1 =	sld [smem:$0x3F98];
	s0 =	simm.s32 @p0 $0x1  }
0x13: {  	[smem:$0x3FB3] =	sst s0;
	s0 =	simm.s32 @!p1 $0x0  }
0x14: {  	s2 =	sld [smem:$0x3F97];
	s0 =	simm.s32 @p1 $0x1  }
0x15: {  	[smem:$0x3FB4] =	sst s0;
	s0 =	simm.s32 @!p2 $0x0  }
0x16: {  	s3 =	sld [smem:$0x3FDB];
	s0 =	simm.s32 @p2 $0x1  }
0x17: {  	s4 =	simm.s32 $0x1BF5;
	[smem:$0x3FB6] =	sst s0  }
0x18: {  	s0 =	sld [smem:$0x3F99];
	_ =	swait.ge [sflag:s4], $0x0  }
0x19: {  	s7 =	sld [smem:$0x3F9A]  }
0x1a: {  	s8 =	sadd.s32 $0xFFFFE003, lr  }
0x1b: {  	s9 =	sadd.s32 $0xFFFFFEF7, lr;
	s5 =	simm.s32 $0xFFFFFFFF;
	p2 =	slt.u32 s8, $0xFFFFF086  }
0x1c: {  	p1 =	slt.u32 s9, $0xF7A;
	s5 =	simm.s32 @!p2 $0x0  }
0x1d: {  	s5 =	simm.s32 @p1 $0x1;
	p0 =	seq.s32 s7, s2  }
0x1e: {  	s7 =	smul.u32 @!p0 $0xF7A, s2;
	p2 =	seq.s32 @!p0 s5, $0x0  }
0x1f: {  	s9 =	smul.u32 $0xF7A, s1;
	s8 =	simm.s32 @!p0 $0x1BF5;
	p2 =	por !p2, p0  }
0x20: {  	[sflag:s8] =	ssyncset.s32 @!p0 $0xFFFFF086;
	s6 =	sadd.s32 @!p0 s3, s7;
	s7 =	simm.s32 @!p0 $0x108  }
0x21: {  	s3 =	sadd.s32 s3, s9;
	s6 =	sadd.s32 @!p0 $0x88, s6;
	s7 =	simm.s32 @p2 $0x1082  }
0x22: {  	[simem:s7], [sflag:s8] =	dma.local @!p0 [hbm:s6], $0xF7A  }
0x23: {  	s9 =	sor.u32 $0xD0000000, s2;
	s6 =	simm.s32 $0x108;
	_ =	swait.ge @!p0 [sflag:s8], $0x0  }
0x24: {  	s3 =	sadd.s32 $0x88, s3;
	s6 =	simm.s32 @!p1 $0x1082;
	[sflag:s4] =	ssyncset.s32 $0xFFFFF086  }
0x25: {  	[simem:s6], [sflag:s4] =	dma.local [hbm:s3], $0xF7A  }
0x26: {  	[smem:$0x3F9A] =	sst s1;
	(tag) =	ssettag s2;
	_ =	strace s9  }
0x27: {  	s1 =	sld [smem:$0x3FAA]  }
0x28: {  	s2 =	sld [smem:$0x3FAB]  }
0x29: {  	s4 =	sld [smem:$0x3FAD]  }
0x2a: {  	p0 =	seq.s32 s5, $0x0;
	s5 =	sld [smem:$0x3FAE]  }
0x2b: {  	s6 =	sld [smem:$0x3FAF]  }
0x2c: {  	s7 =	sld [smem:$0x3FB0]  }
0x2d: {  	s3 =	simm.s32 $0x108;
	s8 =	sld [smem:$0x3FB1]  }
0x2e: {  	s3 =	simm.s32 @!p0 $0x1082;
	s9 =	sld [smem:$0x3FB2]  }
0x2f: {  	lr =	sadd.s32 s0, s3;
	s0 =	sld [smem:$0x3FA9]  }
0x30: {  	s3 =	sld [smem:$0x3FAC]  }
0x31: {  	[smem:$0x3FB5] =	sst s10  }
0x32: {  	s10 =	sld [smem:$0x3FB3];
	_ =	sdelay $0x3  }
0x33: {  	p0 =	seq.s32 s10, $0x1;
	s10 =	sld [smem:$0x3FB5];
	_ =	sdelay $0x3  }
0x34: {  	[smem:$0x3FB5] =	sst s10  }
0x35: {  	s10 =	sld [smem:$0x3FB4];
	_ =	sdelay $0x3  }
0x36: {  	p1 =	seq.s32 s10, $0x1;
	s10 =	sld [smem:$0x3FB5];
	_ =	sdelay $0x3  }
0x37: {  	[smem:$0x3FB5] =	sst s10  }
0x38: {  	s10 =	sld [smem:$0x3FB6]  }
0x39: {  	_ = 	snop;
	(pc) =	sbr.ind lr, $3  }
0x3a: {  	_ = 	snop  }
0x3b: {  	_ = 	snop  }
0x3c: {  	p2 =	seq.s32 s10, $0x1;
	s10 =	sld [smem:$0x3FB5]  }
0x3d: {  	_ =	shalt  }
0x3e: {  	_ =	shalt  }
0x3f: {  	_ =	shalt  }
0x40: {  	_ =	shalt  }
0x41: {  	_ =	shalt  }
0x42: {  	_ =	shalt  }
0x43: {  	_ =	shalt  }
0x44: {  	_ =	shalt  }
0x45: {  	_ =	shalt  }
0x46: {  	_ =	shalt  }
0x47: {  	_ =	shalt  }
0x48: {  	_ =	shalt  }
0x49: {  	_ =	shalt  }
0x4a: {  	_ =	shalt  }
0x4b: {  	_ =	shalt  }
0x4c: {  	_ =	shalt  }
0x4d: {  	_ =	shalt  }
0x4e: {  	_ =	shalt  }
0x4f: {  	_ =	shalt  }
0x50: {  	_ =	shalt  }
0x51: {  	_ =	shalt  }
0x52: {  	_ =	shalt  }
0x53: {  	_ =	shalt  }
0x54: {  	_ =	shalt  }
0x55: {  	_ =	shalt  }
0x56: {  	_ =	shalt  }
0x57: {  	_ =	shalt  }
0x58: {  	_ =	shalt  }
0x59: {  	_ =	shalt  }
0x5a: {  	_ =	shalt  }
0x5b: {  	_ =	shalt  }
0x5c: {  	_ =	shalt  }
0x5d: {  	_ =	shalt  }
0x5e: {  	_ =	shalt  }
0x5f: {  	_ =	shalt  }
0x60: {  	_ =	shalt  }
0x61: {  	_ =	shalt  }
0x62: {  	_ =	shalt  }
0x63: {  	_ =	shalt  }
0x64: {  	_ =	shalt  }
0x65: {  	_ =	shalt  }
0x66: {  	_ =	shalt  }
0x67: {  	_ =	shalt  }
0x68: {  	_ =	shalt  }
0x69: {  	_ =	shalt  }
0x6a: {  	_ =	shalt  }
0x6b: {  	_ =	shalt  }
0x6c: {  	_ =	shalt  }
0x6d: {  	_ =	shalt  }
0x6e: {  	_ =	shalt  }
0x6f: {  	_ =	shalt  }
0x70: {  	_ =	shalt  }
0x71: {  	_ =	shalt  }
0x72: {  	_ =	shalt  }
0x73: {  	_ =	shalt  }
0x74: {  	_ =	shalt  }
0x75: {  	_ =	shalt  }
0x76: {  	_ =	shalt  }
0x77: {  	_ =	shalt  }
0x78: {  	_ =	shalt  }
0x79: {  	_ =	shalt  }
0x7a: {  	_ =	shalt  }
0x7b: {  	_ =	shalt  }
0x7c: {  	_ =	shalt  }
0x7d: {  	_ =	shalt  }
0x7e: {  	_ =	shalt  }
0x7f: {  	_ =	shalt  }
0x80: {  	_ =	shalt  }
0x81: {  	_ =	shalt  }
0x82: {  	_ =	shalt  }
0x83: {  	_ =	shalt  }
0x84: {  	_ =	shalt  }
0x85: {  	_ =	shalt  }
0x86: {  	_ =	shalt  }
0x87: {  	_ =	shalt  }
.Lfunc_end0:
.L_simem_size_0:
called_computation.1_lowered:
.L_overlay_start_0:
0x88: {  	s2 =	sld [smem:$0x3FD9]  }
0x89: {  	s3 =	sld [smem:$0x3FFE];
	_ =	sdelay $0x1  }
0x8a: {  	s1 =	srdreg.scid  }
0x8b: {  	s0 =	sand.u32 $0x1, s1  }
0x8c: {  	s14 =	sshll.u32 s0, $0xA;
	s2 =	sadd.s32 s3, s2  }
0x8d: {  	s2 =	sadd.s32 s2, s14  }
0x8e: {  	[smem:$0x3FC1] =	sst s2  }
0x8f: {  	_ = 	snop  }
0x90: {  	s2 =	sld [smem:$0x3FD0];
	_ =	sdelay $0x2  }
0x91: {  	s15 =	simm.s32 $0xA;
	s4 =	simm.s32 $0x10  }
0x92: {  	[smem:s4], [sflag:s15] =	dma.local [hbm:s2], $0x1  }
0x93: {  	_ =	swait.eq [sflag:s15], $0x1  }
0x94: {  	[sflag:s15] =	ssyncset.done $0x0  }
0x95: {  	s16 =	sld [smem:$0x10];
	[sflag:s15] =	ssyncadd.s32 $0xFFFFFFFF  }
0x96: {  	s17 =	sld [smem:$0x11];
	(tm) =	ssettm $0x1  }
0x97: {  	s18 =	sld [smem:$0x3FFB];
	_ =	sdelay $0x3  }
0x98: {  	_ =	strace s18  }
0x99: {  	s4 =	sld [smem:$0x3FFC];
	_ =	sdelay $0x3  }
0x9a: {  	_ =	strace s4  }
0x9b: {  	s4 =	sld [smem:$0x3FFD];
	_ =	sdelay $0x3  }
0x9c: {  	_ =	strace s4  }
0x9d: {  	_ =	strace $0x8FFFFFFF  }
0x9e: {  	s19 =	sld [smem:$0x3FDB];
	_ =	sdelay $0x1  }
0x9f: {  	s5 =	simm.s32 $_scs_section_size  }
0xa0: {  	s6 =	simm.s32 $_size__tile_overlayer_lowered;
	s7 =	simm.s32 $_tile_overlayer_lowered  }
0xa1: {  	s22 =	simm.s32 $0x1BFF;
	s21 =	sshll.u32 s7, $0x1;
	s4 =	sadd.s32 s5, s19  }
0xa2: {  	s8 =	simm.s32 $0x0;
	s20 =	sshll.u32 s6, $0x1;
	s6 =	sadd.s32 s21, s4  }
0xa3: {  	[timem:s8], [sflag:s22] =	dma.local [hbm:s6], s20  }
0xa4: {  	_ =	swait.ge [sflag:s22], s20  }
0xa5: {  	s5 =	ssub.s32 $0x0, s20;
	[sflag:s22] =	ssyncset.done $0x0  }
0xa6: {  	[sflag:s22] =	ssyncadd.s32 s5;
	_ =	sdelay $0x1  }
0xa7: {  	s23 =	simm.s32 $0x1B8B  }
0xa8: {  	_ =	swait.ge [sflag:s23], $0x1  }
0xa9: {  	[sflag:s23] =	ssyncset.done $0x0  }
0xaa: {  	s25 =	simm.s32 $0x1B8E;
	s24 =	sld [smem:$0x3FFE];
	[sflag:s23] =	ssyncadd.s32 $0xFFFFFFFF  }
0xab: {  	s26 =	simm.s32 $execute0_lowered;
	[smem:$0x3FD2] =	sst s25  }
0xac: {  	s6 =	sshll.u32 s26, $0x1;
	_ =	strace $0x80000046;
	[dreg:$0x1] =	wrdreg $0xFFFFFFFF  }
0xad: {  	s28 =	simm.s32 $_size_execute0_lowered;
	s4 =	sadd.s32 s4, s6;
	[dreg:$0x0] =	wrdreg $0x0  }
0xae: {  	s6 =	sshll.u32 s28, $0x1;
	[dreg:$0x2] =	wrdreg s4  }
0xaf: {  	[dreg:$0x3] =	wrdreg s6  }
0xb0: {  	[dreg:$0x4] =	wrdreg $0xC0  }
0xb1: {  	_ =	task [dreg:s8], $0x5FFFF  }
0xb2: {  	[dreg:$0x1] =	wrdreg $0xFFFFFFFF  }
0xb3: {  	[dreg:$0x0] =	wrdreg $0x60  }
0xb4: {  	[dreg:$0x2] =	wrdreg s24  }
0xb5: {  	[dreg:$0x3] =	wrdreg s16  }
0xb6: {  	[dreg:$0x4] =	wrdreg s17  }
0xb7: {  	[dreg:$0x5] =	wrdreg $0x9  }
0xb8: {  	_ =	task.clear_ibuf [dreg:s8], $0x6FFFF;
	_ =	strace $0x90000046  }
0xb9: {  	s29 =	simm.s32 $0x9;
	_ =	strace $0x80000048  }
0xba: {  	_ =	swait.ge [sflag:s29], $0x1  }
0xbb: {  	[sflag:s29] =	ssyncadd.s32 $0xFFFFFFFF  }
0xbc: {  	_ =	strace $0x90000048  }
0xbd: {  	_ =	sfence  }
0xbe: {  	s30 =	sld [smem:$0x0];
	_ =	sdelay $0x2  }
0xbf: {  	s31 =	sshll.u32 s1, $0xD;
	s1 =	sshrl.u32 s1, $0x2  }
0xc0: {  	s3 =	sand.u32 $0x4000, s31;
	s1 =	sadd.s32 s1, s30  }
0xc1: {  	s0 =	sor.u32 s3, s0;
	s1 =	sshll.u32 s1, $0x11  }
0xc2: {  	s0 =	sor.u32 s1, s0  }
0xc3: {  	s0 =	sadd.s32 $0x8F2B, s0  }
0xc4: {  	[sflag:s0] =	ssyncadd.remote.s32 $0x1  }
0xc5: {  	_ =	sfence.sel $0xFFFF  }
0xc6: {  	[dreg:$0x0] =	wrdreg $0xFFFFFFFF;
	(pc) =	sbr.abs _section_cstart, $3  }
0xc7: {  	[dreg:$0x1] =	wrdreg $0xFFFFFFFF  }
0xc8: {  	_ =	task.clear_ibuf [dreg:s8], $0x2FFFF;
	_ =	strace $0x9FFFFFFF  }
0xc9: {  	(tm) =	ssettm $0x7FFFFFFF  }
tec
execute0_lowered:
.L_overlay_start_1:
0x0: {  	(tag) =	ssettag $0x1  }
0x1: {  	s5 =	rddreg [dreg:$0x0]  }
0x2: {  	s0 =	srdreg.scid;
	s7 =	rddreg [dreg:$0x1]  }
0x3: {  	s2 =	stileid.u32;
	s3 =	simm.s32 $0x1;
	s8 =	rddreg [dreg:$0x2]  }
0x4: {  	s17 =	simm.s32 $0x400;
	s18 =	simm.s32 $0x800;
	s19 =	simm.s32 $0xC00  }
0x5: {  	s20 =	simm.s32 $0x1008;
	s21 =	simm.s32 $0x1410;
	s0 =	sand.u32 $0x1, s0  }
0x6: {  	s14 =	simm.s32 $0xC018;
	s6 =	sand.u32 $0x3, s2;
	s1 =	sshll.u32 s0, $0x4  }
0x7: {  	s16 =	simm.s32 $0xC818;
	p1 =	sne.s32 s6, $0x0;
	s1 =	sor.u32 s2, s1  }
0x8: {  	s0 =	ssub.s32 $0x2, s0;
	s6 =	sshll.u32 s6, $0x8;
	p0 =	seq.s32 s1, $0x0  }
0x9: {  	s2 =	simm.s32 $0x0;
	s12 =	sshrl.u32 s0, $0x1;
	p0 =	por !p1, !p0  }
0xa: {  	s1 =	sshrl.u32 s1, $0x2;
	[smem:$0x7FF] =	sst s2;
	p0 =	por !p0, !p0  }
0xb: {  	s0 =	ssub.s32 s0, s12;
	s12 =	simm.s32 $0xB018;
	s3 =	simm.s32 @!p0 $0x0  }
0xc: {  	_ =	strace $0x80000047;
	s0 =	smax.u32 s0, $0x1;
	s1 =	ssub.s32 s1, s3  }
0xd: {  	[dreg:$0xc] =	wrdreg s0;
	s4 =	smul.u32 $0x408, s1;
	s9 =	sshll.u32 s1, $0x7  }
0xe: {  	s3 =	simm.s32 $0x1;
	s25 =	smul.u32 $0x2400, s1;
	s22 =	sand.u32 $0x1FFFFF80, s9  }
0xf: {  	s15 =	sshll.u32 s1, $0xF;
	s1 =	simm.s32 $0x0;
	s11 =	sadd.s32 s22, s5  }
0x10: {  	s10 =	sshrl.u32 s4, $0x3;
	s4 =	sadd.s32 $0xA3E00, s5;
	s24 =	sadd.s32 $0x3200, s11  }
0x11: {  	s30 =	sshrl.u32 s25, $0x3;
	s13 =	sadd.s32 $0x3A00, s11;
	[dreg:$0x4] =	wrdreg s24  }
0x12: {  	s22 =	simm.s32 $0x1818;
	s26 =	sadd.s32 $0x3600, s11;
	[dreg:$0x5] =	wrdreg s13  }
0x13: {  	s25 =	simm.s32 $0xD818;
	s7 =	sadd.s32 s7, s10;
	[dreg:$0x6] =	wrdreg s26  }
0x14: {  	s23 =	sadd.s32 s10, s5;
	s31 =	sadd.s32 $0x2200, s11;
	[dreg:$0x7] =	wrdreg s7  }
0x15: {  	v0 =	vlaneseq.u32;
	s5 =	sadd.s32 $0x3E00, s5;
	s28 =	sadd.s32 $0x2C00, s23;
	[dreg:$0xb] =	wrdreg s31  }
0x16: {  	v2 =	vmul.u32 $0xFFFFFFFF, v0;
	s29 =	sadd.s32 $0x2600, s23;
	s7 =	sadd.s32 s8, s30;
	[dreg:$0x8] =	wrdreg s28  }
0x17: {  	s23 =	simm.s32 $0x3C18;
	s13 =	simm.s32 $0xB818;
	[dreg:$0x9] =	wrdreg s29  }
0x18: {  	v1 =	vor.u32 $0x10, v0;
	v2 =	vadd.s32 $0xF, v2;
	s24 =	simm.s32 $0xD018;
	s26 =	simm.s32 $0xE018;
	[dreg:$0xa] =	wrdreg s7  }
.LBB2_1:
0x19: {  	[dreg:$0xd] =	wrdreg s1  }
0x1a: {  	s0 =	rddreg [dreg:$0x4]  }
0x1b: {  	[tilespmem:s2], [sflag:$0x1] =	stream.linear.gather [hbm4b:s0+s2], $0x400, $0x38;
	[tilespmem:$0xE818] =	vst v63  }
0x1c: {  	_ =	swait.ge [sflag:s3], $0x400  }
0x1d: {  	[sflag:s3] =	ssyncset.done $0x0  }
0x1e: {  	s8 =	rddreg [dreg:$0x5];
	[sflag:s3] =	ssyncadd.s32 $0xFFFFFC00  }
0x1f: {  	[tilespmem:s17], [sflag:$0x1] =	stream.linear.gather [hbm4b:s8+s2], $0x400, $0x38;
	[tilespmem:$0xE818] =	vst v63  }
0x20: {  	_ =	swait.ge [sflag:s3], $0x400  }
0x21: {  	[sflag:s3] =	ssyncset.done $0x0  }
0x22: {  	s9 =	rddreg [dreg:$0x6];
	[sflag:s3] =	ssyncadd.s32 $0xFFFFFC00  }
0x23: {  	[tilespmem:s18], [sflag:$0x1] =	stream.linear.gather [hbm4b:s9+s2], $0x400, $0x38;
	[tilespmem:$0xE818] =	vst v63  }
0x24: {  	_ =	swait.ge [sflag:s3], $0x400  }
0x25: {  	[sflag:s3] =	ssyncset.done $0x0  }
0x26: {  	s10 =	rddreg [dreg:$0x7];
	[sflag:s3] =	ssyncadd.s32 $0xFFFFFC00  }
0x27: {  	[tilespmem:s19], [sflag:$0x1] =	stream.linear.gather [hbm4b:s10+s2], $0x408, $0x38;
	[tilespmem:$0xE818] =	vst v63  }
0x28: {  	_ =	swait.ge [sflag:s3], $0x408  }
0x29: {  	[sflag:s3] =	ssyncset.done $0x0  }
0x2a: {  	s11 =	rddreg [dreg:$0x8];
	[sflag:s3] =	ssyncadd.s32 $0xFFFFFBF8  }
0x2b: {  	[tilespmem:s20], [sflag:$0x1] =	stream.linear.gather [hbm4b:s11+s2], $0x408, $0x38;
	[tilespmem:$0xE818] =	vst v63  }
0x2c: {  	_ =	swait.ge [sflag:s3], $0x408  }
0x2d: {  	[sflag:s3] =	ssyncset.done $0x0  }
0x2e: {  	s29 =	rddreg [dreg:$0x9];
	[sflag:s3] =	ssyncadd.s32 $0xFFFFFBF8  }
0x2f: {  	[tilespmem:s21], [sflag:$0x1] =	stream.linear.gather [hbm4b:s29+s2], $0x408, $0x38;
	[tilespmem:$0xE818] =	vst v63  }
0x30: {  	_ =	swait.ge [sflag:s3], $0x408  }
0x31: {  	[sflag:s3] =	ssyncset.done $0x0  }
0x32: {  	s30 =	rddreg [dreg:$0xa];
	[sflag:s3] =	ssyncadd.s32 $0xFFFFFBF8  }
0x33: {  	[tilespmem:s22], [sflag:$0x1] =	stream.linear.gather [hbm4b:s30+s2], $0x2400, $0x38;
	[tilespmem:$0xE818] =	vst v63  }
0x34: {  	_ =	swait.ge [sflag:s3], $0x2400  }
0x35: {  	[sflag:s3] =	ssyncset.done $0x0  }
0x36: {  	s31 =	rddreg [dreg:$0xb];
	[sflag:s3] =	ssyncadd.s32 $0xFFFFDC00  }
0x37: {  	[tilespmem:s23], [sflag:$0x1] =	stream.linear.gather [hbm4b:s31+s2], $0x400, $0x38;
	[tilespmem:$0xE818] =	vst v63  }
0x38: {  	_ =	swait.ge [sflag:s3], $0x400  }
0x39: {  	[sflag:s3] =	ssyncset.done $0x0  }
0x3a: {  	s28 =	simm.s32 $0x0;
	[sflag:s3] =	ssyncadd.s32 $0xFFFFFC00  }
.LBB2_2:
0x3b: {  	s0 =	sshll.u32 s28, $0x6  }
0x3c: {  	s30 =	simm.s32 $0x0;
	s29 =	sadd.s32 s6, s0  }
.LBB2_3:
0x3d: {  	s0 =	sor.u32 s29, s30  }
0x3e: {  	v16 =	vmov s0  }
0x3f: {  	v3 =	vld [tilespmem:$0x0]  }
0x40: {  	v4 =	vld [tilespmem:$0x400]  }
0x41: {  	v5 =	vld [tilespmem:$0x10]  }
0x42: {  	v6 =	vld [tilespmem:$0x410]  }
0x43: {  	v25 =	vld.idx.msk [tilespmem:v16+s2+$0x0], $0xffff  }
0x44: {  	v26 =	vld.idx.msk [tilespmem:v16+s17+$0x0], $0xffff  }
0x45: {  	v7 =	vld [tilespmem:$0x800]  }
0x46: {  	v27 =	vld.idx.msk [tilespmem:v16+s18+$0x0], $0xffff  }
0x47: {  	v8 =	vld [tilespmem:$0x810];
	_ =	sdelay $0x1  }
0x48: {  	v3 =	vsub.f32 v3, v25;
	v4 =	vsub.f32 v4, v26  }
0x49: {  	v5 =	vsub.f32 v5, v25;
	v6 =	vsub.f32 v6, v26  }
0x4a: {  	v7 =	vsub.f32 v7, v27;
	v3 =	vmul.f32 v3, v3;
	v4 =	vmul.f32 v4, v4  }
0x4b: {  	v8 =	vsub.f32 v8, v27;
	v5 =	vmul.f32 v5, v5;
	v6 =	vmul.f32 v6, v6  }
0x4c: {  	v3 =	vadd.f32 v4, v3;
	v4 =	vmul.f32 v7, v7  }
0x4d: {  	v5 =	vadd.f32 v6, v5;
	v6 =	vmul.f32 v8, v8  }
0x4e: {  	v3 =	vadd.f32 v4, v3  }
0x4f: {  	v4 =	vadd.f32 v6, v5  }
0x50: {  	(xrf1) =	vsort.ascd.msk.f32 $0xffff, v3, v0  }
0x51: {  	(xrf1) =	vsort.ascd.msk.f32 $0xffff, v4, v1;
	_ =	sdelay $0xc  }
0x52: {  	v3, v4, _ =	vpop (xrf1)  }
0x53: {  	v5, v6, _ =	vpop (xrf1)  }
0x54: {  	v5 =	vperm.xlane v5, v2;
	v6 =	vperm.xlane v6, v2;
	_ =	sdelay $0x1  }
0x55: {  	vm0 =	veq.f32 v3, v5;
	vm1 =	vlt.s32 v4, v6  }
0x56: {  	vm2 =	vlt.f32 v3, v5;
	vm0 =	vmand vm0, vm1  }
0x57: {  	vm0 =	vmor vm2, vm0  }
0x58: {  	s7 =	simm.s32 $0x30;
	v7 =	vsel vm0, v3, v5;
	v8 =	vsel vm0, v4, v6  }
0x59: {  	s31 =	simm.s32 $0x430;
	v3 =	vsel vm0, v5, v3;
	v4 =	vsel vm0, v6, v4;
	v5 =	vld [tilespmem:s7+$0xFFFFFFF0];
	(xrf1) =	vsort.ascd.msk.f32 $0xffff, v7, v8  }
0x5a: {  	v6 =	vld [tilespmem:s31+$0x0];
	(xrf1) =	vsort.ascd.msk.f32 $0xffff, v3, v4  }
0x5b: {  	v3 =	vld [tilespmem:s31+$0xFFFFFFF0]  }
0x5c: {  	s1 =	simm.s32 $0x830;
	v4 =	vld [tilespmem:s7+$0x0]  }
0x5d: {  	v7 =	vld [tilespmem:s1+$0xFFFFFFF0]  }
0x5e: {  	v8 =	vld [tilespmem:s1+$0x0];
	_ =	sdelay $0x1  }
0x5f: {  	v5 =	vsub.f32 v5, v25;
	v6 =	vsub.f32 v6, v26  }
0x60: {  	v3 =	vsub.f32 v3, v26;
	v4 =	vsub.f32 v4, v25  }
0x61: {  	v7 =	vsub.f32 v7, v27;
	v5 =	vmul.f32 v5, v5;
	v6 =	vmul.f32 v6, v6  }
0x62: {  	v8 =	vsub.f32 v8, v27;
	v3 =	vmul.f32 v3, v3;
	v4 =	vmul.f32 v4, v4  }
0x63: {  	v7 =	vmul.f32 v7, v7  }
0x64: {  	v3 =	vadd.f32 v3, v5;
	v4 =	vadd.f32 v6, v4;
	v5 =	vmul.f32 v8, v8;
	_ =	sdelay $0x1  }
0x65: {  	v3 =	vadd.f32 v7, v3;
	v4 =	vadd.f32 v5, v4;
	v28, v29, _ =	vpop (xrf1)  }
0x66: {  	v23, v24, _ =	vpop (xrf1)  }
0x67: {  	v5 =	vmin.f32 v3, v4;
	(xrf0) =	vmax.scan.msk.f32 $0xffff, v23  }
0x68: {  	(xrf0) =	vmin.scan.msk.f32 $0xffff, v5;
	_ =	sdelay $0x4  }
0x69: {  	v5, _, _ =	vpop (xrf0)  }
0x6a: {  	(v2sf) =	vpush v5, $0xF;
	v5, _, _ =	vpop (xrf0)  }
0x6b: {  	(v2sf) =	vpush v5, $0xF;
	_ =	sdelay $0xd  }
0x6c: {  	s0 =	spop (v2sf)  }
0x6d: {  	s8 =	spop (v2sf)  }
0x6e: {  	p0 =	sle.f32 s8, s0;
	_ =	sdelay $0x1  }
0x6f: {  	v5 =	vlaneseq.u32 @p0  }
0x70: {  	v6 =	vor.u32 @p0 s7, v5  }
0x71: {  	s7 =	simm.s32 $0x20;
	(xrf1) =	vsort.ascd.msk.f32 @p0 $0xffff, v4, v6  }
0x72: {  	v4 =	vor.u32 @p0 s7, v5  }
0x73: {  	(xrf1) =	vsort.ascd.msk.f32 @p0 $0xffff, v3, v4;
	_ =	sdelay $0x9  }
0x74: {  	v3 =	vmul.u32 @p0 $0xFFFFFFFF, v5;
	_ =	sdelay $0x1  }
0x75: {  	v3 =	vadd.s32 @p0 $0xF, v3;
	v4, v5, _ =	vpop @p0 (xrf1)  }
0x76: {  	v4 =	vperm.xlane @p0 v4, v3;
	v5 =	vperm.xlane @p0 v5, v3  }
0x77: {  	v6, v7, _ =	vpop @p0 (xrf1)  }
0x78: {  	vm0 =	veq.f32 @p0 v6, v4;
	vm1 =	vlt.s32 @p0 v7, v5  }
0x79: {  	vm2 =	vlt.f32 @p0 v6, v4;
	vm0 =	vmand @p0 vm0, vm1  }
0x7a: {  	vm0 =	vmor @p0 vm2, vm0  }
0x7b: {  	v8 =	vsel @p0 vm0, v4, v6;
	v9 =	vsel @p0 vm0, v5, v7  }
0x7c: {  	v4 =	vsel @p0 vm0, v6, v4;
	v5 =	vsel @p0 vm0, v7, v5;
	(xrf1) =	vsort.ascd.msk.f32 @p0 $0xffff, v8, v9  }
0x7d: {  	(xrf1) =	vsort.ascd.msk.f32 @p0 $0xffff, v4, v5;
	_ =	sdelay $0x1  }
0x7e: {  	v7 =	vand.u32 $0x3FF, v16  }
0x7f: {  	v6 =	vor.u32 $0x400, v7  }
0x80: {  	v9 =	vor.u32 $0xC00, v7  }
0x81: {  	v21 =	vld.idx.msk [tilespmem:v16+s19+$0x0], $0xffff;
	v30 =	vor.u32 $0x1800, v7  }
0x82: {  	v22 =	vld.idx.msk [tilespmem:v16+s20+$0x0], $0xffff;
	v5 =	vadd.s32 $0x2, v16  }
0x83: {  	v20 =	vld.idx.msk [tilespmem:v16+s21+$0x0], $0xffff  }
0x84: {  	v8 =	vor.u32 $0x800, v7;
	v10 =	vor.u32 $0x1000, v7;
	v12 =	vor.u32 $0x1400, v7;
	v6 =	vld.idx.msk [tilespmem:v6+s22+$0x0], $0xffff  }
0x85: {  	v34 =	vor.u32 $0x1C00, v7;
	v35 =	vor.u32 $0x2000, v7;
	v4 =	vadd.s32 $0x1, v16;
	v7 =	vld.idx.msk [tilespmem:v9+s22+$0x0], $0xffff  }
0x86: {  	v9 =	vld.idx.msk [tilespmem:v30+s22+$0x0], $0xffff  }
0x87: {  	v17 =	vld.idx.msk [tilespmem:v5+s19+$0x0], $0xffff  }
0x88: {  	v18 =	vld.idx.msk [tilespmem:v5+s20+$0x0], $0xffff  }
0x89: {  	v19 =	vld.idx.msk [tilespmem:v5+s21+$0x0], $0xffff;
	v5, v11, _ =	vpop @p0 (xrf1)  }
0x8a: {  	v14 =	vld.idx.msk [tilespmem:v4+s19+$0x0], $0xffff;
	v31 =	vperm.xlane @p0 v5, v3;
	v32 =	vperm.xlane @p0 v11, v3;
	v5, v11, _ =	vpop @p0 (xrf1)  }
0x8b: {  	v15 =	vld.idx.msk [tilespmem:v4+s20+$0x0], $0xffff;
	v33 =	vperm.xlane @p0 v5, v3;
	v3 =	vperm.xlane @p0 v11, v3  }
0x8c: {  	v13 =	vld.idx.msk [tilespmem:v4+s21+$0x0], $0xffff;
	vm0 =	vlt.f32 @p0 v28, v31;
	vm1 =	veq.f32 @p0 v28, v31;
	vm2 =	vlt.s32 @p0 v29, v32  }
0x8d: {  	v4 =	vld.idx.msk [tilespmem:v16+s22+$0x0], $0xffff;
	vm1 =	vmand @p0 vm1, vm2;
	vm2 =	veq.f32 @p0 v23, v33;
	vm3 =	vlt.s32 @p0 v24, v3  }
0x8e: {  	v5 =	vld.idx.msk [tilespmem:v8+s22+$0x0], $0xffff;
	vm0 =	vmor @p0 vm0, vm1;
	vm1 =	vlt.f32 @p0 v23, v33;
	vm2 =	vmand @p0 vm2, vm3  }
0x8f: {  	v11 =	vld.idx.msk [tilespmem:v10+s22+$0x0], $0xffff;
	v31 =	vsel @p0 vm0, v28, v31;
	vm1 =	vmor @p0 vm1, vm2  }
0x90: {  	v8 =	vld.idx.msk [tilespmem:v12+s22+$0x0], $0xffff;
	v30 =	vsel @p0 vm0, v29, v32;
	v33 =	vsel @p0 vm1, v23, v33;
	v32 =	vsel @p0 vm1, v24, v3  }
0x91: {  	v12 =	vld.idx.msk [tilespmem:v34+s22+$0x0], $0xffff;
	vm0 =	veq.f32 @p0 v31, v33;
	vm1 =	vlt.s32 @p0 v30, v32  }
0x92: {  	v10 =	vld.idx.msk [tilespmem:v35+s22+$0x0], $0xffff;
	vm2 =	vlt.f32 @p0 v31, v33;
	vm0 =	vmand @p0 vm0, vm1  }
0x93: {  	s8 =	simm.s32 $0x50;
	s7 =	simm.s32 $0x50;
	v3 =	vld.idx.msk [tilespmem:v16+s23+$0x0], $0xffff;
	vm0 =	vmor @p0 vm2, vm0  }
.LBB2_4:
0x94: {  	v34 =	vld [tilespmem:s7+$0xFFFFFFF0];
	v35 =	vsel @p0 vm0, v31, v33;
	v31 =	vsel @p0 vm0, v33, v31;
	v33 =	vsel @p0 vm0, v32, v30;
	s31 =	sadd.s32 $0x20, s31;
	s9 =	smov.u32 s8  }
0x95: {  	v30 =	vsel @p0 vm0, v30, v32;
	v36 =	vld [tilespmem:s31+$0xFFFFFFF0];
	(xrf1) =	vsort.ascd.msk.f32 @p0 $0xffff, v31, v33  }
0x96: {  	v31 =	vld [tilespmem:s7+$0x0];
	(xrf1) =	vsort.ascd.msk.f32 @p0 $0xffff, v35, v30  }
0x97: {  	s1 =	sadd.s32 $0x20, s1;
	v30 =	vld [tilespmem:s31+$0x0]  }
0x98: {  	s8 =	sadd.s32 $0x20, s8;
	v32 =	vld [tilespmem:s1+$0xFFFFFFF0]  }
0x99: {  	p1 =	sne.s32 s8, $0x410;
	v33 =	vld [tilespmem:s1+$0x0];
	_ =	sdelay $0x1  }
0x9a: {  	v34 =	vsub.f32 v34, v25;
	v35 =	vsub.f32 v36, v26  }
0x9b: {  	v31 =	vsub.f32 v31, v25;
	v30 =	vsub.f32 v30, v26  }
0x9c: {  	v34 =	vmul.f32 v34, v34;
	v35 =	vmul.f32 v35, v35;
	v32 =	vsub.f32 v32, v27  }
0x9d: {  	v31 =	vmul.f32 v31, v31;
	v33 =	vsub.f32 v33, v27;
	v30 =	vmul.f32 v30, v30  }
0x9e: {  	v32 =	vmul.f32 v32, v32  }
0x9f: {  	v34 =	vadd.f32 v35, v34;
	v30 =	vadd.f32 v30, v31;
	v36 =	vmul.f32 v33, v33;
	_ =	sdelay $0x1  }
0xa0: {  	v32 =	vadd.f32 v32, v34;
	v30 =	vadd.f32 v36, v30  }
0xa1: {  	v31, v33, _ =	vpop @p0 (xrf1)  }
0xa2: {  	v34 =	vmin.f32 v32, v30;
	v23 =	vpsel p0, v31, v23;
	v24 =	vpsel p0, v33, v24;
	v33, v35, _ =	vpop @p0 (xrf1);
	(xrf0) =	vmax.scan.msk.f32 @p0 $0xffff, v31  }
0xa3: {  	(xrf0) =	vmin.scan.msk.f32 $0xffff, v34;
	v28 =	vpsel p0, v33, v28;
	v29 =	vpsel p0, v35, v29;
	_ =	sdelay $0x4  }
0xa4: {  	v31, _, _ =	vpop @p0 (xrf0)  }
0xa5: {  	v33, _, _ =	vpop (xrf0);
	(v2sf) =	vpush @p0 v31, $0xF  }
0xa6: {  	(v2sf) =	vpush v33, $0xF;
	_ =	sdelay $0xd  }
0xa7: {  	s10 =	spop @p0 (v2sf)  }
0xa8: {  	s11 =	spop (v2sf);
	s0 =	smov.u32 @p0 s10  }
0xa9: {  	p0 =	sle.f32 s11, s0;
	_ =	sdelay $0x1  }
0xaa: {  	v31 =	vlaneseq.u32 @p0  }
0xab: {  	v33 =	vor.u32 @p0 s9, v31  }
0xac: {  	s9 =	sadd.s32 $0xFFFFFFF0, s9;
	(xrf1) =	vsort.ascd.msk.f32 @p0 $0xffff, v30, v33  }
0xad: {  	v30 =	vor.u32 @p0 s9, v31  }
0xae: {  	(xrf1) =	vsort.ascd.msk.f32 @p0 $0xffff, v32, v30;
	_ =	sdelay $0x9  }
0xaf: {  	v30 =	vmul.u32 @p0 $0xFFFFFFFF, v31;
	_ =	sdelay $0x1  }
0xb0: {  	v30 =	vadd.s32 @p0 $0xF, v30;
	v31, v32, _ =	vpop @p0 (xrf1)  }
0xb1: {  	v31 =	vperm.xlane @p0 v31, v30;
	v32 =	vperm.xlane @p0 v32, v30  }
0xb2: {  	v33, v34, _ =	vpop @p0 (xrf1)  }
0xb3: {  	vm0 =	veq.f32 @p0 v33, v31;
	vm1 =	vlt.s32 @p0 v34, v32  }
0xb4: {  	vm2 =	vlt.f32 @p0 v33, v31;
	vm0 =	vmand @p0 vm0, vm1  }
0xb5: {  	vm0 =	vmor @p0 vm2, vm0  }
0xb6: {  	v35 =	vsel @p0 vm0, v31, v33;
	v36 =	vsel @p0 vm0, v32, v34  }
0xb7: {  	v31 =	vsel @p0 vm0, v33, v31;
	v32 =	vsel @p0 vm0, v34, v32;
	(xrf1) =	vsort.ascd.msk.f32 @p0 $0xffff, v35, v36  }
0xb8: {  	(xrf1) =	vsort.ascd.msk.f32 @p0 $0xffff, v31, v32;
	_ =	sdelay $0xc  }
0xb9: {  	v31, v32, _ =	vpop @p0 (xrf1)  }
0xba: {  	v31 =	vperm.xlane @p0 v31, v30;
	v32 =	vperm.xlane @p0 v32, v30;
	v33, v34, _ =	vpop @p0 (xrf1)  }
0xbb: {  	v33 =	vperm.xlane @p0 v33, v30;
	v34 =	vperm.xlane @p0 v34, v30  }
0xbc: {  	vm0 =	vlt.f32 @p0 v28, v31;
	vm1 =	veq.f32 @p0 v28, v31;
	vm2 =	vlt.s32 @p0 v29, v32  }
0xbd: {  	vm1 =	vmand @p0 vm1, vm2;
	vm2 =	veq.f32 @p0 v23, v33;
	vm3 =	vlt.s32 @p0 v24, v34  }
0xbe: {  	vm0 =	vmor @p0 vm0, vm1;
	vm1 =	vlt.f32 @p0 v23, v33;
	vm2 =	vmand @p0 vm2, vm3  }
.Ltmp0:
0xbf: {  	v31 =	vsel @p0 vm0, v28, v31;
	vm1 =	vmor @p0 vm1, vm2;
	(pc) =	sbr.rel @p1 .LBB2_4-.Ltmp0, $4  }
0xc0: {  	v30 =	vsel @p0 vm0, v29, v32;
	v33 =	vsel @p0 vm1, v23, v33;
	v32 =	vsel @p0 vm1, v24, v34  }
0xc1: {  	vm0 =	veq.f32 @p0 v31, v33;
	vm1 =	vlt.s32 @p0 v30, v32  }
0xc2: {  	vm2 =	vlt.f32 @p0 v31, v33;
	vm0 =	vmand @p0 vm0, vm1  }
0xc3: {  	s7 =	sadd.s32 $0x20, s7;
	vm0 =	vmor @p0 vm2, vm0  }
0xc4: {  	v25 =	vsel @p0 vm0, v33, v31;
	v26 =	vsel @p0 vm0, v32, v30  }
0xc5: {  	v27 =	vsel @p0 vm0, v31, v33;
	v30 =	vsel @p0 vm0, v30, v32;
	(xrf1) =	vsort.ascd.msk.f32 @p0 $0xffff, v25, v26  }
0xc6: {  	(xrf1) =	vsort.ascd.msk.f32 @p0 $0xffff, v27, v30;
	_ =	sdelay $0xc  }
0xc7: {  	v25, v26, _ =	vpop @p0 (xrf1)  }
0xc8: {  	v30, v27, _ =	vpop @p0 (xrf1)  }
0xc9: {  	v27 =	vpsel p0, v27, v29;
	_ =	sdelay $0x1  }
0xca: {  	s31 =	sshll.u32 s30, $0x5  }
0xcb: {  	v28 =	vpsel p0, v30, v28;
	[tilespmem:s31+$0x4018] =	vst v27;
	v29 =	vadd.s32 $0x2, v27  }
0xcc: {  	[tilespmem:s31+$0x4818] =	vst v28  }
0xcd: {  	v28 =	vld.idx.msk [tilespmem:v27+s19+$0x0], $0xffff  }
0xce: {  	v60 =	vadd.s32 $0x1, v27;
	v59 =	vld.idx.msk [tilespmem:v27+s20+$0x0], $0xffff  }
0xcf: {  	v61 =	vld.idx.msk [tilespmem:v27+s21+$0x0], $0xffff  }
0xd0: {  	v62 =	vld.idx.msk [tilespmem:v29+s19+$0x0], $0xffff  }
0xd1: {  	v34 =	vld.idx.msk [tilespmem:v29+s20+$0x0], $0xffff  }
0xd2: {  	v16 =	vadd.s32 $0x20, v16;
	v29 =	vld.idx.msk [tilespmem:v29+s21+$0x0], $0xffff  }
0xd3: {  	v24 =	vpsel p0, v26, v24;
	v35 =	vld.idx.msk [tilespmem:v60+s19+$0x0], $0xffff;
	v36 =	vsub.f32 v21, v28;
	v37 =	vsub.f32 v22, v59  }
0xd4: {  	v23 =	vpsel p0, v25, v23;
	v38 =	vld.idx.msk [tilespmem:v60+s20+$0x0], $0xffff;
	v39 =	vsub.f32 v20, v61;
	v47 =	vsub.f32 v14, v28  }
0xd5: {  	v40 =	vadd.s32 $0x400, v27;
	v31 =	vld.idx.msk [tilespmem:v60+s21+$0x0], $0xffff;
	v56 =	vsub.f32 v13, v61;
	v28 =	vsub.f32 v17, v28  }
0xd6: {  	v44 =	vadd.s32 $0x800, v27;
	v30 =	vsub.f32 v18, v59;
	v32 =	vsub.f32 v19, v61  }
0xd7: {  	v46 =	vadd.s32 $0xC00, v27;
	v41 =	vsub.f32 v17, v62;
	v42 =	vsub.f32 v18, v34  }
0xd8: {  	v55 =	vadd.s32 $0x1000, v27;
	v48 =	vsub.f32 v19, v29;
	v43 =	vsub.f32 v21, v35  }
0xd9: {  	v57 =	vadd.s32 $0x1C00, v27;
	v49 =	vsub.f32 v22, v38;
	v51 =	vsub.f32 v21, v62  }
0xda: {  	v45 =	vsub.f32 v22, v34;
	v52 =	vsub.f32 v20, v31;
	v36 =	vmul.f32 v36, v36  }
0xdb: {  	v33 =	vsub.f32 v14, v62;
	v37 =	vmul.f32 v37, v37;
	v63 =	vmul.f32 v39, v39  }
0xdc: {  	v34 =	vsub.f32 v15, v34;
	v47 =	vmul.f32 v47, v47;
	v28 =	vmul.f32 v28, v28  }
0xdd: {  	v58 =	vsub.f32 v17, v35;
	v30 =	vmul.f32 v30, v30;
	v32 =	vmul.f32 v32, v32  }
0xde: {  	v40 =	vld.idx.msk [tilespmem:v40+s22+$0x0], $0xffff;
	v60 =	vsub.f32 v19, v31;
	v41 =	vmul.f32 v41, v41;
	v42 =	vmul.f32 v42, v42  }
0xdf: {  	v35 =	vsub.f32 v35, v14;
	v39 =	vmul.f32 v48, v48;
	v50 =	vmul.f32 v43, v43  }
0xe0: {  	v31 =	vsub.f32 v31, v13;
	v53 =	vmul.f32 v51, v51;
	v54 =	vmul.f32 v45, v45  }
0xe1: {  	v48 =	vsub.f32 v15, v59;
	v43 =	vmul.f32 v56, v56;
	v33 =	vmul.f32 v33, v33  }
0xe2: {  	v34 =	vmul.f32 v34, v34;
	v59 =	vsub.f32 v18, v38;
	v62 =	vmul.f32 v60, v60  }
0xe3: {  	v46 =	vld.idx.msk [tilespmem:v46+s22+$0x0], $0xffff;
	v38 =	vsub.f32 v38, v15;
	v56 =	vmul.f32 v35, v7;
	v60 =	vmul.f32 v40, v5  }
0xe4: {  	v36 =	vadd.f32 v37, v36;
	v37 =	vmul.f32 v49, v49;
	v28 =	vadd.f32 v30, v28  }
0xe5: {  	v49 =	vadd.s32 $0x1400, v27;
	v41 =	vadd.f32 v42, v41;
	v42 =	vadd.f32 v54, v53  }
0xe6: {  	v48 =	vmul.f32 v48, v48;
	v33 =	vadd.f32 v34, v33;
	v61 =	vmul.f32 v59, v59  }
0xe7: {  	v51 =	vmul.f32 v38, v6;
	v59 =	vmul.f32 v31, v8;
	v36 =	vadd.f32 v63, v36  }
0xe8: {  	v44 =	vld.idx.msk [tilespmem:v44+s22+$0x0], $0xffff;
	v54 =	vmul.f32 v46, v8;
	v37 =	vadd.f32 v37, v50;
	v50 =	vsub.f32 v20, v29  }
0xe9: {  	v45 =	vld.idx.msk [tilespmem:v55+s22+$0x0], $0xffff;
	v29 =	vsub.f32 v13, v29;
	v63 =	vmul.f32 v35, v4;
	v28 =	vadd.f32 v32, v28  }
0xea: {  	v55 =	vld.idx.msk [tilespmem:v27+s23+$0x0], $0xffff;
	v35 =	vmul.f32 v35, v9;
	v39 =	vadd.f32 v39, v41;
	v41 =	vmul.f32 v52, v52  }
0xeb: {  	v47 =	vadd.f32 v48, v47;
	v52 =	vmul.f32 v38, v11;
	v38 =	vmul.f32 v38, v12  }
0xec: {  	v48 =	vadd.s32 $0x1800, v27;
	v50 =	vmul.f32 v50, v50;
	v29 =	vmul.f32 v29, v29  }
0xed: {  	v34 =	vld.idx.msk [tilespmem:v57+s22+$0x0], $0xffff;
	v57 =	vadd.f32 v51, v63;
	v63 =	vmul.f32 v44, v6;
	v37 =	vadd.f32 v41, v37  }
0xee: {  	v41 =	vadd.f32 v50, v42;
	v42 =	vadd.f32 v43, v47;
	v43 =	vadd.s32 $0x2000, v27  }
0xef: {  	vm13 =	veq.f32 v55, v3;
	v29 =	vadd.f32 v29, v33;
	v33 =	vmul.f32 v58, v58  }
0xf0: {  	v51 =	vld.idx.msk [tilespmem:v27+s22+$0x0], $0xffff;
	v35 =	vadd.f32 v38, v35;
	v58 =	vmul.f32 v31, v5;
	v27 =	vsub.s32 v16, v27  }
0xf1: {  	v49 =	vld.idx.msk [tilespmem:v49+s22+$0x0], $0xffff;
	v31 =	vmul.f32 v31, v10;
	vm12 =	vgt.s32 v27, $0x0;
	v30 =	vadd.f32 v61, v33  }
0xf2: {  	v33 =	vadd.f32 v52, v56;
	v32 =	vadd.f32 v58, v57;
	v61 =	vmul.f32 v45, v8  }
0xf3: {  	v31 =	vadd.f32 v31, v35;
	v58 =	vmul.f32 v44, v4;
	v27 =	vnsel vm12, $0x0, v27;
	v43 =	vld.idx.msk [tilespmem:v43+s22+$0x0], $0xffff  }
0xf4: {  	v56 =	vmul.f32 v46, v11;
	v52 =	vmul.f32 v45, v11;
	v27 =	vmin.u32 v27, $0x40  }
0xf5: {  	v30 =	vadd.f32 v62, v30;
	v62 =	vmul.f32 v34, v10;
	v47 =	vadd.f32 v61, v60  }
0xf6: {  	v48 =	vld.idx.msk [tilespmem:v48+s22+$0x0], $0xffff;
	v33 =	vadd.f32 v59, v33;
	v57 =	vmul.f32 v49, v11;
	v53 =	vmul.f32 v49, v7  }
0xf7: {  	v59 =	vmul.f32 v51, v5;
	v27 =	vcvt.s32.f32 v27;
	[tilespmem:s31+$0x5018] =	vst v36;
	v38 =	vadd.f32 v62, v47  }
0xf8: {  	[tilespmem:s31+$0x5818] =	vst v39;
	v50 =	vadd.f32 v57, v63;
	v35 =	vadd.f32 v53, v58;
	v60 =	vmul.f32 v43, v12  }
0xf9: {  	[tilespmem:s31+$0x6018] =	vst v37;
	v47 =	vadd.f32 v54, v59;
	v63 =	vmul.f32 v51, v6;
	v61 =	vmul.f32 v43, v9  }
0xfa: {  	[tilespmem:s31+$0x6818] =	vst v41;
	v53 =	vmul.f32 v40, v4;
	v57 =	vmul.f32 v34, v12;
	v50 =	vadd.f32 v60, v50  }
0xfb: {  	[tilespmem:s31+$0x7018] =	vst v42;
	v62 =	vmul.f32 v48, v10;
	v35 =	vadd.f32 v61, v35;
	v61 =	vadd.f32 v56, v63  }
0xfc: {  	[tilespmem:s31+$0x7818] =	vst v29;
	v63 =	vmul.f32 v51, v4;
	v38 =	vsub.f32 v38, v50;
	v50 =	vmul.f32 v46, v7  }
0xfd: {  	[tilespmem:s31+$0x8018] =	vst v28;
	v59 =	vmul.f32 v44, v5;
	v60 =	vadd.f32 v62, v47;
	v51 =	vmul.f32 v40, v6  }
0xfe: {  	[tilespmem:s31+$0x9018] =	vst v32;
	v54 =	vmul.f32 v48, v9;
	v62 =	vmul.f32 v48, v12;
	v36 =	vadd.f32 v50, v63  }
0xff: {  	[tilespmem:s31+$0xA018] =	vst v31;
	v56 =	vmul.f32 v45, v7;
	v35 =	vsub.f32 v35, v60;
	v41 =	vadd.f32 v52, v51  }
0x100: {  	[tilespmem:s31+$0x4028] =	vst v24;
	v39 =	vadd.f32 v62, v61;
	v60 =	vmul.f32 v49, v8;
	v58 =	vadd.f32 v54, v36  }
0x101: {  	[tilespmem:s31+$0x4828] =	vst v23;
	v29 =	vadd.f32 v56, v53;
	v61 =	vmul.f32 v34, v9;
	v62 =	vadd.f32 v57, v41  }
0x102: {  	[tilespmem:s31+$0x8818] =	vst v30;
	v40 =	vmul.f32 v43, v10;
	v63 =	vadd.f32 v60, v59;
	v41 =	vadd.f32 $1.000000000e+00, v58  }
0x103: {  	[tilespmem:s31+$0x9818] =	vst v33;
	v48 =	vnsel vm13, $0x42820000, v27;
	v29 =	vadd.f32 v61, v29;
	v28 =	vsub.f32 $1.000000000e+00, v58  }
0x104: {  	[tilespmem:s31+$0xE018] =	vst v48;
	v42 =	vadd.f32 v40, v63;
	v43 =	vsub.f32 v41, v62  }
0x105: {  	[tilespmem:s31+$0xA818] =	vst v38;
	v29 =	vsub.f32 v39, v29;
	v44 =	vadd.f32 v62, v28  }
0x106: {  	[tilespmem:s31+$0xB018] =	vst v35;
	v28 =	vsub.f32 v28, v62;
	v31 =	vsub.f32 v43, v42  }
0x107: {  	[tilespmem:s31+$0xB818] =	vst v29;
	v46 =	vadd.f32 v62, v41;
	v45 =	vsub.f32 v44, v42  }
0x108: {  	v28 =	vadd.f32 v42, v28;
	[tilespmem:s31+$0xC018] =	vst v31  }
0x109: {  	v47 =	vadd.f32 v42, v46;
	[tilespmem:s31+$0xC818] =	vst v45  }
0x10a: {  	v49 =	vadd.s32 $0x2, v24;
	[tilespmem:s31+$0xD018] =	vst v28  }
0x10b: {  	[tilespmem:s31+$0xD818] =	vst v47  }
0x10c: {  	(xrf0) =	vmax.scan.msk.f32 @p0 $0xffff, v25;
	v23 =	vld.idx.msk [tilespmem:v24+s19+$0x0], $0xffff  }
0x10d: {  	v50 =	vadd.s32 $0x1, v24;
	v25 =	vld.idx.msk [tilespmem:v24+s20+$0x0], $0xffff  }
0x10e: {  	v28 =	vld.idx.msk [tilespmem:v24+s21+$0x0], $0xffff  }
0x10f: {  	v29 =	vld.idx.msk [tilespmem:v49+s19+$0x0], $0xffff  }
0x110: {  	v30 =	vld.idx.msk [tilespmem:v49+s20+$0x0], $0xffff  }
0x111: {  	v26 =	vld.idx.msk [tilespmem:v49+s21+$0x0], $0xffff  }
0x112: {  	v32 =	vld.idx.msk [tilespmem:v50+s19+$0x0], $0xffff;
	v31, _, _ =	vpop @p0 (xrf0)  }
0x113: {  	v27 =	vld.idx.msk [tilespmem:v50+s21+$0x0], $0xffff;
	(v2sf) =	vpush @p0 v31, $0xF  }
0x114: {  	v51 =	vsub.f32 v21, v23;
	v52 =	vsub.f32 v22, v25  }
0x115: {  	v53 =	vsub.f32 v20, v28;
	v54 =	vsub.f32 v17, v29  }
0x116: {  	v48 =	vadd.s32 $0x1400, v24;
	v55 =	vsub.f32 v18, v30;
	v57 =	vsub.f32 v19, v26  }
0x117: {  	v36 =	vadd.s32 $0x400, v24;
	v58 =	vsub.f32 v21, v32;
	v61 =	vsub.f32 v21, v29  }
0x118: {  	v40 =	vadd.s32 $0x800, v24;
	v62 =	vsub.f32 v22, v30;
	v63 =	vsub.f32 v20, v27  }
0x119: {  	v39 =	vadd.s32 $0xC00, v24;
	v46 =	vsub.f32 v14, v23;
	v47 =	vsub.f32 v15, v25  }
0x11a: {  	v45 =	vadd.s32 $0x1000, v24;
	v31 =	vld.idx.msk [tilespmem:v50+s20+$0x0], $0xffff;
	v49 =	vsub.f32 v20, v26;
	v50 =	vsub.f32 v13, v28  }
0x11b: {  	v29 =	vsub.f32 v14, v29;
	v33 =	vmul.f32 v51, v51;
	v34 =	vmul.f32 v52, v52  }
0x11c: {  	v30 =	vsub.f32 v15, v30;
	v56 =	vmul.f32 v53, v53;
	v37 =	vmul.f32 v54, v54  }
0x11d: {  	v26 =	vsub.f32 v13, v26;
	v38 =	vmul.f32 v55, v55;
	v35 =	vmul.f32 v57, v57  }
0x11e: {  	v23 =	vsub.f32 v17, v23;
	v60 =	vmul.f32 v58, v58;
	v21 =	vmul.f32 v61, v61  }
0x11f: {  	v59 =	vsub.f32 v22, v31;
	v22 =	vmul.f32 v62, v62;
	v41 =	vmul.f32 v46, v46  }
0x120: {  	v25 =	vsub.f32 v18, v25;
	v42 =	vmul.f32 v47, v47;
	v20 =	vmul.f32 v49, v49  }
0x121: {  	v29 =	vmul.f32 v29, v29;
	v30 =	vmul.f32 v30, v30;
	v51 =	vadd.s32 $0x1800, v24  }
0x122: {  	v26 =	vmul.f32 v26, v26;
	v53 =	vadd.s32 $0x1C00, v24;
	v54 =	vadd.s32 $0x2000, v24  }
0x123: {  	v55 =	vsub.f32 v19, v28;
	v23 =	vmul.f32 v23, v23;
	v57 =	vsub.f32 v18, v31  }
0x124: {  	v25 =	vmul.f32 v25, v25;
	v58 =	vsub.f32 v19, v27;
	v61 =	vsub.f32 v27, v13  }
0x125: {  	v33 =	vadd.f32 v34, v33;
	v37 =	vadd.f32 v38, v37;
	v34 =	vmul.f32 v59, v59  }
0x126: {  	v21 =	vadd.f32 v22, v21;
	v41 =	vadd.f32 v42, v41;
	v22 =	vmul.f32 v50, v50  }
0x127: {  	v28 =	vld.idx.msk [tilespmem:v36+s22+$0x0], $0xffff;
	v52 =	vadd.f32 v30, v29;
	v59 =	vsub.f32 v32, v14;
	v18 =	vmul.f32 v57, v57  }
0x128: {  	v46 =	vld.idx.msk [tilespmem:v39+s22+$0x0], $0xffff;
	v23 =	vadd.f32 v25, v23;
	v19 =	vmul.f32 v58, v58;
	v44 =	vmul.f32 v61, v5  }
0x129: {  	v25 =	vld.idx.msk [tilespmem:v45+s22+$0x0], $0xffff;
	v45 =	vmul.f32 v61, v8;
	v33 =	vadd.f32 v56, v33;
	v35 =	vadd.f32 v35, v37  }
0x12a: {  	v13 =	vmul.f32 v61, v10;
	v34 =	vadd.f32 v34, v60;
	v20 =	vadd.f32 v20, v21  }
0x12b: {  	v37 =	vmul.f32 v63, v63;
	v21 =	vadd.f32 v22, v41;
	v22 =	vadd.f32 v26, v52  }
0x12c: {  	v56 =	vsub.f32 v17, v32;
	v26 =	vmul.f32 v55, v55;
	v62 =	vmul.f32 v59, v4  }
0x12d: {  	v60 =	vsub.f32 v31, v15;
	v31 =	vld.idx.msk [tilespmem:v40+s22+$0x0], $0xffff;
	v40 =	vmul.f32 v59, v7;
	v14 =	vmul.f32 v59, v9  }
0x12e: {  	v32 =	vld.idx.msk [tilespmem:v24+s22+$0x0], $0xffff;
	v47 =	vmul.f32 v28, v5;
	v61 =	vmul.f32 v46, v11  }
0x12f: {  	v29 =	vld.idx.msk [tilespmem:v53+s22+$0x0], $0xffff;
	v17 =	vmul.f32 v56, v56;
	v63 =	vmul.f32 v60, v6  }
0x130: {  	v27 =	vld.idx.msk [tilespmem:v54+s22+$0x0], $0xffff;
	v34 =	vadd.f32 v37, v34;
	v41 =	vmul.f32 v60, v11;
	v15 =	vmul.f32 v60, v12  }
0x131: {  	v37 =	vld.idx.msk [tilespmem:v48+s22+$0x0], $0xffff;
	v23 =	vadd.f32 v26, v23;
	v56 =	vmul.f32 v46, v8;
	v48 =	vmul.f32 v25, v8  }
0x132: {  	v49 =	vld.idx.msk [tilespmem:v51+s22+$0x0], $0xffff;
	v17 =	vadd.f32 v18, v17;
	v18 =	vadd.f32 v41, v40;
	v40 =	vmul.f32 v46, v7  }
0x133: {  	v43 =	vadd.f32 v63, v62;
	v51 =	vmul.f32 v31, v6;
	v53 =	vmul.f32 v31, v4  }
0x134: {  	v14 =	vadd.f32 v15, v14;
	v55 =	vmul.f32 v32, v5;
	v60 =	vmul.f32 v32, v6  }
0x135: {  	v39 =	vmul.f32 v32, v4;
	v17 =	vadd.f32 v19, v17;
	v50 =	vmul.f32 v29, v10  }
0x136: {  	v26 =	vadd.f32 v44, v43;
	v57 =	vmul.f32 v27, v12;
	v58 =	vmul.f32 v27, v9  }
0x137: {  	v18 =	vadd.f32 v45, v18;
	v59 =	vmul.f32 v49, v10;
	v63 =	vmul.f32 v49, v12  }
0x138: {  	v19 =	vadd.f32 v48, v47;
	v43 =	vmul.f32 v28, v6;
	v44 =	vmul.f32 v25, v11  }
0x139: {  	v42 =	vld.idx.msk [tilespmem:v24+s23+$0x0], $0xffff;
	v13 =	vadd.f32 v13, v14;
	v45 =	vmul.f32 v28, v4;
	v54 =	vmul.f32 v37, v7  }
0x13a: {  	[tilespmem:s31+$0x5028] =	vst v33;
	v47 =	vmul.f32 v25, v7;
	v62 =	vadd.f32 v61, v60;
	v15 =	vadd.f32 v50, v19  }
0x13b: {  	[tilespmem:s31+$0x5828] =	vst v35;
	v46 =	vmul.f32 v49, v9;
	v19 =	vadd.f32 v56, v55;
	v14 =	vadd.f32 v54, v53  }
0x13c: {  	[tilespmem:s31+$0x6828] =	vst v20;
	v52 =	vmul.f32 v37, v11;
	v6 =	vadd.f32 v44, v43;
	v4 =	vadd.f32 v47, v45  }
0x13d: {  	[tilespmem:s31+$0x7028] =	vst v21;
	v48 =	vmul.f32 v29, v12;
	v19 =	vadd.f32 v59, v19;
	v14 =	vadd.f32 v58, v14  }
0x13e: {  	[tilespmem:s31+$0x7828] =	vst v22;
	v50 =	vmul.f32 v31, v5;
	v30 =	vadd.f32 v52, v51;
	v41 =	vadd.f32 v63, v62  }
0x13f: {  	[tilespmem:s31+$0x6028] =	vst v34;
	v51 =	vmul.f32 v37, v8;
	v14 =	vsub.f32 v14, v19;
	v19 =	vadd.f32 v40, v39  }
0x140: {  	[tilespmem:s31+$0x8028] =	vst v23;
	v52 =	vmul.f32 v29, v9;
	v53 =	vmul.f32 v27, v10;
	v6 =	vadd.f32 v48, v6  }
0x141: {  	[tilespmem:s31+$0x8828] =	vst v17;
	v30 =	vadd.f32 v57, v30;
	v58 =	vsub.s32 v16, v24;
	v49 =	vadd.f32 v46, v19  }
0x142: {  	[tilespmem:s31+$0x9028] =	vst v26;
	v5 =	vadd.f32 v51, v50;
	v4 =	vadd.f32 v52, v4;
	vm14 =	vgt.s32 v58, $0x0  }
0x143: {  	[tilespmem:s31+$0x9828] =	vst v18;
	v15 =	vsub.f32 v15, v30;
	v60 =	vnsel vm14, $0x0, v58;
	v54 =	vadd.f32 $1.000000000e+00, v49  }
0x144: {  	[tilespmem:s31+$0xA028] =	vst v13;
	v5 =	vadd.f32 v53, v5;
	v61 =	vmin.u32 v60, $0x40;
	v55 =	vsub.f32 $1.000000000e+00, v49  }
0x145: {  	v4 =	vsub.f32 v41, v4;
	[tilespmem:s31+$0xA828] =	vst v15;
	v63 =	vcvt.s32.f32 v61;
	v56 =	vsub.f32 v54, v6  }
0x146: {  	s30 =	sadd.s32 $0x1, s30;
	vm15 =	veq.f32 v42, v3;
	[tilespmem:s31+$0xB028] =	vst v14;
	v57 =	vadd.f32 v6, v55  }
0x147: {  	p1 =	sne.s32 s30, $0x40;
	[tilespmem:s31+$0xB828] =	vst v4;
	v3 =	vnsel vm15, $0x42820000, v63;
	v7 =	vsub.f32 v55, v6;
	v8 =	vsub.f32 v56, v5  }
.Ltmp1:
0x148: {  	[tilespmem:s31+$0xE028] =	vst v3;
	v6 =	vadd.f32 v6, v54;
	v59 =	vsub.f32 v57, v5;
	(pc) =	sbr.rel @p1 .LBB2_3-.Ltmp1, $4  }
0x149: {  	v7 =	vadd.f32 v5, v7;
	[tilespmem:s31+$0xC028] =	vst v8  }
0x14a: {  	v62 =	vadd.f32 v5, v6;
	[tilespmem:s31+$0xC828] =	vst v59  }
0x14b: {  	[tilespmem:s31+$0xD028] =	vst v7  }
0x14c: {  	s0 =	spop @p0 (v2sf);
	[tilespmem:s31+$0xD828] =	vst v62  }
0x14d: {  	s0 =	sshll.u32 s29, $0x5  }
0x14e: {  	s0 =	sadd.s32 s15, s0  }
0x14f: {  	s1 =	sshrl.u32 s0, $0x3  }
0x150: {  	s8 =	simm.s32 $0x4018;
	s7 =	sadd.s32 s4, s1  }
0x151: {  	[hbm4b:s7+s2] =	stream.linear.scatter [tilespmem:s8], [sflag:$0x1], $0x800, $0x38;
	[tilespmem:$0xE818] =	vst v63  }
0x152: {  	_ =	swait.ge [sflag:s3], $0x800  }
0x153: {  	[sflag:s3] =	ssyncset.done $0x0  }
0x154: {  	s1 =	sadd.s32 s5, s1;
	s8 =	simm.s32 $0x4818;
	[sflag:s3] =	ssyncadd.s32 $0xFFFFF800  }
0x155: {  	[hbm4b:s1+s2] =	stream.linear.scatter [tilespmem:s8], [sflag:$0x1], $0x800, $0x38;
	[tilespmem:$0xE818] =	vst v63  }
0x156: {  	s9 =	sadd.s32 $0x40000, s0;
	_ =	swait.ge [sflag:s3], $0x800  }
0x157: {  	s1 =	sshrl.u32 s9, $0x3;
	[sflag:s3] =	ssyncset.done $0x0  }
0x158: {  	s10 =	simm.s32 $0x5018;
	s1 =	sadd.s32 s5, s1;
	[sflag:s3] =	ssyncadd.s32 $0xFFFFF800  }
0x159: {  	[hbm4b:s1+s2] =	stream.linear.scatter [tilespmem:s10], [sflag:$0x1], $0x800, $0x38;
	[tilespmem:$0xE818] =	vst v63  }
0x15a: {  	s11 =	sadd.s32 $0x80000, s0;
	_ =	swait.ge [sflag:s3], $0x800  }
0x15b: {  	s1 =	sshrl.u32 s11, $0x3;
	[sflag:s3] =	ssyncset.done $0x0  }
0x15c: {  	s29 =	simm.s32 $0x5818;
	s1 =	sadd.s32 s5, s1;
	[sflag:s3] =	ssyncadd.s32 $0xFFFFF800  }
0x15d: {  	[hbm4b:s1+s2] =	stream.linear.scatter [tilespmem:s29], [sflag:$0x1], $0x800, $0x38;
	[tilespmem:$0xE818] =	vst v63  }
0x15e: {  	s30 =	sadd.s32 $0xC0000, s0;
	_ =	swait.ge [sflag:s3], $0x800  }
0x15f: {  	s1 =	sshrl.u32 s30, $0x3;
	[sflag:s3] =	ssyncset.done $0x0  }
0x160: {  	s31 =	simm.s32 $0x6018;
	s1 =	sadd.s32 s5, s1;
	[sflag:s3] =	ssyncadd.s32 $0xFFFFF800  }
0x161: {  	[hbm4b:s1+s2] =	stream.linear.scatter [tilespmem:s31], [sflag:$0x1], $0x800, $0x38;
	[tilespmem:$0xE818] =	vst v63  }
0x162: {  	s7 =	sadd.s32 $0x100000, s0;
	_ =	swait.ge [sflag:s3], $0x800  }
0x163: {  	s1 =	sshrl.u32 s7, $0x3;
	[sflag:s3] =	ssyncset.done $0x0  }
0x164: {  	s8 =	simm.s32 $0x6818;
	s1 =	sadd.s32 s5, s1;
	[sflag:s3] =	ssyncadd.s32 $0xFFFFF800  }
0x165: {  	[hbm4b:s1+s2] =	stream.linear.scatter [tilespmem:s8], [sflag:$0x1], $0x800, $0x38;
	[tilespmem:$0xE818] =	vst v63  }
0x166: {  	s9 =	sadd.s32 $0x140000, s0;
	_ =	swait.ge [sflag:s3], $0x800  }
0x167: {  	s1 =	sshrl.u32 s9, $0x3;
	[sflag:s3] =	ssyncset.done $0x0  }
0x168: {  	s10 =	simm.s32 $0x7018;
	s1 =	sadd.s32 s5, s1;
	[sflag:s3] =	ssyncadd.s32 $0xFFFFF800  }
0x169: {  	[hbm4b:s1+s2] =	stream.linear.scatter [tilespmem:s10], [sflag:$0x1], $0x800, $0x38;
	[tilespmem:$0xE818] =	vst v63  }
0x16a: {  	s11 =	sadd.s32 $0x180000, s0;
	_ =	swait.ge [sflag:s3], $0x800  }
0x16b: {  	s1 =	sshrl.u32 s11, $0x3;
	[sflag:s3] =	ssyncset.done $0x0  }
0x16c: {  	s29 =	simm.s32 $0x7818;
	s1 =	sadd.s32 s5, s1;
	[sflag:s3] =	ssyncadd.s32 $0xFFFFF800  }
0x16d: {  	[hbm4b:s1+s2] =	stream.linear.scatter [tilespmem:s29], [sflag:$0x1], $0x800, $0x38;
	[tilespmem:$0xE818] =	vst v63  }
0x16e: {  	s30 =	sadd.s32 $0x1C0000, s0;
	_ =	swait.ge [sflag:s3], $0x800  }
0x16f: {  	s1 =	sshrl.u32 s30, $0x3;
	[sflag:s3] =	ssyncset.done $0x0  }
0x170: {  	s31 =	simm.s32 $0x8018;
	s1 =	sadd.s32 s5, s1;
	[sflag:s3] =	ssyncadd.s32 $0xFFFFF800  }
0x171: {  	[hbm4b:s1+s2] =	stream.linear.scatter [tilespmem:s31], [sflag:$0x1], $0x800, $0x38;
	[tilespmem:$0xE818] =	vst v63  }
0x172: {  	s7 =	sadd.s32 $0x200000, s0;
	_ =	swait.ge [sflag:s3], $0x800  }
0x173: {  	s1 =	sshrl.u32 s7, $0x3;
	[sflag:s3] =	ssyncset.done $0x0  }
0x174: {  	s8 =	simm.s32 $0x8818;
	s1 =	sadd.s32 s5, s1;
	[sflag:s3] =	ssyncadd.s32 $0xFFFFF800  }
0x175: {  	[hbm4b:s1+s2] =	stream.linear.scatter [tilespmem:s8], [sflag:$0x1], $0x800, $0x38;
	[tilespmem:$0xE818] =	vst v63  }
0x176: {  	s9 =	sadd.s32 $0x240000, s0;
	_ =	swait.ge [sflag:s3], $0x800  }
0x177: {  	s1 =	sshrl.u32 s9, $0x3;
	[sflag:s3] =	ssyncset.done $0x0  }
0x178: {  	s10 =	simm.s32 $0x9018;
	s1 =	sadd.s32 s5, s1;
	[sflag:s3] =	ssyncadd.s32 $0xFFFFF800  }
0x179: {  	[hbm4b:s1+s2] =	stream.linear.scatter [tilespmem:s10], [sflag:$0x1], $0x800, $0x38;
	[tilespmem:$0xE818] =	vst v63  }
0x17a: {  	s11 =	sadd.s32 $0x280000, s0;
	_ =	swait.ge [sflag:s3], $0x800  }
0x17b: {  	s1 =	sshrl.u32 s11, $0x3;
	[sflag:s3] =	ssyncset.done $0x0  }
0x17c: {  	s29 =	simm.s32 $0x9818;
	s1 =	sadd.s32 s5, s1;
	[sflag:s3] =	ssyncadd.s32 $0xFFFFF800  }
0x17d: {  	[hbm4b:s1+s2] =	stream.linear.scatter [tilespmem:s29], [sflag:$0x1], $0x800, $0x38;
	[tilespmem:$0xE818] =	vst v63  }
0x17e: {  	s30 =	sadd.s32 $0x2C0000, s0;
	_ =	swait.ge [sflag:s3], $0x800  }
0x17f: {  	s1 =	sshrl.u32 s30, $0x3;
	[sflag:s3] =	ssyncset.done $0x0  }
0x180: {  	s31 =	simm.s32 $0xA018;
	s1 =	sadd.s32 s5, s1;
	[sflag:s3] =	ssyncadd.s32 $0xFFFFF800  }
0x181: {  	[hbm4b:s1+s2] =	stream.linear.scatter [tilespmem:s31], [sflag:$0x1], $0x800, $0x38;
	[tilespmem:$0xE818] =	vst v63  }
0x182: {  	s7 =	sadd.s32 $0x300000, s0;
	_ =	swait.ge [sflag:s3], $0x800  }
0x183: {  	s1 =	sshrl.u32 s7, $0x3;
	[sflag:s3] =	ssyncset.done $0x0  }
0x184: {  	s8 =	simm.s32 $0xA818;
	s1 =	sadd.s32 s5, s1;
	[sflag:s3] =	ssyncadd.s32 $0xFFFFF800  }
0x185: {  	[hbm4b:s1+s2] =	stream.linear.scatter [tilespmem:s8], [sflag:$0x1], $0x800, $0x38;
	[tilespmem:$0xE818] =	vst v63  }
0x186: {  	s9 =	sadd.s32 $0x340000, s0;
	_ =	swait.ge [sflag:s3], $0x800  }
0x187: {  	s1 =	sshrl.u32 s9, $0x3;
	[sflag:s3] =	ssyncset.done $0x0  }
0x188: {  	s1 =	sadd.s32 s5, s1;
	[sflag:s3] =	ssyncadd.s32 $0xFFFFF800  }
0x189: {  	[hbm4b:s1+s2] =	stream.linear.scatter [tilespmem:s12], [sflag:$0x1], $0x800, $0x38;
	[tilespmem:$0xE818] =	vst v63  }
0x18a: {  	s10 =	sadd.s32 $0x380000, s0;
	_ =	swait.ge [sflag:s3], $0x800  }
0x18b: {  	s1 =	sshrl.u32 s10, $0x3;
	[sflag:s3] =	ssyncset.done $0x0  }
0x18c: {  	s1 =	sadd.s32 s5, s1;
	[sflag:s3] =	ssyncadd.s32 $0xFFFFF800  }
0x18d: {  	[hbm4b:s1+s2] =	stream.linear.scatter [tilespmem:s13], [sflag:$0x1], $0x800, $0x38;
	[tilespmem:$0xE818] =	vst v63  }
0x18e: {  	s11 =	sadd.s32 $0x3C0000, s0;
	_ =	swait.ge [sflag:s3], $0x800  }
0x18f: {  	s1 =	sshrl.u32 s11, $0x3;
	[sflag:s3] =	ssyncset.done $0x0  }
0x190: {  	s1 =	sadd.s32 s5, s1;
	[sflag:s3] =	ssyncadd.s32 $0xFFFFF800  }
0x191: {  	[hbm4b:s1+s2] =	stream.linear.scatter [tilespmem:s14], [sflag:$0x1], $0x800, $0x38;
	[tilespmem:$0xE818] =	vst v63  }
0x192: {  	s29 =	sadd.s32 $0x400000, s0;
	_ =	swait.ge [sflag:s3], $0x800  }
0x193: {  	s1 =	sshrl.u32 s29, $0x3;
	[sflag:s3] =	ssyncset.done $0x0  }
0x194: {  	s1 =	sadd.s32 s5, s1;
	[sflag:s3] =	ssyncadd.s32 $0xFFFFF800  }
0x195: {  	[hbm4b:s1+s2] =	stream.linear.scatter [tilespmem:s16], [sflag:$0x1], $0x800, $0x38;
	[tilespmem:$0xE818] =	vst v63  }
0x196: {  	s30 =	sadd.s32 $0x440000, s0;
	_ =	swait.ge [sflag:s3], $0x800  }
0x197: {  	s1 =	sshrl.u32 s30, $0x3;
	[sflag:s3] =	ssyncset.done $0x0  }
0x198: {  	s1 =	sadd.s32 s5, s1;
	[sflag:s3] =	ssyncadd.s32 $0xFFFFF800  }
0x199: {  	[hbm4b:s1+s2] =	stream.linear.scatter [tilespmem:s24], [sflag:$0x1], $0x800, $0x38;
	[tilespmem:$0xE818] =	vst v63  }
0x19a: {  	s31 =	sadd.s32 $0x480000, s0;
	_ =	swait.ge [sflag:s3], $0x800  }
0x19b: {  	s1 =	sshrl.u32 s31, $0x3;
	[sflag:s3] =	ssyncset.done $0x0  }
0x19c: {  	s1 =	sadd.s32 s5, s1;
	[sflag:s3] =	ssyncadd.s32 $0xFFFFF800  }
0x19d: {  	[hbm4b:s1+s2] =	stream.linear.scatter [tilespmem:s25], [sflag:$0x1], $0x800, $0x38;
	[tilespmem:$0xE818] =	vst v63  }
0x19e: {  	s28 =	sadd.s32 $0x1, s28;
	s0 =	sadd.s32 $0x4C0000, s0;
	_ =	swait.ge [sflag:s3], $0x800  }
0x19f: {  	p0 =	sne.s32 s28, $0x4;
	s0 =	sshrl.u32 s0, $0x3;
	[sflag:s3] =	ssyncset.done $0x0  }
.Ltmp2:
0x1a0: {  	s0 =	sadd.s32 s5, s0;
	[sflag:s3] =	ssyncadd.s32 $0xFFFFF800;
	(pc) =	sbr.rel @p0 .LBB2_2-.Ltmp2, $4  }
0x1a1: {  	[hbm4b:s0+s2] =	stream.linear.scatter [tilespmem:s26], [sflag:$0x1], $0x800, $0x38;
	[tilespmem:$0xE818] =	vst v63  }
0x1a2: {  	_ =	swait.ge [sflag:s3], $0x800  }
0x1a3: {  	[sflag:s3] =	ssyncset.done $0x0  }
0x1a4: {  	[sflag:s3] =	ssyncadd.s32 $0xFFFFF800  }
0x1a5: {  	s1 =	rddreg [dreg:$0xd]  }
0x1a6: {  	s0 =	rddreg [dreg:$0xc];
	s1 =	sadd.s32 $0x1, s1  }
0x1a7: {  	p0 =	sne.s32 s1, s0  }
.Ltmp3:
0x1a8: {  	_ = 	snop;
	(pc) =	sbr.rel @p0 .LBB2_1-.Ltmp3, $1  }
0x1a9: {  	_ =	sdelay $0x3  }
0x1aa: {  	_ =	sfence.sel $0x180000  }
0x1ab: {  	[bflag:$0x0] =	sbarrier.arrive $0xFFFF  }
0x1ac: {  	_ =	strace $0x90000047  }
0x1ad: {  	s0 =	stileid.u32;
	[bflag:$0x2] =	sbarrier.arrive $0xFFFF  }
0x1ae: {  	p0 =	sne.s32 s0, $0x0;
	s0 =	rddreg [dreg:$0x3]  }
0x1af: {  	s0 =	sadd.s32 @!p0 $0x100000, s0  }
0x1b0: {  	[sflag:s0] =	ssyncadd.tile.s32 @!p0 $0x1;
	_ =	shalt  }
.Lfunc_end2:
_tile_overlayer_lowered:
.L_overlay_start_2:
0x1b1: {  	(tag) =	ssettag $0x2  }
0x1b2: {  	s0 =	rddreg [dreg:$0x0];
	s2 =	stileid.u32  }
0x1b3: {  	s1 =	rddreg [dreg:$0x1];
	p0 =	sne.s32 s2, $0x0  }
0x1b4: {  	s3 =	rddreg [dreg:$0x2];
	[bflag:$0x3] =	sbarrier.arrive $0xFFFF;
	s2 =	simm.s32 @!p0 $0x1C01  }
0x1b5: {  	[timem:s3], [sflag:s2] =	dma.local @!p0 [hbm:s0], s1  }
0x1b6: {  	s0 =	simm.s32 @!p0 $0x1  }
0x1b7: {  	_ =	swait.ge @!p0 [sflag:s0], s1  }
0x1b8: {  	s1 =	ssub.s32 @!p0 $0x0, s1;
	[sflag:s0] =	ssyncset.done @!p0 $0x0  }
0x1b9: {  	[sflag:s0] =	ssyncadd.s32 @!p0 s1  }
0x1ba: {  	[bflag:$0x3] =	sbarrier.arrive $0xFFFF  }
0x1bb: {  	_ =	shalt  }

// kernel: sparse-core-data-format-call.cloned.1.call-start
scs
called_computation_lowered:
.L_overlay_start_0:
0x0: {  	s2 =	sld [smem:$0x3FD9]  }
0x1: {  	s3 =	sld [smem:$0x3FFE];
	_ =	sdelay $0x1  }
0x2: {  	s1 =	srdreg.scid  }
0x3: {  	s0 =	sand.u32 $0x1, s1  }
0x4: {  	s15 =	sshll.u32 s0, $0xA;
	s2 =	sadd.s32 s3, s2  }
0x5: {  	s2 =	sadd.s32 s2, s15  }
0x6: {  	[smem:$0x3FC1] =	sst s2  }
0x7: {  	_ = 	snop  }
0x8: {  	s2 =	sld [smem:$0x3FD0];
	_ =	sdelay $0x2  }
0x9: {  	s16 =	simm.s32 $0xA;
	s4 =	simm.s32 $0x10  }
0xa: {  	[smem:s4], [sflag:s16] =	dma.local [hbm:s2], $0x1  }
0xb: {  	_ =	swait.eq [sflag:s16], $0x1  }
0xc: {  	[sflag:s16] =	ssyncset.done $0x0  }
0xd: {  	[sflag:s16] =	ssyncadd.s32 $0xFFFFFFFF  }
0xe: {  	s17 =	sld [smem:$0x10];
	(tm) =	ssettm $0x1  }
0xf: {  	s18 =	sld [smem:$0x3FFB];
	_ =	sdelay $0x3  }
0x10: {  	_ =	strace s18  }
0x11: {  	s3 =	sld [smem:$0x3FFC];
	_ =	sdelay $0x3  }
0x12: {  	_ =	strace s3  }
0x13: {  	s3 =	sld [smem:$0x3FFD];
	_ =	sdelay $0x3  }
0x14: {  	_ =	strace s3  }
0x15: {  	_ =	strace $0x8FFFFFFF  }
0x16: {  	s19 =	sld [smem:$0x3FDB];
	_ =	sdelay $0x1  }
0x17: {  	s20 =	simm.s32 $_scs_section_size  }
0x18: {  	s5 =	simm.s32 $_size__tile_overlayer_lowered;
	s6 =	simm.s32 $_tile_overlayer_lowered  }
0x19: {  	s23 =	simm.s32 $0x1BFF;
	s22 =	sshll.u32 s6, $0x1;
	s3 =	sadd.s32 s20, s19  }
0x1a: {  	s7 =	simm.s32 $0x0;
	s21 =	sshll.u32 s5, $0x1;
	s5 =	sadd.s32 s22, s3  }
0x1b: {  	[timem:s7], [sflag:s23] =	dma.local [hbm:s5], s21  }
0x1c: {  	_ =	swait.ge [sflag:s23], s21  }
0x1d: {  	s4 =	ssub.s32 $0x0, s21;
	[sflag:s23] =	ssyncset.done $0x0  }
0x1e: {  	[sflag:s23] =	ssyncadd.s32 s4;
	_ =	sdelay $0x1  }
0x1f: {  	s24 =	simm.s32 $0x1B8B  }
0x20: {  	_ =	swait.ge [sflag:s24], $0x1  }
0x21: {  	[sflag:s24] =	ssyncset.done $0x0  }
0x22: {  	s26 =	simm.s32 $0x1B8E;
	s25 =	sld [smem:$0x3FFE];
	[sflag:s24] =	ssyncadd.s32 $0xFFFFFFFF  }
0x23: {  	s27 =	simm.s32 $execute0_lowered;
	[smem:$0x3FD2] =	sst s26  }
0x24: {  	s5 =	sshll.u32 s27, $0x1;
	_ =	strace $0x80000049;
	[dreg:$0x1] =	wrdreg $0xFFFFFFFF  }
0x25: {  	s28 =	simm.s32 $_size_execute0_lowered;
	s3 =	sadd.s32 s3, s5;
	[dreg:$0x0] =	wrdreg $0x0  }
0x26: {  	s5 =	sshll.u32 s28, $0x1;
	[dreg:$0x2] =	wrdreg s3  }
0x27: {  	[dreg:$0x3] =	wrdreg s5  }
0x28: {  	[dreg:$0x4] =	wrdreg $0xC0  }
0x29: {  	_ =	task [dreg:s7], $0x5FFFF  }
0x2a: {  	[dreg:$0x1] =	wrdreg $0xFFFFFFFF  }
0x2b: {  	[dreg:$0x0] =	wrdreg $0x60  }
0x2c: {  	[dreg:$0x2] =	wrdreg s25  }
0x2d: {  	[dreg:$0x3] =	wrdreg s17  }
0x2e: {  	[dreg:$0x4] =	wrdreg $0x9  }
0x2f: {  	_ =	task.clear_ibuf [dreg:s7], $0x5FFFF;
	_ =	strace $0x90000049  }
0x30: {  	s29 =	simm.s32 $0x9;
	_ =	strace $0x8000004B  }
0x31: {  	_ =	swait.ge [sflag:s29], $0x1  }
0x32: {  	[sflag:s29] =	ssyncadd.s32 $0xFFFFFFFF  }
0x33: {  	_ =	strace $0x9000004B  }
0x34: {  	_ =	sfence  }
0x35: {  	s30 =	sld [smem:$0x0];
	_ =	sdelay $0x2  }
0x36: {  	s31 =	sshll.u32 s1, $0xD;
	s1 =	sshrl.u32 s1, $0x2  }
0x37: {  	s3 =	sand.u32 $0x4000, s31;
	s1 =	sadd.s32 s1, s30  }
0x38: {  	s0 =	sor.u32 s3, s0;
	s1 =	sshll.u32 s1, $0x11  }
0x39: {  	s0 =	sor.u32 s1, s0  }
0x3a: {  	s0 =	sadd.s32 $0x8F2B, s0  }
0x3b: {  	[sflag:s0] =	ssyncadd.remote.s32 $0x1  }
0x3c: {  	_ =	sfence.sel $0xFFFF  }
0x3d: {  	[dreg:$0x0] =	wrdreg $0xFFFFFFFF;
	(pc) =	sbr.abs _section_cstart, $3  }
0x3e: {  	[dreg:$0x1] =	wrdreg $0xFFFFFFFF  }
0x3f: {  	_ =	task.clear_ibuf [dreg:s7], $0x2FFFF;
	_ =	strace $0x9FFFFFFF  }
0x40: {  	(tm) =	ssettm $0x7FFFFFFF  }
0x41: {  	_ =	shalt  }
tec
execute0_lowered:
.L_overlay_start_1:
0x0: {  	(tag) =	ssettag $0x1  }
0x1: {  	s0 =	stileid.u32;
	s1 =	srdreg.scid  }
0x2: {  	s5 =	rddreg [dreg:$0x0];
	s2 =	sshll.u32 s0, $0x3;
	s1 =	sshll.u32 s1, $0x7  }
0x3: {  	s3 =	rddreg [dreg:$0x1];
	s6 =	simm.s32 $0x1;
	s1 =	sor.u32 s2, s1  }
0x4: {  	s8 =	simm.s32 $0x2;
	s15 =	simm.s32 $0x0;
	s2 =	sand.u32 $0xC0, s1  }
0x5: {  	s9 =	simm.s32 $0x2000;
	s10 =	simm.s32 $0x20000;
	s4 =	ssub.s32 $0x400, s2  }
0x6: {  	s16 =	simm.s32 $0x0;
	s17 =	simm.s32 $0x0;
	s31 =	sand.u32 $0xC0, s4  }
0x7: {  	s11 =	simm.s32 $0x0;
	s7 =	sand.u32 $0x7, s0;
	p0 =	sne.s32 s31, $0x0  }
.Ltmp0:
0x8: {  	s4 =	sshrl.u32 s4, $0x8;
	s6 =	simm.s32 @!p0 $0x0;
	(pc) =	sbr.rel .LBB1_1-.Ltmp0, $4  }
0x9: {  	s1 =	rddreg [dreg:$0x2];
	_ =	strace $0x8000004A;
	s6 =	sadd.s32 s6, s4  }
0xa: {  	s4 =	sadd.s32 $0xABE00, s5;
	s5 =	simm.s32 $0x1;
	s6 =	smul.u32 $0xF, s6  }
0xb: {  	s14 =	simm.s32 $0x0;
	s13 =	smov.u32 s7;
	[sflag:s5] =	ssyncpa.u1 $0x0  }
0xc: {  	s12 =	smov.u32 s2;
	[sflag:s8] =	ssyncpa.u1 $0x0;
	s8 =	sadd.s32 $0x1, s6  }
.LBB1_7:
0xd: {  	s18 =	sadd.s32 $0x2, s11  }
0xe: {  	s15 =	sadd.s32 $0x100, s12;
	s19 =	smov.u32 s12;
	p1 =	sgt.s32 s18, $0x1D  }
0xf: {  	s19 =	smov.u32 @p1 s15  }
0x10: {  	s21 =	smov.u32 s13;
	s15 =	sadd.s32 $0x8, s13;
	p2 =	sgt.s32 s19, $0x3FF  }
0x11: {  	s21 =	smov.u32 @p2 s15  }
0x12: {  	s18 =	simm.s32 @p1 $0x0;
	p1 =	sgt.s32 s21, $0x7  }
0x13: {  	p0 =	slt.u32 s14, $0x2;
	s21 =	smov.u32 @p1 s7;
	p1 =	sne.s32 s14, s8  }
.Ltmp1:
0x14: {  	s20 =	simm.s32 @!p0 $0x2;
	(pc) =	sbr.rel @!p1 .LBB1_8-.Ltmp1, $4  }
0x15: {  	s16 =	smov.u32 s12;
	_ =	swait.ge @!p0 [sflag:s20], $0x4000  }
0x16: {  	s17 =	smov.u32 s13;
	[sflag:s20] =	ssyncset.done @!p0 $0x0;
	s19 =	smov.u32 @p2 s2  }
0x17: {  	s15 =	smov.u32 s11;
	[sflag:s20] =	ssyncadd.s32 @!p0 $0xFFFFC000;
	s11 =	smov.u32 s18  }
0x18: {  	s12 =	smov.u32 s19;
	s14 =	sadd.s32 $0x1, s14;
	s13 =	smov.u32 s21  }
.LBB1_1:
0x19: {  	p0 =	sge.u32 s14, s6;
	s31 =	sadd.s32 $0xFFFFFFFF, s14  }
0x1a: {  	s18 =	sxor.u32 @!p0 $0xFFFFFFFF, s14;
	s19 =	sshll.u32 @!p0 s13, $0x13;
	s20 =	sshll.u32 @!p0 s12, $0x9  }
0x1b: {  	s21 =	sshll.u32 @!p0 s11, $0x4;
	s18 =	sshll.u32 @!p0 s18, $0xE;
	s19 =	sadd.s32 @!p0 s4, s19  }
0x1c: {  	s21 =	sand.u32 @!p0 $0x1F0, s21;
	s18 =	sand.u32 @!p0 $0x4000, s18;
	s19 =	sadd.s32 @!p0 s20, s19  }
0x1d: {  	s20 =	simm.s32 @!p0 $0x100;
	s19 =	sadd.s32 @!p0 s21, s19;
	s21 =	simm.s32 @!p0 $0x1000  }
0x1e: {  	[tilespmem:s18], [sflag:$0x1] =	stream.strided.gather @!p0 [hbm4b:s19+s20], $0x4000, s21, s20, $0x38;
	[tilespmem:$0x10000] =	vst v63  }
0x1f: {  	p0 =	sge.u32 s31, s6  }
.Ltmp2:
0x20: {  	_ = 	snop;
	(pc) =	sbr.rel @p0 .LBB1_7-.Ltmp2, $1  }
0x21: {  	_ =	sdelay $0x3  }
0x22: {  	_ =	swait.ge [sflag:s5], $0x4000;
	s18 =	sshll.u32 s14, $0xE  }
0x23: {  	[sflag:s5] =	ssyncset.done $0x0;
	s19 =	sand.u32 $0x4000, s18  }
0x24: {  	s20 =	simm.s32 $0x0;
	[sflag:s5] =	ssyncadd.s32 $0xFFFFC000;
	s18 =	sor.u32 $0x8000, s19  }
.LBB1_3:
0x25: {  	s21 =	sshll.u32 s20, $0x8  }
0x26: {  	s21 =	sand.u32 $0x3FFFFF00, s21  }
0x27: {  	s22 =	sshll.u32 s20, $0x7;
	s21 =	sadd.s32 s21, s19  }
0x28: {  	s22 =	sand.u32 $0x3FFFFF80, s22;
	v0 =	vmov s21  }
0x29: {  	s22 =	sadd.s32 s22, s18  }
0x2a: {  	p0 =	por $0x1, $0x1;
	v1 =	vmov s22;
	s21 =	simm.s32 $0x0  }
.LBB1_4:
0x2b: {  	s22 =	sshll.u32 s21, $0x7  }
0x2c: {  	s22 =	sand.u32 $0x3FFFFF80, s22  }
0x2d: {  	v2 =	vld.idx.msk [tilespmem:v0+s22+$0x0 ss:$0x1], $0xffff  }
0x2e: {  	v3 =	vld.idx.msk [tilespmem:v0+s22+$0x10 ss:$0x1], $0xffff  }
0x2f: {  	v4 =	vld.idx.msk [tilespmem:v0+s22+$0x20 ss:$0x1], $0xffff  }
0x30: {  	s31 =	sshll.u32 s21, $0xD;
	v5 =	vld.idx.msk [tilespmem:v0+s22+$0x30 ss:$0x1], $0xffff  }
0x31: {  	s21 =	sand.u32 $0x3FFFE000, s31;
	v6 =	vld.idx.msk [tilespmem:v0+s22+$0x40 ss:$0x1], $0xffff  }
0x32: {  	v63 =	vld.idx.msk [tilespmem:v0+s22+$0x70 ss:$0x1], $0xffff;
	[tilespmem:v1+s21+$0x0 ss:$0x1] =	vst.idx.msk $0xffff, v2  }
0x33: {  	v2 =	vld.idx.msk [tilespmem:v0+s22+$0x50 ss:$0x1], $0xffff;
	[tilespmem:v1+s21+$0x10 ss:$0x1] =	vst.idx.msk $0xffff, v3  }
0x34: {  	p1 =	por p0, p0;
	v3 =	vld.idx.msk [tilespmem:v0+s22+$0x60 ss:$0x1], $0xffff;
	[tilespmem:v1+s21+$0x20 ss:$0x1] =	vst.idx.msk $0xffff, v4  }
.Ltmp3:
0x35: {  	[tilespmem:v1+s21+$0x30 ss:$0x1] =	vst.idx.msk $0xffff, v5;
	(pc) =	sbr.rel @p1 .LBB1_4-.Ltmp3, $4  }
0x36: {  	[tilespmem:v1+s21+$0x40 ss:$0x1] =	vst.idx.msk $0xffff, v6  }
0x37: {  	[tilespmem:v1+s21+$0x70 ss:$0x1] =	vst.idx.msk $0xffff, v63  }
0x38: {  	[tilespmem:v1+s21+$0x50 ss:$0x1] =	vst.idx.msk $0xffff, v2  }
0x39: {  	p0 =	por $0x0, $0x0;
	[tilespmem:v1+s21+$0x60 ss:$0x1] =	vst.idx.msk $0xffff, v3;
	s21 =	simm.s32 $0x1  }
0x3a: {  	s20 =	sadd.s32 $0x1, s20  }
0x3b: {  	p0 =	sne.s32 s20, $0x40  }
.Ltmp4:
0x3c: {  	_ = 	snop;
	(pc) =	sbr.rel @p0 .LBB1_3-.Ltmp4, $1  }
0x3d: {  	_ =	sdelay $0x3  }
0x3e: {  	s17 =	smul.u32 $0x78000, s17  }
.Ltmp5:
0x3f: {  	_ = 	snop;
	(pc) =	sbr.rel .LBB1_7-.Ltmp5, $4  }
0x40: {  	s15 =	sshll.u32 s15, $0xE;
	s16 =	sshll.u32 s16, $0x4;
	s17 =	sadd.s32 s3, s17  }
0x41: {  	s16 =	sand.u32 $0x3FF0, s16;
	s15 =	sadd.s32 s15, s17  }
0x42: {  	s15 =	sadd.s32 s16, s15  }
0x43: {  	[hbm4b:s15+s9] =	stream.strided.scatter [tilespmem:s18], [sflag:$0x2], $0x4000, s10, s9, $0x38;
	[tilespmem:$0x10000] =	vst v63  }
.LBB1_8:
0x44: {  	_ =	sfence.sel $0x180000  }
0x45: {  	s2 =	simm.s32 $0x1;
	[bflag:$0x0] =	sbarrier.arrive $0xFFFF  }
0x46: {  	s31 =	simm.s32 $0x2;
	[sflag:s2] =	ssyncpa.u1 $0x1  }
0x47: {  	[sflag:s31] =	ssyncpa.u1 $0x1  }
0x48: {  	p0 =	sne.s32 s0, $0x0;
	_ =	strace $0x9000004A  }
0x49: {  	s0 =	sadd.s32 @!p0 $0x100000, s1;
	[bflag:$0x2] =	sbarrier.arrive $0xFFFF  }
0x4a: {  	[sflag:s0] =	ssyncadd.tile.s32 @!p0 $0x1;
	_ =	shalt  }
.Lfunc_end1:
_tile_overlayer_lowered:
.L_overlay_start_2:
0x4b: {  	(tag) =	ssettag $0x2  }
0x4c: {  	s0 =	rddreg [dreg:$0x0];
	s2 =	stileid.u32  }
0x4d: {  	s1 =	rddreg [dreg:$0x1];
	p0 =	sne.s32 s2, $0x0  }
0x4e: {  	s3 =	rddreg [dreg:$0x2];
	[bflag:$0x3] =	sbarrier.arrive $0xFFFF;
	s2 =	simm.s32 @!p0 $0x1C01  }
0x4f: {  	[timem:s3], [sflag:s2] =	dma.local @!p0 [hbm:s0], s1  }
0x50: {  	s0 =	simm.s32 @!p0 $0x1  }
0x51: {  	_ =	swait.ge @!p0 [sflag:s0], s1  }
0x52: {  	s1 =	ssub.s32 @!p0 $0x0, s1;
	[sflag:s0] =	ssyncset.done @!p0 $0x0  }
0x53: {  	[sflag:s0] =	ssyncadd.s32 @!p0 s1  }
0x54: {  	[bflag:$0x3] =	sbarrier.arrive $0xFFFF  }
0x55: {  	_ =	shalt  }

</sc_bundles>
